<compile_context>
chip_gen: v7x
topology: tpu7x:2x2x1
jax: 0.10.2.dev20260603
libtpu: 0.0.44.dev20260713+nightly
codegen_flags: <defaults>
</compile_context>

<pallas_src>
import functools

import jax
import jax.numpy as jnp
from jax import lax
from jax.experimental import pallas as pl
from jax.experimental.pallas import tpu as pltpu
from jax.experimental.pallas import tpu_sc as plsc

_N = 10000
_E = 320000
_FIN = 128
_HID = 256
_NCLS = 64

_NC = 2
_NS = 16
_BLK = 125
_EPT = _E // _NS
_NBLK = _EPT // _BLK
_RPT = _N // _NS
_ZR = 125
_DEGW = 16
_NRING = 5
_LOOK = 3
_DWIN = 16

_mesh = plsc.VectorSubcoreMesh(
    core_axis_name="c", subcore_axis_name="s", num_cores=_NC, num_subcores=_NS
)
_mesh1 = plsc.VectorSubcoreMesh(
    core_axis_name="c", subcore_axis_name="s", num_cores=1, num_subcores=_NS
)
_sc_params = pltpu.CompilerParams(use_tc_tiling_on_sc=False)


def _deg_body(dst_hbm, degp_hbm, dstv, onesv, zv, ssem, acc_sh):
  s = lax.axis_index("s")

  def _init(i, carry):
    onesv[i, :] = jnp.ones((_DEGW,), jnp.float32)
    zv[i, :] = jnp.zeros((_DEGW,), jnp.float32)
    return carry

  lax.fori_loop(0, _ZR, _init, 0)
  for r in range(_RPT // _ZR):
    pltpu.sync_copy(zv, acc_sh.at[pl.ds(s * _RPT + r * _ZR, _ZR)])
  pltpu.sync_copy(dst_hbm.at[s], dstv)
  plsc.subcore_barrier()

  def _step(j, carry):
    @pl.when(j >= _DWIN)
    def _():
      pltpu.make_async_copy(onesv, acc_sh.at[dstv.at[j]], ssem).wait()

    pltpu.async_copy(onesv, acc_sh.at[dstv.at[j]], ssem, add=True)
    return carry

  lax.fori_loop(0, _NBLK, _step, 0)

  def _drain(j, carry):
    pltpu.make_async_copy(onesv, acc_sh.at[dstv.at[j]], ssem).wait()
    return carry

  lax.fori_loop(0, _DWIN, _drain, 0)
  plsc.subcore_barrier()
  pltpu.sync_copy(acc_sh.at[pl.ds(s * _RPT, _RPT)],
                  degp_hbm.at[pl.ds(s * _RPT, _RPT)])


_deg_kernel = functools.partial(
    pl.kernel,
    out_type=jax.ShapeDtypeStruct((_N, _DEGW), jnp.float32),
    mesh=_mesh1,
    compiler_params=_sc_params,
    scratch_types=[
        pltpu.VMEM((_NBLK, _BLK), jnp.int32),
        pltpu.VMEM((_BLK, _DEGW), jnp.float32),
        pltpu.VMEM((_ZR, _DEGW), jnp.float32),
        pltpu.SemaphoreType.DMA,
        pltpu.VMEM_SHARED((_N, _DEGW), jnp.float32),
    ],
)(_deg_body)


def _make_agg(fh, nring, look):
  def _agg_body(tab_hbm, src_hbm, dst_hbm, aggp_hbm, srcv, dstv, rows, zv,
                *rest):
    srest = list(rest)
    gsems = tuple(srest[:nring])
    ssems = tuple(srest[nring:2 * nring])
    acc_sh = srest[2 * nring]
    c = lax.axis_index("c")
    s = lax.axis_index("s")

    def _zinit(i, carry):
      for f in range(fh // 16):
        zv[i, pl.ds(f * 16, 16)] = jnp.zeros((16,), jnp.float32)
      return carry

    lax.fori_loop(0, _ZR, _zinit, 0)
    for r in range(_RPT // _ZR):
      pltpu.sync_copy(zv, acc_sh.at[pl.ds(s * _RPT + r * _ZR, _ZR)])
    pltpu.sync_copy(src_hbm.at[s], srcv)
    pltpu.sync_copy(dst_hbm.at[s], dstv)
    plsc.subcore_barrier()

    sub_tab = tab_hbm.at[c]
    for b in range(look):
      pltpu.async_copy(sub_tab.at[srcv.at[b]], rows.at[b], gsems[b])

    def _outer(j4, carry):
      for b in range(nring):
        j = j4 * nring + b
        pltpu.make_async_copy(sub_tab.at[srcv.at[j]], rows.at[b],
                              gsems[b]).wait()
        pltpu.async_copy(rows.at[b], acc_sh.at[dstv.at[j]], ssems[b],
                         add=True)
        jn = j + look
        bn = (b + look) % nring

        @pl.when(jn < _NBLK)
        def _():
          @pl.when(jn >= nring)
          def _():
            pltpu.make_async_copy(rows.at[bn], acc_sh.at[dstv.at[jn]],
                                  ssems[bn]).wait()

          pltpu.async_copy(sub_tab.at[srcv.at[jn]], rows.at[bn],
                           gsems[bn])
      return carry

    lax.fori_loop(0, _NBLK // nring, _outer, 0)
    for b in range(nring):
      pltpu.make_async_copy(rows.at[b], acc_sh.at[dstv.at[0]],
                            ssems[b]).wait()
    plsc.subcore_barrier()
    pltpu.sync_copy(acc_sh.at[pl.ds(s * _RPT, _RPT)],
                    aggp_hbm.at[pl.ds(s * _RPT, _RPT), pl.ds(c * fh, fh)])

  return functools.partial(
      pl.kernel,
      out_type=jax.ShapeDtypeStruct((_N, 128), jnp.float32),
      mesh=_mesh,
      compiler_params=_sc_params,
      scratch_types=[
          pltpu.VMEM((_NBLK, _BLK), jnp.int32),
          pltpu.VMEM((_NBLK, _BLK), jnp.int32),
          pltpu.VMEM((nring, _BLK, fh), jnp.float32),
          pltpu.VMEM((_ZR, fh), jnp.float32),
      ] + [pltpu.SemaphoreType.DMA] * (2 * nring) + [
          pltpu.VMEM_SHARED((_N, fh), jnp.float32),
      ],
  )(_agg_body)


_agg1 = _make_agg(_FIN // 2, 5, 3)
_agg2 = _make_agg(_NCLS // 2, 10, 5)


_BN = 1000
_GN = _N // _BN
_FH1 = _FIN // 2
_FH2 = _NCLS // 2


def _dinv_from(degp_ref):
  deg = jnp.sum(degp_ref[...], axis=1) * (1.0 / _DEGW) + 1.0
  return lax.rsqrt(deg)[:, None]


def _prep_body(degp_ref, x_ref, xs2_ref):
  xs = x_ref[...] * _dinv_from(degp_ref)
  xs2_ref[0] = xs[:, :_FH1]
  xs2_ref[1] = xs[:, _FH1:]


_prep = pl.pallas_call(
    _prep_body,
    grid=(_GN,),
    in_specs=[
        pl.BlockSpec((_BN, _DEGW), lambda i: (i, 0)),
        pl.BlockSpec((_BN, _FIN), lambda i: (i, 0)),
    ],
    out_specs=pl.BlockSpec((_NC, _BN, _FH1), lambda i: (0, i, 0)),
    out_shape=jax.ShapeDtypeStruct((_NC, _N, _FH1), jnp.float32),
)


def _mid_body(degp_ref, aggp_ref, x_ref, w1_ref, b1_ref, w2_ref, z_ref,
              zs2_ref):
  dinv = _dinv_from(degp_ref)
  d2 = dinv * dinv
  ab = aggp_ref[...]
  y1a = dinv * ab[:, :_FH1] + d2 * x_ref[:, :_FH1]
  y1b = dinv * ab[:, _FH1:] + d2 * x_ref[:, _FH1:]
  h = (jnp.dot(y1a, w1_ref[:_FH1, :], preferred_element_type=jnp.float32)
       + jnp.dot(y1b, w1_ref[_FH1:, :], preferred_element_type=jnp.float32))
  h = jnp.maximum(h + b1_ref[...], 0.0)
  z = jnp.dot(h, w2_ref[...], preferred_element_type=jnp.float32)
  z_ref[...] = z
  zs = dinv * z
  zs2_ref[0] = zs[:, :_FH2]
  zs2_ref[1] = zs[:, _FH2:]


_mid = pl.pallas_call(
    _mid_body,
    grid=(_GN,),
    in_specs=[
        pl.BlockSpec((_BN, _DEGW), lambda i: (i, 0)),
        pl.BlockSpec((_BN, _FIN), lambda i: (i, 0)),
        pl.BlockSpec((_BN, _FIN), lambda i: (i, 0)),
        pl.BlockSpec((_FIN, _HID), lambda i: (0, 0)),
        pl.BlockSpec((1, _HID), lambda i: (0, 0)),
        pl.BlockSpec((_HID, _NCLS), lambda i: (0, 0)),
    ],
    out_specs=[
        pl.BlockSpec((_BN, _NCLS), lambda i: (i, 0)),
        pl.BlockSpec((_NC, _BN, _FH2), lambda i: (0, i, 0)),
    ],
    out_shape=[
        jax.ShapeDtypeStruct((_N, _NCLS), jnp.float32),
        jax.ShapeDtypeStruct((_NC, _N, _FH2), jnp.float32),
    ],
)


def _final_body(degp_ref, aggp_ref, z_ref, b2_ref, o_ref):
  dinv = _dinv_from(degp_ref)
  agg = aggp_ref[:, :_NCLS]
  y2 = dinv * agg + (dinv * dinv) * z_ref[...] + b2_ref[...]
  m = jnp.max(y2, axis=1, keepdims=True)
  lse = jnp.log(jnp.sum(jnp.exp(y2 - m), axis=1, keepdims=True)) + m
  o_ref[...] = y2 - lse


_final = pl.pallas_call(
    _final_body,
    grid=(_GN,),
    in_specs=[
        pl.BlockSpec((_BN, _DEGW), lambda i: (i, 0)),
        pl.BlockSpec((_BN, _FIN), lambda i: (i, 0)),
        pl.BlockSpec((_BN, _NCLS), lambda i: (i, 0)),
        pl.BlockSpec((1, _NCLS), lambda i: (0, 0)),
    ],
    out_specs=pl.BlockSpec((_BN, _NCLS), lambda i: (i, 0)),
    out_shape=jax.ShapeDtypeStruct((_N, _NCLS), jnp.float32),
)


def kernel(x, edge_index, W1, b1, W2, b2):
  ei = edge_index.astype(jnp.int32)
  src_a = ei[0].reshape(_NS, _NBLK, _BLK)
  dst_a = ei[1].reshape(_NS, _NBLK, _BLK)

  degp = _deg_kernel(dst_a)
  xs = _prep(degp, x)
  aggp1 = _agg1(xs, src_a, dst_a)
  z, zs = _mid(degp, aggp1, x, W1, b1.reshape(1, _HID), W2)
  aggp2 = _agg2(zs, src_a, dst_a)
  return _final(degp, aggp2, z, b2.reshape(1, _NCLS))

# --- scband reference (transcript-rebuilt; emitter-appended) ---
"""Pipeline reference for scband-gnn-12506944766058 (READ-ONLY COPY).

The authoritative reference and input builder live on the scoring server;
editing this copy changes nothing except your own understanding.
"""

import jax, jax.numpy as jnp
import numpy as np

N_NODES = 10000
N_EDGES = 320000
F_IN = 128
HIDDEN = 256
N_CLASSES = 64


def setup_inputs(seed: int = 0) -> dict:
    key = jax.random.key(seed)
    k_x, k_ei, k_w1, k_b1, k_w2, k_b2 = jax.random.split(key, 6)
    x = jax.random.normal(k_x, (N_NODES, F_IN), dtype=jnp.float32)
    edge_index = jax.random.randint(k_ei, (2, N_EDGES), 0, N_NODES, dtype=jnp.int64)
    W1 = jax.random.normal(k_w1, (F_IN, HIDDEN), dtype=jnp.float32) * (1.0 / np.sqrt(F_IN))
    b1 = jnp.zeros((HIDDEN,), dtype=jnp.float32)
    W2 = jax.random.normal(k_w2, (HIDDEN, N_CLASSES), dtype=jnp.float32) * (1.0 / np.sqrt(HIDDEN))
    b2 = jnp.zeros((N_CLASSES,), dtype=jnp.float32)
    return {"x": x, "edge_index": edge_index, "W1": W1, "b1": b1, "W2": W2, "b2": b2}


def _gcn_conv(x, edge_index, W, b, num_nodes):
    # GCNConv: out = D^{-1/2} (A + I) D^{-1/2} X W + b  (symmetric normalization, self-loops added)
    xw = x @ W
    src = edge_index[0]
    dst = edge_index[1]
    loop = jnp.arange(num_nodes, dtype=src.dtype)
    src = jnp.concatenate([src, loop])
    dst = jnp.concatenate([dst, loop])
    ones = jnp.ones(src.shape[0], dtype=xw.dtype)
    deg = jax.ops.segment_sum(ones, dst, num_segments=num_nodes)
    deg_inv_sqrt = jnp.where(deg > 0, jax.lax.rsqrt(jnp.maximum(deg, 1e-12)), 0.0)
    norm = deg_inv_sqrt[src] * deg_inv_sqrt[dst]
    msg = xw[src] * norm[:, None]
    out = jax.ops.segment_sum(msg, dst, num_segments=num_nodes)
    return out + b


def reference(x, edge_index, W1, b1, W2, b2):
    h = _gcn_conv(x, edge_index, W1, b1, N_NODES)
    h = jax.nn.relu(h)
    # dropout p=0.5 is identity in eval mode (self.training=False)
    h = _gcn_conv(h, edge_index, W2, b2, N_NODES)
    return jax.nn.log_softmax(h, axis=1)

if __name__ == "__main__":
    import jax
    _d = setup_inputs()
    print(jax.jit(kernel)(*tuple(_d.values())))

</pallas_src>

<mosaic_0001>
#map = affine_map<(d0, d1) -> (0, 0, 0)>
#map1 = affine_map<(d0, d1) -> (0, 0)>
module attributes {stable_mosaic.version = 14 : i64} {
  func.func @_agg_body(%arg0: i32, %arg1: i32, %arg2: memref<2x10000x32xf32, #tpu.memory_space<hbm>>, %arg3: memref<16x160x125xi32, #tpu.memory_space<hbm>>, %arg4: memref<16x160x125xi32, #tpu.memory_space<hbm>>, %arg5: memref<10000x128xf32, #tpu.memory_space<hbm>>, %arg6: memref<160x125xi32, #tpu.memory_space<vmem>>, %arg7: memref<160x125xi32, #tpu.memory_space<vmem>>, %arg8: memref<10x125x32xf32, #tpu.memory_space<vmem>>, %arg9: memref<125x32xf32, #tpu.memory_space<vmem>>, %arg10: memref<!tpu.dma_semaphore, #tpu.memory_space<semaphore_mem>>, %arg11: memref<!tpu.dma_semaphore, #tpu.memory_space<semaphore_mem>>, %arg12: memref<!tpu.dma_semaphore, #tpu.memory_space<semaphore_mem>>, %arg13: memref<!tpu.dma_semaphore, #tpu.memory_space<semaphore_mem>>, %arg14: memref<!tpu.dma_semaphore, #tpu.memory_space<semaphore_mem>>, %arg15: memref<!tpu.dma_semaphore, #tpu.memory_space<semaphore_mem>>, %arg16: memref<!tpu.dma_semaphore, #tpu.memory_space<semaphore_mem>>, %arg17: memref<!tpu.dma_semaphore, #tpu.memory_space<semaphore_mem>>, %arg18: memref<!tpu.dma_semaphore, #tpu.memory_space<semaphore_mem>>, %arg19: memref<!tpu.dma_semaphore, #tpu.memory_space<semaphore_mem>>, %arg20: memref<!tpu.dma_semaphore, #tpu.memory_space<semaphore_mem>>, %arg21: memref<!tpu.dma_semaphore, #tpu.memory_space<semaphore_mem>>, %arg22: memref<!tpu.dma_semaphore, #tpu.memory_space<semaphore_mem>>, %arg23: memref<!tpu.dma_semaphore, #tpu.memory_space<semaphore_mem>>, %arg24: memref<!tpu.dma_semaphore, #tpu.memory_space<semaphore_mem>>, %arg25: memref<!tpu.dma_semaphore, #tpu.memory_space<semaphore_mem>>, %arg26: memref<!tpu.dma_semaphore, #tpu.memory_space<semaphore_mem>>, %arg27: memref<!tpu.dma_semaphore, #tpu.memory_space<semaphore_mem>>, %arg28: memref<!tpu.dma_semaphore, #tpu.memory_space<semaphore_mem>>, %arg29: memref<!tpu.dma_semaphore, #tpu.memory_space<semaphore_mem>>, %arg30: memref<10000x32xf32, #tpu.memory_space<vmem_shared>>) attributes {dimension_semantics = [#tpu.dimension_semantics<core_parallel>, #tpu.dimension_semantics<subcore_parallel>], iteration_bounds = array<i64: 2, 16>, scalar_prefetch = 0 : i64, scratch_operands = 25 : i64, tpu.core_type = #tpu.core_type<sc_vector_subcore>, window_params = [{transform_indices = #map}, {transform_indices = #map}, {transform_indices = #map}, {transform_indices = #map1}]} {
    %scan3A = arith.constant 0 : i32
    %scan3A_0 = arith.constant 0 : i32
    %scan3A_1 = arith.constant 125 : i32
    %scan3A_2 = arith.addi %scan3A_0, %scan3A_1 : i32
    %scan3A_3 = arith.constant 1 : i32
    scf.for %scan3A_234 = %scan3A_0 to %scan3A_2 step %scan3A_3  : i32 {
      %broadcast_in_dim3A = arith.constant 0.000000e+00 : f32
      %broadcast_in_dim3A_235 = vector.broadcast %broadcast_in_dim3A : f32 to vector<16xf32>
      %swap3A = arith.index_cast %scan3A_234 : i32 to index
      %swap3A_236 = arith.constant 0 : index
      %swap3A_237 = tpu.vector_load %arg9[%swap3A, %swap3A_236] {strides = array<i32>} : memref<125x32xf32, #tpu.memory_space<vmem>>, vector<1x16xf32>,
      %swap3A_238 = vector.shape_cast %swap3A_237 : vector<1x16xf32> to vector<16xf32>
      %swap3A_239 = vector.shape_cast %broadcast_in_dim3A_235 : vector<16xf32> to vector<1x16xf32>
      tpu.vector_store %arg9[%swap3A, %swap3A_236], %swap3A_239 {strides = array<i32>} : memref<125x32xf32, #tpu.memory_space<vmem>>, vector<1x16xf32>,
      %broadcast_in_dim3A_240 = arith.constant 0.000000e+00 : f32
      %broadcast_in_dim3A_241 = vector.broadcast %broadcast_in_dim3A_240 : f32 to vector<16xf32>
      %swap3A_242 = arith.index_cast %scan3A_234 : i32 to index
      %swap3A_243 = arith.constant 16 : index
      %swap3A_244 = tpu.vector_load %arg9[%swap3A_242, %swap3A_243] {strides = array<i32>} : memref<125x32xf32, #tpu.memory_space<vmem>>, vector<1x16xf32>,
      %swap3A_245 = vector.shape_cast %swap3A_244 : vector<1x16xf32> to vector<16xf32>
      %swap3A_246 = vector.shape_cast %broadcast_in_dim3A_241 : vector<16xf32> to vector<1x16xf32>
      tpu.vector_store %arg9[%swap3A_242, %swap3A_243], %swap3A_246 {strides = array<i32>} : memref<125x32xf32, #tpu.memory_space<vmem>>, vector<1x16xf32>,
    }
    %scan3A_4 = arith.constant 125 : i32
    %mul3A = arith.constant 625 : i32
    %mul3A_5 = arith.muli %arg1, %mul3A : i32
    %add3A = arith.constant 0 : i32
    %add3A_6 = arith.addi %mul3A_5, %add3A : i32
    "tpu.region"() ({
      %run_scoped3A = tpu.sem_alloc : memref<!tpu.dma_semaphore, #tpu.memory_space<semaphore_mem>>
      %dma_start3A_234 = arith.constant 0 : i32
      %dma_start3A_235 = tpu.memref_slice %arg30[%add3A_6, %dma_start3A_234] : memref<10000x32xf32, #tpu.memory_space<vmem_shared>> -> memref<125x32xf32, #tpu.memory_space<vmem_shared>>
      %dma_start3A_236 = arith.constant 0 : i32
      %dma_start3A_237 = tpu.memref_slice %arg30[%add3A_6, %dma_start3A_236] : memref<10000x32xf32, #tpu.memory_space<vmem_shared>> -> memref<125x32xf32, #tpu.memory_space<vmem_shared>>
      tpu.enqueue_dma source(%arg9 : memref<125x32xf32, #tpu.memory_space<vmem>>) target(%dma_start3A_237 : memref<125x32xf32, #tpu.memory_space<vmem_shared>>) target_semaphore(%run_scoped3A : memref<!tpu.dma_semaphore, #tpu.memory_space<semaphore_mem>>)
      %dma_wait3A_238 = arith.constant 0 : i32
      %dma_wait3A_239 = tpu.memref_slice %arg30[%add3A_6, %dma_wait3A_238] : memref<10000x32xf32, #tpu.memory_space<vmem_shared>> -> memref<125x32xf32, #tpu.memory_space<vmem_shared>>
      %dma_wait3A_240 = arith.constant 0 : i32
      %dma_wait3A_241 = tpu.memref_slice %arg30[%add3A_6, %dma_wait3A_240] : memref<10000x32xf32, #tpu.memory_space<vmem_shared>> -> memref<125x32xf32, #tpu.memory_space<vmem_shared>>
      tpu.wait_dma2 semaphore(%run_scoped3A : memref<!tpu.dma_semaphore, #tpu.memory_space<semaphore_mem>>) src(%arg9 : memref<125x32xf32, #tpu.memory_space<vmem>>) dst(%dma_wait3A_241 : memref<125x32xf32, #tpu.memory_space<vmem_shared>>)
      tpu.yield
    }) : () -> ()
    %mul3A_7 = arith.constant 625 : i32
    %mul3A_8 = arith.muli %arg1, %mul3A_7 : i32
    %add3A_9 = arith.constant 125 : i32
    %add3A_10 = arith.addi %mul3A_8, %add3A_9 : i32
    "tpu.region"() ({
      %run_scoped3A = tpu.sem_alloc : memref<!tpu.dma_semaphore, #tpu.memory_space<semaphore_mem>>
      %dma_start3A_234 = arith.constant 0 : i32
      %dma_start3A_235 = tpu.memref_slice %arg30[%add3A_10, %dma_start3A_234] : memref<10000x32xf32, #tpu.memory_space<vmem_shared>> -> memref<125x32xf32, #tpu.memory_space<vmem_shared>>
      %dma_start3A_236 = arith.constant 0 : i32
      %dma_start3A_237 = tpu.memref_slice %arg30[%add3A_10, %dma_start3A_236] : memref<10000x32xf32, #tpu.memory_space<vmem_shared>> -> memref<125x32xf32, #tpu.memory_space<vmem_shared>>
      tpu.enqueue_dma source(%arg9 : memref<125x32xf32, #tpu.memory_space<vmem>>) target(%dma_start3A_237 : memref<125x32xf32, #tpu.memory_space<vmem_shared>>) target_semaphore(%run_scoped3A : memref<!tpu.dma_semaphore, #tpu.memory_space<semaphore_mem>>)
      %dma_wait3A_238 = arith.constant 0 : i32
      %dma_wait3A_239 = tpu.memref_slice %arg30[%add3A_10, %dma_wait3A_238] : memref<10000x32xf32, #tpu.memory_space<vmem_shared>> -> memref<125x32xf32, #tpu.memory_space<vmem_shared>>
      %dma_wait3A_240 = arith.constant 0 : i32
      %dma_wait3A_241 = tpu.memref_slice %arg30[%add3A_10, %dma_wait3A_240] : memref<10000x32xf32, #tpu.memory_space<vmem_shared>> -> memref<125x32xf32, #tpu.memory_space<vmem_shared>>
      tpu.wait_dma2 semaphore(%run_scoped3A : memref<!tpu.dma_semaphore, #tpu.memory_space<semaphore_mem>>) src(%arg9 : memref<125x32xf32, #tpu.memory_space<vmem>>) dst(%dma_wait3A_241 : memref<125x32xf32, #tpu.memory_space<vmem_shared>>)
      tpu.yield
    }) : () -> ()
    %mul3A_11 = arith.constant 625 : i32
    %mul3A_12 = arith.muli %arg1, %mul3A_11 : i32
    %add3A_13 = arith.constant 250 : i32
    %add3A_14 = arith.addi %mul3A_12, %add3A_13 : i32
    "tpu.region"() ({
      %run_scoped3A = tpu.sem_alloc : memref<!tpu.dma_semaphore, #tpu.memory_space<semaphore_mem>>
      %dma_start3A_234 = arith.constant 0 : i32
      %dma_start3A_235 = tpu.memref_slice %arg30[%add3A_14, %dma_start3A_234] : memref<10000x32xf32, #tpu.memory_space<vmem_shared>> -> memref<125x32xf32, #tpu.memory_space<vmem_shared>>
      %dma_start3A_236 = arith.constant 0 : i32
      %dma_start3A_237 = tpu.memref_slice %arg30[%add3A_14, %dma_start3A_236] : memref<10000x32xf32, #tpu.memory_space<vmem_shared>> -> memref<125x32xf32, #tpu.memory_space<vmem_shared>>
      tpu.enqueue_dma source(%arg9 : memref<125x32xf32, #tpu.memory_space<vmem>>) target(%dma_start3A_237 : memref<125x32xf32, #tpu.memory_space<vmem_shared>>) target_semaphore(%run_scoped3A : memref<!tpu.dma_semaphore, #tpu.memory_space<semaphore_mem>>)
      %dma_wait3A_238 = arith.constant 0 : i32
      %dma_wait3A_239 = tpu.memref_slice %arg30[%add3A_14, %dma_wait3A_238] : memref<10000x32xf32, #tpu.memory_space<vmem_shared>> -> memref<125x32xf32, #tpu.memory_space<vmem_shared>>
      %dma_wait3A_240 = arith.constant 0 : i32
      %dma_wait3A_241 = tpu.memref_slice %arg30[%add3A_14, %dma_wait3A_240] : memref<10000x32xf32, #tpu.memory_space<vmem_shared>> -> memref<125x32xf32, #tpu.memory_space<vmem_shared>>
      tpu.wait_dma2 semaphore(%run_scoped3A : memref<!tpu.dma_semaphore, #tpu.memory_space<semaphore_mem>>) src(%arg9 : memref<125x32xf32, #tpu.memory_space<vmem>>) dst(%dma_wait3A_241 : memref<125x32xf32, #tpu.memory_space<vmem_shared>>)
      tpu.yield
    }) : () -> ()
    %mul3A_15 = arith.constant 625 : i32
    %mul3A_16 = arith.muli %arg1, %mul3A_15 : i32
    %add3A_17 = arith.constant 375 : i32
    %add3A_18 = arith.addi %mul3A_16, %add3A_17 : i32
    "tpu.region"() ({
      %run_scoped3A = tpu.sem_alloc : memref<!tpu.dma_semaphore, #tpu.memory_space<semaphore_mem>>
      %dma_start3A_234 = arith.constant 0 : i32
      %dma_start3A_235 = tpu.memref_slice %arg30[%add3A_18, %dma_start3A_234] : memref<10000x32xf32, #tpu.memory_space<vmem_shared>> -> memref<125x32xf32, #tpu.memory_space<vmem_shared>>
      %dma_start3A_236 = arith.constant 0 : i32
      %dma_start3A_237 = tpu.memref_slice %arg30[%add3A_18, %dma_start3A_236] : memref<10000x32xf32, #tpu.memory_space<vmem_shared>> -> memref<125x32xf32, #tpu.memory_space<vmem_shared>>
      tpu.enqueue_dma source(%arg9 : memref<125x32xf32, #tpu.memory_space<vmem>>) target(%dma_start3A_237 : memref<125x32xf32, #tpu.memory_space<vmem_shared>>) target_semaphore(%run_scoped3A : memref<!tpu.dma_semaphore, #tpu.memory_space<semaphore_mem>>)
      %dma_wait3A_238 = arith.constant 0 : i32
      %dma_wait3A_239 = tpu.memref_slice %arg30[%add3A_18, %dma_wait3A_238] : memref<10000x32xf32, #tpu.memory_space<vmem_shared>> -> memref<125x32xf32, #tpu.memory_space<vmem_shared>>
      %dma_wait3A_240 = arith.constant 0 : i32
      %dma_wait3A_241 = tpu.memref_slice %arg30[%add3A_18, %dma_wait3A_240] : memref<10000x32xf32, #tpu.memory_space<vmem_shared>> -> memref<125x32xf32, #tpu.memory_space<vmem_shared>>
      tpu.wait_dma2 semaphore(%run_scoped3A : memref<!tpu.dma_semaphore, #tpu.memory_space<semaphore_mem>>) src(%arg9 : memref<125x32xf32, #tpu.memory_space<vmem>>) dst(%dma_wait3A_241 : memref<125x32xf32, #tpu.memory_space<vmem_shared>>)
      tpu.yield
    }) : () -> ()
    %mul3A_19 = arith.constant 625 : i32
    %mul3A_20 = arith.muli %arg1, %mul3A_19 : i32
    %add3A_21 = arith.constant 500 : i32
    %add3A_22 = arith.addi %mul3A_20, %add3A_21 : i32
    "tpu.region"() ({
      %run_scoped3A = tpu.sem_alloc : memref<!tpu.dma_semaphore, #tpu.memory_space<semaphore_mem>>
      %dma_start3A_234 = arith.constant 0 : i32
      %dma_start3A_235 = tpu.memref_slice %arg30[%add3A_22, %dma_start3A_234] : memref<10000x32xf32, #tpu.memory_space<vmem_shared>> -> memref<125x32xf32, #tpu.memory_space<vmem_shared>>
      %dma_start3A_236 = arith.constant 0 : i32
      %dma_start3A_237 = tpu.memref_slice %arg30[%add3A_22, %dma_start3A_236] : memref<10000x32xf32, #tpu.memory_space<vmem_shared>> -> memref<125x32xf32, #tpu.memory_space<vmem_shared>>
      tpu.enqueue_dma source(%arg9 : memref<125x32xf32, #tpu.memory_space<vmem>>) target(%dma_start3A_237 : memref<125x32xf32, #tpu.memory_space<vmem_shared>>) target_semaphore(%run_scoped3A : memref<!tpu.dma_semaphore, #tpu.memory_space<semaphore_mem>>)
      %dma_wait3A_238 = arith.constant 0 : i32
      %dma_wait3A_239 = tpu.memref_slice %arg30[%add3A_22, %dma_wait3A_238] : memref<10000x32xf32, #tpu.memory_space<vmem_shared>> -> memref<125x32xf32, #tpu.memory_space<vmem_shared>>
      %dma_wait3A_240 = arith.constant 0 : i32
      %dma_wait3A_241 = tpu.memref_slice %arg30[%add3A_22, %dma_wait3A_240] : memref<10000x32xf32, #tpu.memory_space<vmem_shared>> -> memref<125x32xf32, #tpu.memory_space<vmem_shared>>
      tpu.wait_dma2 semaphore(%run_scoped3A : memref<!tpu.dma_semaphore, #tpu.memory_space<semaphore_mem>>) src(%arg9 : memref<125x32xf32, #tpu.memory_space<vmem>>) dst(%dma_wait3A_241 : memref<125x32xf32, #tpu.memory_space<vmem_shared>>)
      tpu.yield
    }) : () -> ()
    "tpu.region"() ({
      %run_scoped3A = tpu.sem_alloc : memref<!tpu.dma_semaphore, #tpu.memory_space<semaphore_mem>>
      %dma_start3A_234 = arith.constant 0 : i32
      %dma_start3A_235 = arith.constant 0 : i32
      %dma_start3A_236 = tpu.memref_slice %arg3[%arg1, %dma_start3A_234, %dma_start3A_235] : memref<16x160x125xi32, #tpu.memory_space<hbm>> -> memref<1x160x125xi32, #tpu.memory_space<hbm>>
      %dma_start3A_237 = tpu.memref_squeeze %dma_start3A_236 : memref<1x160x125xi32, #tpu.memory_space<hbm>> -> memref<160x125xi32, #tpu.memory_space<hbm>>
      %dma_start3A_238 = arith.constant 0 : i32
      %dma_start3A_239 = arith.constant 0 : i32
      %dma_start3A_240 = tpu.memref_slice %arg3[%arg1, %dma_start3A_238, %dma_start3A_239] : memref<16x160x125xi32, #tpu.memory_space<hbm>> -> memref<1x160x125xi32, #tpu.memory_space<hbm>>
      %dma_start3A_241 = tpu.memref_squeeze %dma_start3A_240 : memref<1x160x125xi32, #tpu.memory_space<hbm>> -> memref<160x125xi32, #tpu.memory_space<hbm>>
      tpu.enqueue_dma source(%dma_start3A_241 : memref<160x125xi32, #tpu.memory_space<hbm>>) target(%arg6 : memref<160x125xi32, #tpu.memory_space<vmem>>) target_semaphore(%run_scoped3A : memref<!tpu.dma_semaphore, #tpu.memory_space<semaphore_mem>>)
      %dma_wait3A_242 = arith.constant 0 : i32
      %dma_wait3A_243 = arith.constant 0 : i32
      %dma_wait3A_244 = tpu.memref_slice %arg3[%arg1, %dma_wait3A_242, %dma_wait3A_243] : memref<16x160x125xi32, #tpu.memory_space<hbm>> -> memref<1x160x125xi32, #tpu.memory_space<hbm>>
      %dma_wait3A_245 = tpu.memref_squeeze %dma_wait3A_244 : memref<1x160x125xi32, #tpu.memory_space<hbm>> -> memref<160x125xi32, #tpu.memory_space<hbm>>
      %dma_wait3A_246 = arith.constant 0 : i32
      %dma_wait3A_247 = arith.constant 0 : i32
      %dma_wait3A_248 = tpu.memref_slice %arg3[%arg1, %dma_wait3A_246, %dma_wait3A_247] : memref<16x160x125xi32, #tpu.memory_space<hbm>> -> memref<1x160x125xi32, #tpu.memory_space<hbm>>
      %dma_wait3A_249 = tpu.memref_squeeze %dma_wait3A_248 : memref<1x160x125xi32, #tpu.memory_space<hbm>> -> memref<160x125xi32, #tpu.memory_space<hbm>>
      tpu.wait_dma2 semaphore(%run_scoped3A : memref<!tpu.dma_semaphore, #tpu.memory_space<semaphore_mem>>) src(%dma_wait3A_249 : memref<160x125xi32, #tpu.memory_space<hbm>>) dst(%arg6 : memref<160x125xi32, #tpu.memory_space<vmem>>)
      tpu.yield
    }) : () -> ()
    "tpu.region"() ({
      %run_scoped3A = tpu.sem_alloc : memref<!tpu.dma_semaphore, #tpu.memory_space<semaphore_mem>>
      %dma_start3A_234 = arith.constant 0 : i32
      %dma_start3A_235 = arith.constant 0 : i32
      %dma_start3A_236 = tpu.memref_slice %arg4[%arg1, %dma_start3A_234, %dma_start3A_235] : memref<16x160x125xi32, #tpu.memory_space<hbm>> -> memref<1x160x125xi32, #tpu.memory_space<hbm>>
      %dma_start3A_237 = tpu.memref_squeeze %dma_start3A_236 : memref<1x160x125xi32, #tpu.memory_space<hbm>> -> memref<160x125xi32, #tpu.memory_space<hbm>>
      %dma_start3A_238 = arith.constant 0 : i32
      %dma_start3A_239 = arith.constant 0 : i32
      %dma_start3A_240 = tpu.memref_slice %arg4[%arg1, %dma_start3A_238, %dma_start3A_239] : memref<16x160x125xi32, #tpu.memory_space<hbm>> -> memref<1x160x125xi32, #tpu.memory_space<hbm>>
      %dma_start3A_241 = tpu.memref_squeeze %dma_start3A_240 : memref<1x160x125xi32, #tpu.memory_space<hbm>> -> memref<160x125xi32, #tpu.memory_space<hbm>>
      tpu.enqueue_dma source(%dma_start3A_241 : memref<160x125xi32, #tpu.memory_space<hbm>>) target(%arg7 : memref<160x125xi32, #tpu.memory_space<vmem>>) target_semaphore(%run_scoped3A : memref<!tpu.dma_semaphore, #tpu.memory_space<semaphore_mem>>)
      %dma_wait3A_242 = arith.constant 0 : i32
      %dma_wait3A_243 = arith.constant 0 : i32
      %dma_wait3A_244 = tpu.memref_slice %arg4[%arg1, %dma_wait3A_242, %dma_wait3A_243] : memref<16x160x125xi32, #tpu.memory_space<hbm>> -> memref<1x160x125xi32, #tpu.memory_space<hbm>>
      %dma_wait3A_245 = tpu.memref_squeeze %dma_wait3A_244 : memref<1x160x125xi32, #tpu.memory_space<hbm>> -> memref<160x125xi32, #tpu.memory_space<hbm>>
      %dma_wait3A_246 = arith.constant 0 : i32
      %dma_wait3A_247 = arith.constant 0 : i32
      %dma_wait3A_248 = tpu.memref_slice %arg4[%arg1, %dma_wait3A_246, %dma_wait3A_247] : memref<16x160x125xi32, #tpu.memory_space<hbm>> -> memref<1x160x125xi32, #tpu.memory_space<hbm>>
      %dma_wait3A_249 = tpu.memref_squeeze %dma_wait3A_248 : memref<1x160x125xi32, #tpu.memory_space<hbm>> -> memref<160x125xi32, #tpu.memory_space<hbm>>
      tpu.wait_dma2 semaphore(%run_scoped3A : memref<!tpu.dma_semaphore, #tpu.memory_space<semaphore_mem>>) src(%dma_wait3A_249 : memref<160x125xi32, #tpu.memory_space<hbm>>) dst(%arg7 : memref<160x125xi32, #tpu.memory_space<vmem>>)
      tpu.yield
    }) : () -> ()
    %barrier3A = arith.constant 0 : index
    tpu.barrier barrier_id(%barrier3A)
    %dma_start3A = arith.constant 0 : i32
    %dma_start3A_23 = arith.constant 0 : i32
    %dma_start3A_24 = arith.constant 0 : i32
    %dma_start3A_25 = arith.constant 0 : i32
    %dma_start3A_26 = tpu.memref_slice %arg8[%dma_start3A_23, %dma_start3A_24, %dma_start3A_25] : memref<10x125x32xf32, #tpu.memory_space<vmem>> -> memref<1x125x32xf32, #tpu.memory_space<vmem>>
    %dma_start3A_27 = tpu.memref_squeeze %dma_start3A_26 : memref<1x125x32xf32, #tpu.memory_space<vmem>> -> memref<125x32xf32, #tpu.memory_space<vmem>>
    %dma_start3A_28 = arith.constant 0 : i32
    %dma_start3A_29 = tpu.memref_slice %arg6[%dma_start3A, %dma_start3A_28] : memref<160x125xi32, #tpu.memory_space<vmem>> -> memref<1x125xi32, #tpu.memory_space<vmem>>
    %dma_start3A_30 = tpu.memref_squeeze %dma_start3A_29 : memref<1x125xi32, #tpu.memory_space<vmem>> -> memref<125xi32, #tpu.memory_space<vmem>>
    %dma_start3A_31 = arith.constant 0 : i32
    %dma_start3A_32 = arith.constant 0 : i32
    %dma_start3A_33 = tpu.memref_slice %arg2[%arg0, %dma_start3A_31, %dma_start3A_32] : memref<2x10000x32xf32, #tpu.memory_space<hbm>> -> memref<1x10000x32xf32, #tpu.memory_space<hbm>>
    %dma_start3A_34 = tpu.memref_squeeze %dma_start3A_33 : memref<1x10000x32xf32, #tpu.memory_space<hbm>> -> memref<10000x32xf32, #tpu.memory_space<hbm>>
    %dma_start3A_35 = arith.constant 0 : i32
    %dma_start3A_36 = arith.constant 0 : i32
    %dma_start3A_37 = tpu.memref_slice %dma_start3A_34[%dma_start3A_35, %dma_start3A_36] : memref<10000x32xf32, #tpu.memory_space<hbm>> -> memref<10000x32xf32, #tpu.memory_space<hbm>>
    tpu.enqueue_indirect_dma source(%dma_start3A_37 : memref<10000x32xf32, #tpu.memory_space<hbm>>) target(%dma_start3A_27 : memref<125x32xf32, #tpu.memory_space<vmem>>) offsets(%dma_start3A_30 : memref<125xi32, #tpu.memory_space<vmem>>) semaphore(%arg10 : memref<!tpu.dma_semaphore, #tpu.memory_space<semaphore_mem>>)
    %dma_start3A_38 = arith.constant 1 : i32
    %dma_start3A_39 = arith.constant 1 : i32
    %dma_start3A_40 = arith.constant 0 : i32
    %dma_start3A_41 = arith.constant 0 : i32
    %dma_start3A_42 = tpu.memref_slice %arg8[%dma_start3A_39, %dma_start3A_40, %dma_start3A_41] : memref<10x125x32xf32, #tpu.memory_space<vmem>> -> memref<1x125x32xf32, #tpu.memory_space<vmem>>
    %dma_start3A_43 = tpu.memref_squeeze %dma_start3A_42 : memref<1x125x32xf32, #tpu.memory_space<vmem>> -> memref<125x32xf32, #tpu.memory_space<vmem>>
    %dma_start3A_44 = arith.constant 0 : i32
    %dma_start3A_45 = tpu.memref_slice %arg6[%dma_start3A_38, %dma_start3A_44] : memref<160x125xi32, #tpu.memory_space<vmem>> -> memref<1x125xi32, #tpu.memory_space<vmem>>
    %dma_start3A_46 = tpu.memref_squeeze %dma_start3A_45 : memref<1x125xi32, #tpu.memory_space<vmem>> -> memref<125xi32, #tpu.memory_space<vmem>>
    %dma_start3A_47 = arith.constant 0 : i32
    %dma_start3A_48 = arith.constant 0 : i32
    %dma_start3A_49 = tpu.memref_slice %arg2[%arg0, %dma_start3A_47, %dma_start3A_48] : memref<2x10000x32xf32, #tpu.memory_space<hbm>> -> memref<1x10000x32xf32, #tpu.memory_space<hbm>>
    %dma_start3A_50 = tpu.memref_squeeze %dma_start3A_49 : memref<1x10000x32xf32, #tpu.memory_space<hbm>> -> memref<10000x32xf32, #tpu.memory_space<hbm>>
    %dma_start3A_51 = arith.constant 0 : i32
    %dma_start3A_52 = arith.constant 0 : i32
    %dma_start3A_53 = tpu.memref_slice %dma_start3A_50[%dma_start3A_51, %dma_start3A_52] : memref<10000x32xf32, #tpu.memory_space<hbm>> -> memref<10000x32xf32, #tpu.memory_space<hbm>>
    tpu.enqueue_indirect_dma source(%dma_start3A_53 : memref<10000x32xf32, #tpu.memory_space<hbm>>) target(%dma_start3A_43 : memref<125x32xf32, #tpu.memory_space<vmem>>) offsets(%dma_start3A_46 : memref<125xi32, #tpu.memory_space<vmem>>) semaphore(%arg11 : memref<!tpu.dma_semaphore, #tpu.memory_space<semaphore_mem>>)
    %dma_start3A_54 = arith.constant 2 : i32
    %dma_start3A_55 = arith.constant 2 : i32
    %dma_start3A_56 = arith.constant 0 : i32
    %dma_start3A_57 = arith.constant 0 : i32
    %dma_start3A_58 = tpu.memref_slice %arg8[%dma_start3A_55, %dma_start3A_56, %dma_start3A_57] : memref<10x125x32xf32, #tpu.memory_space<vmem>> -> memref<1x125x32xf32, #tpu.memory_space<vmem>>
    %dma_start3A_59 = tpu.memref_squeeze %dma_start3A_58 : memref<1x125x32xf32, #tpu.memory_space<vmem>> -> memref<125x32xf32, #tpu.memory_space<vmem>>
    %dma_start3A_60 = arith.constant 0 : i32
    %dma_start3A_61 = tpu.memref_slice %arg6[%dma_start3A_54, %dma_start3A_60] : memref<160x125xi32, #tpu.memory_space<vmem>> -> memref<1x125xi32, #tpu.memory_space<vmem>>
    %dma_start3A_62 = tpu.memref_squeeze %dma_start3A_61 : memref<1x125xi32, #tpu.memory_space<vmem>> -> memref<125xi32, #tpu.memory_space<vmem>>
    %dma_start3A_63 = arith.constant 0 : i32
    %dma_start3A_64 = arith.constant 0 : i32
    %dma_start3A_65 = tpu.memref_slice %arg2[%arg0, %dma_start3A_63, %dma_start3A_64] : memref<2x10000x32xf32, #tpu.memory_space<hbm>> -> memref<1x10000x32xf32, #tpu.memory_space<hbm>>
    %dma_start3A_66 = tpu.memref_squeeze %dma_start3A_65 : memref<1x10000x32xf32, #tpu.memory_space<hbm>> -> memref<10000x32xf32, #tpu.memory_space<hbm>>
    %dma_start3A_67 = arith.constant 0 : i32
    %dma_start3A_68 = arith.constant 0 : i32
    %dma_start3A_69 = tpu.memref_slice %dma_start3A_66[%dma_start3A_67, %dma_start3A_68] : memref<10000x32xf32, #tpu.memory_space<hbm>> -> memref<10000x32xf32, #tpu.memory_space<hbm>>
    tpu.enqueue_indirect_dma source(%dma_start3A_69 : memref<10000x32xf32, #tpu.memory_space<hbm>>) target(%dma_start3A_59 : memref<125x32xf32, #tpu.memory_space<vmem>>) offsets(%dma_start3A_62 : memref<125xi32, #tpu.memory_space<vmem>>) semaphore(%arg12 : memref<!tpu.dma_semaphore, #tpu.memory_space<semaphore_mem>>)
    %dma_start3A_70 = arith.constant 3 : i32
    %dma_start3A_71 = arith.constant 3 : i32
    %dma_start3A_72 = arith.constant 0 : i32
    %dma_start3A_73 = arith.constant 0 : i32
    %dma_start3A_74 = tpu.memref_slice %arg8[%dma_start3A_71, %dma_start3A_72, %dma_start3A_73] : memref<10x125x32xf32, #tpu.memory_space<vmem>> -> memref<1x125x32xf32, #tpu.memory_space<vmem>>
    %dma_start3A_75 = tpu.memref_squeeze %dma_start3A_74 : memref<1x125x32xf32, #tpu.memory_space<vmem>> -> memref<125x32xf32, #tpu.memory_space<vmem>>
    %dma_start3A_76 = arith.constant 0 : i32
    %dma_start3A_77 = tpu.memref_slice %arg6[%dma_start3A_70, %dma_start3A_76] : memref<160x125xi32, #tpu.memory_space<vmem>> -> memref<1x125xi32, #tpu.memory_space<vmem>>
    %dma_start3A_78 = tpu.memref_squeeze %dma_start3A_77 : memref<1x125xi32, #tpu.memory_space<vmem>> -> memref<125xi32, #tpu.memory_space<vmem>>
    %dma_start3A_79 = arith.constant 0 : i32
    %dma_start3A_80 = arith.constant 0 : i32
    %dma_start3A_81 = tpu.memref_slice %arg2[%arg0, %dma_start3A_79, %dma_start3A_80] : memref<2x10000x32xf32, #tpu.memory_space<hbm>> -> memref<1x10000x32xf32, #tpu.memory_space<hbm>>
    %dma_start3A_82 = tpu.memref_squeeze %dma_start3A_81 : memref<1x10000x32xf32, #tpu.memory_space<hbm>> -> memref<10000x32xf32, #tpu.memory_space<hbm>>
    %dma_start3A_83 = arith.constant 0 : i32
    %dma_start3A_84 = arith.constant 0 : i32
    %dma_start3A_85 = tpu.memref_slice %dma_start3A_82[%dma_start3A_83, %dma_start3A_84] : memref<10000x32xf32, #tpu.memory_space<hbm>> -> memref<10000x32xf32, #tpu.memory_space<hbm>>
    tpu.enqueue_indirect_dma source(%dma_start3A_85 : memref<10000x32xf32, #tpu.memory_space<hbm>>) target(%dma_start3A_75 : memref<125x32xf32, #tpu.memory_space<vmem>>) offsets(%dma_start3A_78 : memref<125xi32, #tpu.memory_space<vmem>>) semaphore(%arg13 : memref<!tpu.dma_semaphore, #tpu.memory_space<semaphore_mem>>)
    %dma_start3A_86 = arith.constant 4 : i32
    %dma_start3A_87 = arith.constant 4 : i32
    %dma_start3A_88 = arith.constant 0 : i32
    %dma_start3A_89 = arith.constant 0 : i32
    %dma_start3A_90 = tpu.memref_slice %arg8[%dma_start3A_87, %dma_start3A_88, %dma_start3A_89] : memref<10x125x32xf32, #tpu.memory_space<vmem>> -> memref<1x125x32xf32, #tpu.memory_space<vmem>>
    %dma_start3A_91 = tpu.memref_squeeze %dma_start3A_90 : memref<1x125x32xf32, #tpu.memory_space<vmem>> -> memref<125x32xf32, #tpu.memory_space<vmem>>
    %dma_start3A_92 = arith.constant 0 : i32
    %dma_start3A_93 = tpu.memref_slice %arg6[%dma_start3A_86, %dma_start3A_92] : memref<160x125xi32, #tpu.memory_space<vmem>> -> memref<1x125xi32, #tpu.memory_space<vmem>>
    %dma_start3A_94 = tpu.memref_squeeze %dma_start3A_93 : memref<1x125xi32, #tpu.memory_space<vmem>> -> memref<125xi32, #tpu.memory_space<vmem>>
    %dma_start3A_95 = arith.constant 0 : i32
    %dma_start3A_96 = arith.constant 0 : i32
    %dma_start3A_97 = tpu.memref_slice %arg2[%arg0, %dma_start3A_95, %dma_start3A_96] : memref<2x10000x32xf32, #tpu.memory_space<hbm>> -> memref<1x10000x32xf32, #tpu.memory_space<hbm>>
    %dma_start3A_98 = tpu.memref_squeeze %dma_start3A_97 : memref<1x10000x32xf32, #tpu.memory_space<hbm>> -> memref<10000x32xf32, #tpu.memory_space<hbm>>
    %dma_start3A_99 = arith.constant 0 : i32
    %dma_start3A_100 = arith.constant 0 : i32
    %dma_start3A_101 = tpu.memref_slice %dma_start3A_98[%dma_start3A_99, %dma_start3A_100] : memref<10000x32xf32, #tpu.memory_space<hbm>> -> memref<10000x32xf32, #tpu.memory_space<hbm>>
    tpu.enqueue_indirect_dma source(%dma_start3A_101 : memref<10000x32xf32, #tpu.memory_space<hbm>>) target(%dma_start3A_91 : memref<125x32xf32, #tpu.memory_space<vmem>>) offsets(%dma_start3A_94 : memref<125xi32, #tpu.memory_space<vmem>>) semaphore(%arg14 : memref<!tpu.dma_semaphore, #tpu.memory_space<semaphore_mem>>)
    %scan3A_102 = arith.constant 0 : i32
    %scan3A_103 = arith.constant 0 : i32
    %scan3A_104 = arith.constant 16 : i32
    %scan3A_105 = arith.addi %scan3A_103, %scan3A_104 : i32
    %scan3A_106 = arith.constant 1 : i32
    scf.for %scan3A_234 = %scan3A_103 to %scan3A_105 step %scan3A_106  : i32 {
      %mul3A_235 = arith.constant 10 : i32
      %mul3A_236 = arith.muli %scan3A_234, %mul3A_235 : i32
      %add3A_237 = arith.constant 0 : i32
      %add3A_238 = arith.addi %mul3A_236, %add3A_237 : i32
      %dma_wait3A_239 = arith.constant 0 : i32
      %dma_wait3A_240 = arith.constant 0 : i32
      %dma_wait3A_241 = arith.constant 0 : i32
      %dma_wait3A_242 = tpu.memref_slice %arg8[%dma_wait3A_239, %dma_wait3A_240, %dma_wait3A_241] : memref<10x125x32xf32, #tpu.memory_space<vmem>> -> memref<1x125x32xf32, #tpu.memory_space<vmem>>
      %dma_wait3A_243 = tpu.memref_squeeze %dma_wait3A_242 : memref<1x125x32xf32, #tpu.memory_space<vmem>> -> memref<125x32xf32, #tpu.memory_space<vmem>>
      %dma_wait3A_244 = arith.constant 0 : i32
      %dma_wait3A_245 = tpu.memref_slice %arg6[%add3A_238, %dma_wait3A_244] : memref<160x125xi32, #tpu.memory_space<vmem>> -> memref<1x125xi32, #tpu.memory_space<vmem>>
      %dma_wait3A_246 = tpu.memref_squeeze %dma_wait3A_245 : memref<1x125xi32, #tpu.memory_space<vmem>> -> memref<125xi32, #tpu.memory_space<vmem>>
      %dma_wait3A_247 = arith.constant 0 : i32
      %dma_wait3A_248 = arith.constant 0 : i32
      %dma_wait3A_249 = tpu.memref_slice %arg2[%arg0, %dma_wait3A_247, %dma_wait3A_248] : memref<2x10000x32xf32, #tpu.memory_space<hbm>> -> memref<1x10000x32xf32, #tpu.memory_space<hbm>>
      %dma_wait3A_250 = tpu.memref_squeeze %dma_wait3A_249 : memref<1x10000x32xf32, #tpu.memory_space<hbm>> -> memref<10000x32xf32, #tpu.memory_space<hbm>>
      %dma_wait3A_251 = arith.constant 0 : i32
      %dma_wait3A_252 = arith.constant 0 : i32
      %dma_wait3A_253 = tpu.memref_slice %dma_wait3A_250[%dma_wait3A_251, %dma_wait3A_252] : memref<10000x32xf32, #tpu.memory_space<hbm>> -> memref<10000x32xf32, #tpu.memory_space<hbm>>
      tpu.wait_indirect_dma semaphore(%arg10 : memref<!tpu.dma_semaphore, #tpu.memory_space<semaphore_mem>>) src(%dma_wait3A_253 : memref<10000x32xf32, #tpu.memory_space<hbm>>) dst(%dma_wait3A_243 : memref<125x32xf32, #tpu.memory_space<vmem>>)
      %dma_start3A_254 = arith.constant 0 : i32
      %dma_start3A_255 = arith.constant 0 : i32
      %dma_start3A_256 = arith.constant 0 : i32
      %dma_start3A_257 = tpu.memref_slice %arg8[%dma_start3A_254, %dma_start3A_255, %dma_start3A_256] : memref<10x125x32xf32, #tpu.memory_space<vmem>> -> memref<1x125x32xf32, #tpu.memory_space<vmem>>
      %dma_start3A_258 = tpu.memref_squeeze %dma_start3A_257 : memref<1x125x32xf32, #tpu.memory_space<vmem>> -> memref<125x32xf32, #tpu.memory_space<vmem>>
      %dma_start3A_259 = arith.constant 0 : i32
      %dma_start3A_260 = tpu.memref_slice %arg7[%add3A_238, %dma_start3A_259] : memref<160x125xi32, #tpu.memory_space<vmem>> -> memref<1x125xi32, #tpu.memory_space<vmem>>
      %dma_start3A_261 = tpu.memref_squeeze %dma_start3A_260 : memref<1x125xi32, #tpu.memory_space<vmem>> -> memref<125xi32, #tpu.memory_space<vmem>>
      %dma_start3A_262 = arith.constant 0 : i32
      %dma_start3A_263 = arith.constant 0 : i32
      %dma_start3A_264 = tpu.memref_slice %arg30[%dma_start3A_262, %dma_start3A_263] : memref<10000x32xf32, #tpu.memory_space<vmem_shared>> -> memref<10000x32xf32, #tpu.memory_space<vmem_shared>>
      tpu.enqueue_indirect_dma source(%dma_start3A_258 : memref<125x32xf32, #tpu.memory_space<vmem>>) target(%dma_start3A_264 : memref<10000x32xf32, #tpu.memory_space<vmem_shared>>) offsets(%dma_start3A_261 : memref<125xi32, #tpu.memory_space<vmem>>) semaphore(%arg20 : memref<!tpu.dma_semaphore, #tpu.memory_space<semaphore_mem>>) {add = true}
      %add3A_265 = arith.constant 5 : i32
      %add3A_266 = arith.addi %add3A_238, %add3A_265 : i32
      %lt3A = arith.constant 160 : i32
      %lt3A_267 = arith.cmpi slt, %add3A_266, %lt3A : i32
      %convert_element_type3A = arith.extui %lt3A_267 : i1 to i32
      %cond3A = arith.constant 0 : i32
      %cond3A_268 = arith.cmpi ne, %convert_element_type3A, %cond3A : i32
      scf.if %cond3A_268 {
        %ge3A = arith.constant 10 : i32
        %ge3A_602 = arith.cmpi sge, %add3A_266, %ge3A : i32
        %convert_element_type3A_603 = arith.extui %ge3A_602 : i1 to i32
        %cond3A_604 = arith.constant 0 : i32
        %cond3A_605 = arith.cmpi ne, %convert_element_type3A_603, %cond3A_604 : i32
        scf.if %cond3A_605 {
          %dma_wait3A_621 = arith.constant 5 : i32
          %dma_wait3A_622 = arith.constant 0 : i32
          %dma_wait3A_623 = arith.constant 0 : i32
          %dma_wait3A_624 = tpu.memref_slice %arg8[%dma_wait3A_621, %dma_wait3A_622, %dma_wait3A_623] : memref<10x125x32xf32, #tpu.memory_space<vmem>> -> memref<1x125x32xf32, #tpu.memory_space<vmem>>
          %dma_wait3A_625 = tpu.memref_squeeze %dma_wait3A_624 : memref<1x125x32xf32, #tpu.memory_space<vmem>> -> memref<125x32xf32, #tpu.memory_space<vmem>>
          %dma_wait3A_626 = arith.constant 0 : i32
          %dma_wait3A_627 = tpu.memref_slice %arg7[%add3A_266, %dma_wait3A_626] : memref<160x125xi32, #tpu.memory_space<vmem>> -> memref<1x125xi32, #tpu.memory_space<vmem>>
          %dma_wait3A_628 = tpu.memref_squeeze %dma_wait3A_627 : memref<1x125xi32, #tpu.memory_space<vmem>> -> memref<125xi32, #tpu.memory_space<vmem>>
          %dma_wait3A_629 = arith.constant 0 : i32
          %dma_wait3A_630 = arith.constant 0 : i32
          %dma_wait3A_631 = tpu.memref_slice %arg30[%dma_wait3A_629, %dma_wait3A_630] : memref<10000x32xf32, #tpu.memory_space<vmem_shared>> -> memref<10000x32xf32, #tpu.memory_space<vmem_shared>>
          tpu.wait_indirect_dma semaphore(%arg25 : memref<!tpu.dma_semaphore, #tpu.memory_space<semaphore_mem>>) src(%dma_wait3A_625 : memref<125x32xf32, #tpu.memory_space<vmem>>) dst(%dma_wait3A_631 : memref<10000x32xf32, #tpu.memory_space<vmem_shared>>)
        } else {
        }
        %dma_start3A_606 = arith.constant 5 : i32
        %dma_start3A_607 = arith.constant 0 : i32
        %dma_start3A_608 = arith.constant 0 : i32
        %dma_start3A_609 = tpu.memref_slice %arg8[%dma_start3A_606, %dma_start3A_607, %dma_start3A_608] : memref<10x125x32xf32, #tpu.memory_space<vmem>> -> memref<1x125x32xf32, #tpu.memory_space<vmem>>
        %dma_start3A_610 = tpu.memref_squeeze %dma_start3A_609 : memref<1x125x32xf32, #tpu.memory_space<vmem>> -> memref<125x32xf32, #tpu.memory_space<vmem>>
        %dma_start3A_611 = arith.constant 0 : i32
        %dma_start3A_612 = tpu.memref_slice %arg6[%add3A_266, %dma_start3A_611] : memref<160x125xi32, #tpu.memory_space<vmem>> -> memref<1x125xi32, #tpu.memory_space<vmem>>
        %dma_start3A_613 = tpu.memref_squeeze %dma_start3A_612 : memref<1x125xi32, #tpu.memory_space<vmem>> -> memref<125xi32, #tpu.memory_space<vmem>>
        %dma_start3A_614 = arith.constant 0 : i32
        %dma_start3A_615 = arith.constant 0 : i32
        %dma_start3A_616 = tpu.memref_slice %arg2[%arg0, %dma_start3A_614, %dma_start3A_615] : memref<2x10000x32xf32, #tpu.memory_space<hbm>> -> memref<1x10000x32xf32, #tpu.memory_space<hbm>>
        %dma_start3A_617 = tpu.memref_squeeze %dma_start3A_616 : memref<1x10000x32xf32, #tpu.memory_space<hbm>> -> memref<10000x32xf32, #tpu.memory_space<hbm>>
        %dma_start3A_618 = arith.constant 0 : i32
        %dma_start3A_619 = arith.constant 0 : i32
        %dma_start3A_620 = tpu.memref_slice %dma_start3A_617[%dma_start3A_618, %dma_start3A_619] : memref<10000x32xf32, #tpu.memory_space<hbm>> -> memref<10000x32xf32, #tpu.memory_space<hbm>>
        tpu.enqueue_indirect_dma source(%dma_start3A_620 : memref<10000x32xf32, #tpu.memory_space<hbm>>) target(%dma_start3A_610 : memref<125x32xf32, #tpu.memory_space<vmem>>) offsets(%dma_start3A_613 : memref<125xi32, #tpu.memory_space<vmem>>) semaphore(%arg15 : memref<!tpu.dma_semaphore, #tpu.memory_space<semaphore_mem>>)
      } else {
      }
      %mul3A_269 = arith.constant 10 : i32
      %mul3A_270 = arith.muli %scan3A_234, %mul3A_269 : i32
      %add3A_271 = arith.constant 1 : i32
      %add3A_272 = arith.addi %mul3A_270, %add3A_271 : i32
      %dma_wait3A_273 = arith.constant 1 : i32
      %dma_wait3A_274 = arith.constant 0 : i32
      %dma_wait3A_275 = arith.constant 0 : i32
      %dma_wait3A_276 = tpu.memref_slice %arg8[%dma_wait3A_273, %dma_wait3A_274, %dma_wait3A_275] : memref<10x125x32xf32, #tpu.memory_space<vmem>> -> memref<1x125x32xf32, #tpu.memory_space<vmem>>
      %dma_wait3A_277 = tpu.memref_squeeze %dma_wait3A_276 : memref<1x125x32xf32, #tpu.memory_space<vmem>> -> memref<125x32xf32, #tpu.memory_space<vmem>>
      %dma_wait3A_278 = arith.constant 0 : i32
      %dma_wait3A_279 = tpu.memref_slice %arg6[%add3A_272, %dma_wait3A_278] : memref<160x125xi32, #tpu.memory_space<vmem>> -> memref<1x125xi32, #tpu.memory_space<vmem>>
      %dma_wait3A_280 = tpu.memref_squeeze %dma_wait3A_279 : memref<1x125xi32, #tpu.memory_space<vmem>> -> memref<125xi32, #tpu.memory_space<vmem>>
      %dma_wait3A_281 = arith.constant 0 : i32
      %dma_wait3A_282 = arith.constant 0 : i32
      %dma_wait3A_283 = tpu.memref_slice %arg2[%arg0, %dma_wait3A_281, %dma_wait3A_282] : memref<2x10000x32xf32, #tpu.memory_space<hbm>> -> memref<1x10000x32xf32, #tpu.memory_space<hbm>>
      %dma_wait3A_284 = tpu.memref_squeeze %dma_wait3A_283 : memref<1x10000x32xf32, #tpu.memory_space<hbm>> -> memref<10000x32xf32, #tpu.memory_space<hbm>>
      %dma_wait3A_285 = arith.constant 0 : i32
      %dma_wait3A_286 = arith.constant 0 : i32
      %dma_wait3A_287 = tpu.memref_slice %dma_wait3A_284[%dma_wait3A_285, %dma_wait3A_286] : memref<10000x32xf32, #tpu.memory_space<hbm>> -> memref<10000x32xf32, #tpu.memory_space<hbm>>
      tpu.wait_indirect_dma semaphore(%arg11 : memref<!tpu.dma_semaphore, #tpu.memory_space<semaphore_mem>>) src(%dma_wait3A_287 : memref<10000x32xf32, #tpu.memory_space<hbm>>) dst(%dma_wait3A_277 : memref<125x32xf32, #tpu.memory_space<vmem>>)
      %dma_start3A_288 = arith.constant 1 : i32
      %dma_start3A_289 = arith.constant 0 : i32
      %dma_start3A_290 = arith.constant 0 : i32
      %dma_start3A_291 = tpu.memref_slice %arg8[%dma_start3A_288, %dma_start3A_289, %dma_start3A_290] : memref<10x125x32xf32, #tpu.memory_space<vmem>> -> memref<1x125x32xf32, #tpu.memory_space<vmem>>
      %dma_start3A_292 = tpu.memref_squeeze %dma_start3A_291 : memref<1x125x32xf32, #tpu.memory_space<vmem>> -> memref<125x32xf32, #tpu.memory_space<vmem>>
      %dma_start3A_293 = arith.constant 0 : i32
      %dma_start3A_294 = tpu.memref_slice %arg7[%add3A_272, %dma_start3A_293] : memref<160x125xi32, #tpu.memory_space<vmem>> -> memref<1x125xi32, #tpu.memory_space<vmem>>
      %dma_start3A_295 = tpu.memref_squeeze %dma_start3A_294 : memref<1x125xi32, #tpu.memory_space<vmem>> -> memref<125xi32, #tpu.memory_space<vmem>>
      %dma_start3A_296 = arith.constant 0 : i32
      %dma_start3A_297 = arith.constant 0 : i32
      %dma_start3A_298 = tpu.memref_slice %arg30[%dma_start3A_296, %dma_start3A_297] : memref<10000x32xf32, #tpu.memory_space<vmem_shared>> -> memref<10000x32xf32, #tpu.memory_space<vmem_shared>>
      tpu.enqueue_indirect_dma source(%dma_start3A_292 : memref<125x32xf32, #tpu.memory_space<vmem>>) target(%dma_start3A_298 : memref<10000x32xf32, #tpu.memory_space<vmem_shared>>) offsets(%dma_start3A_295 : memref<125xi32, #tpu.memory_space<vmem>>) semaphore(%arg21 : memref<!tpu.dma_semaphore, #tpu.memory_space<semaphore_mem>>) {add = true}
      %add3A_299 = arith.constant 5 : i32
      %add3A_300 = arith.addi %add3A_272, %add3A_299 : i32
      %lt3A_301 = arith.constant 160 : i32
      %lt3A_302 = arith.cmpi slt, %add3A_300, %lt3A_301 : i32
      %convert_element_type3A_303 = arith.extui %lt3A_302 : i1 to i32
      %cond3A_304 = arith.constant 0 : i32
      %cond3A_305 = arith.cmpi ne, %convert_element_type3A_303, %cond3A_304 : i32
      scf.if %cond3A_305 {
        %ge3A = arith.constant 10 : i32
        %ge3A_602 = arith.cmpi sge, %add3A_300, %ge3A : i32
        %convert_element_type3A_603 = arith.extui %ge3A_602 : i1 to i32
        %cond3A_604 = arith.constant 0 : i32
        %cond3A_605 = arith.cmpi ne, %convert_element_type3A_603, %cond3A_604 : i32
        scf.if %cond3A_605 {
          %dma_wait3A_621 = arith.constant 6 : i32
          %dma_wait3A_622 = arith.constant 0 : i32
          %dma_wait3A_623 = arith.constant 0 : i32
          %dma_wait3A_624 = tpu.memref_slice %arg8[%dma_wait3A_621, %dma_wait3A_622, %dma_wait3A_623] : memref<10x125x32xf32, #tpu.memory_space<vmem>> -> memref<1x125x32xf32, #tpu.memory_space<vmem>>
          %dma_wait3A_625 = tpu.memref_squeeze %dma_wait3A_624 : memref<1x125x32xf32, #tpu.memory_space<vmem>> -> memref<125x32xf32, #tpu.memory_space<vmem>>
          %dma_wait3A_626 = arith.constant 0 : i32
          %dma_wait3A_627 = tpu.memref_slice %arg7[%add3A_300, %dma_wait3A_626] : memref<160x125xi32, #tpu.memory_space<vmem>> -> memref<1x125xi32, #tpu.memory_space<vmem>>
          %dma_wait3A_628 = tpu.memref_squeeze %dma_wait3A_627 : memref<1x125xi32, #tpu.memory_space<vmem>> -> memref<125xi32, #tpu.memory_space<vmem>>
          %dma_wait3A_629 = arith.constant 0 : i32
          %dma_wait3A_630 = arith.constant 0 : i32
          %dma_wait3A_631 = tpu.memref_slice %arg30[%dma_wait3A_629, %dma_wait3A_630] : memref<10000x32xf32, #tpu.memory_space<vmem_shared>> -> memref<10000x32xf32, #tpu.memory_space<vmem_shared>>
          tpu.wait_indirect_dma semaphore(%arg26 : memref<!tpu.dma_semaphore, #tpu.memory_space<semaphore_mem>>) src(%dma_wait3A_625 : memref<125x32xf32, #tpu.memory_space<vmem>>) dst(%dma_wait3A_631 : memref<10000x32xf32, #tpu.memory_space<vmem_shared>>)
        } else {
        }
        %dma_start3A_606 = arith.constant 6 : i32
        %dma_start3A_607 = arith.constant 0 : i32
        %dma_start3A_608 = arith.constant 0 : i32
        %dma_start3A_609 = tpu.memref_slice %arg8[%dma_start3A_606, %dma_start3A_607, %dma_start3A_608] : memref<10x125x32xf32, #tpu.memory_space<vmem>> -> memref<1x125x32xf32, #tpu.memory_space<vmem>>
        %dma_start3A_610 = tpu.memref_squeeze %dma_start3A_609 : memref<1x125x32xf32, #tpu.memory_space<vmem>> -> memref<125x32xf32, #tpu.memory_space<vmem>>
        %dma_start3A_611 = arith.constant 0 : i32
        %dma_start3A_612 = tpu.memref_slice %arg6[%add3A_300, %dma_start3A_611] : memref<160x125xi32, #tpu.memory_space<vmem>> -> memref<1x125xi32, #tpu.memory_space<vmem>>
        %dma_start3A_613 = tpu.memref_squeeze %dma_start3A_612 : memref<1x125xi32, #tpu.memory_space<vmem>> -> memref<125xi32, #tpu.memory_space<vmem>>
        %dma_start3A_614 = arith.constant 0 : i32
        %dma_start3A_615 = arith.constant 0 : i32
        %dma_start3A_616 = tpu.memref_slice %arg2[%arg0, %dma_start3A_614, %dma_start3A_615] : memref<2x10000x32xf32, #tpu.memory_space<hbm>> -> memref<1x10000x32xf32, #tpu.memory_space<hbm>>
        %dma_start3A_617 = tpu.memref_squeeze %dma_start3A_616 : memref<1x10000x32xf32, #tpu.memory_space<hbm>> -> memref<10000x32xf32, #tpu.memory_space<hbm>>
        %dma_start3A_618 = arith.constant 0 : i32
        %dma_start3A_619 = arith.constant 0 : i32
        %dma_start3A_620 = tpu.memref_slice %dma_start3A_617[%dma_start3A_618, %dma_start3A_619] : memref<10000x32xf32, #tpu.memory_space<hbm>> -> memref<10000x32xf32, #tpu.memory_space<hbm>>
        tpu.enqueue_indirect_dma source(%dma_start3A_620 : memref<10000x32xf32, #tpu.memory_space<hbm>>) target(%dma_start3A_610 : memref<125x32xf32, #tpu.memory_space<vmem>>) offsets(%dma_start3A_613 : memref<125xi32, #tpu.memory_space<vmem>>) semaphore(%arg16 : memref<!tpu.dma_semaphore, #tpu.memory_space<semaphore_mem>>)
      } else {
      }
      %mul3A_306 = arith.constant 10 : i32
      %mul3A_307 = arith.muli %scan3A_234, %mul3A_306 : i32
      %add3A_308 = arith.constant 2 : i32
      %add3A_309 = arith.addi %mul3A_307, %add3A_308 : i32
      %dma_wait3A_310 = arith.constant 2 : i32
      %dma_wait3A_311 = arith.constant 0 : i32
      %dma_wait3A_312 = arith.constant 0 : i32
      %dma_wait3A_313 = tpu.memref_slice %arg8[%dma_wait3A_310, %dma_wait3A_311, %dma_wait3A_312] : memref<10x125x32xf32, #tpu.memory_space<vmem>> -> memref<1x125x32xf32, #tpu.memory_space<vmem>>
      %dma_wait3A_314 = tpu.memref_squeeze %dma_wait3A_313 : memref<1x125x32xf32, #tpu.memory_space<vmem>> -> memref<125x32xf32, #tpu.memory_space<vmem>>
      %dma_wait3A_315 = arith.constant 0 : i32
      %dma_wait3A_316 = tpu.memref_slice %arg6[%add3A_309, %dma_wait3A_315] : memref<160x125xi32, #tpu.memory_space<vmem>> -> memref<1x125xi32, #tpu.memory_space<vmem>>
      %dma_wait3A_317 = tpu.memref_squeeze %dma_wait3A_316 : memref<1x125xi32, #tpu.memory_space<vmem>> -> memref<125xi32, #tpu.memory_space<vmem>>
      %dma_wait3A_318 = arith.constant 0 : i32
      %dma_wait3A_319 = arith.constant 0 : i32
      %dma_wait3A_320 = tpu.memref_slice %arg2[%arg0, %dma_wait3A_318, %dma_wait3A_319] : memref<2x10000x32xf32, #tpu.memory_space<hbm>> -> memref<1x10000x32xf32, #tpu.memory_space<hbm>>
      %dma_wait3A_321 = tpu.memref_squeeze %dma_wait3A_320 : memref<1x10000x32xf32, #tpu.memory_space<hbm>> -> memref<10000x32xf32, #tpu.memory_space<hbm>>
      %dma_wait3A_322 = arith.constant 0 : i32
      %dma_wait3A_323 = arith.constant 0 : i32
      %dma_wait3A_324 = tpu.memref_slice %dma_wait3A_321[%dma_wait3A_322, %dma_wait3A_323] : memref<10000x32xf32, #tpu.memory_space<hbm>> -> memref<10000x32xf32, #tpu.memory_space<hbm>>
      tpu.wait_indirect_dma semaphore(%arg12 : memref<!tpu.dma_semaphore, #tpu.memory_space<semaphore_mem>>) src(%dma_wait3A_324 : memref<10000x32xf32, #tpu.memory_space<hbm>>) dst(%dma_wait3A_314 : memref<125x32xf32, #tpu.memory_space<vmem>>)
      %dma_start3A_325 = arith.constant 2 : i32
      %dma_start3A_326 = arith.constant 0 : i32
      %dma_start3A_327 = arith.constant 0 : i32
      %dma_start3A_328 = tpu.memref_slice %arg8[%dma_start3A_325, %dma_start3A_326, %dma_start3A_327] : memref<10x125x32xf32, #tpu.memory_space<vmem>> -> memref<1x125x32xf32, #tpu.memory_space<vmem>>
      %dma_start3A_329 = tpu.memref_squeeze %dma_start3A_328 : memref<1x125x32xf32, #tpu.memory_space<vmem>> -> memref<125x32xf32, #tpu.memory_space<vmem>>
      %dma_start3A_330 = arith.constant 0 : i32
      %dma_start3A_331 = tpu.memref_slice %arg7[%add3A_309, %dma_start3A_330] : memref<160x125xi32, #tpu.memory_space<vmem>> -> memref<1x125xi32, #tpu.memory_space<vmem>>
      %dma_start3A_332 = tpu.memref_squeeze %dma_start3A_331 : memref<1x125xi32, #tpu.memory_space<vmem>> -> memref<125xi32, #tpu.memory_space<vmem>>
      %dma_start3A_333 = arith.constant 0 : i32
      %dma_start3A_334 = arith.constant 0 : i32
      %dma_start3A_335 = tpu.memref_slice %arg30[%dma_start3A_333, %dma_start3A_334] : memref<10000x32xf32, #tpu.memory_space<vmem_shared>> -> memref<10000x32xf32, #tpu.memory_space<vmem_shared>>
      tpu.enqueue_indirect_dma source(%dma_start3A_329 : memref<125x32xf32, #tpu.memory_space<vmem>>) target(%dma_start3A_335 : memref<10000x32xf32, #tpu.memory_space<vmem_shared>>) offsets(%dma_start3A_332 : memref<125xi32, #tpu.memory_space<vmem>>) semaphore(%arg22 : memref<!tpu.dma_semaphore, #tpu.memory_space<semaphore_mem>>) {add = true}
      %add3A_336 = arith.constant 5 : i32
      %add3A_337 = arith.addi %add3A_309, %add3A_336 : i32
      %lt3A_338 = arith.constant 160 : i32
      %lt3A_339 = arith.cmpi slt, %add3A_337, %lt3A_338 : i32
      %convert_element_type3A_340 = arith.extui %lt3A_339 : i1 to i32
      %cond3A_341 = arith.constant 0 : i32
      %cond3A_342 = arith.cmpi ne, %convert_element_type3A_340, %cond3A_341 : i32
      scf.if %cond3A_342 {
        %ge3A = arith.constant 10 : i32
        %ge3A_602 = arith.cmpi sge, %add3A_337, %ge3A : i32
        %convert_element_type3A_603 = arith.extui %ge3A_602 : i1 to i32
        %cond3A_604 = arith.constant 0 : i32
        %cond3A_605 = arith.cmpi ne, %convert_element_type3A_603, %cond3A_604 : i32
        scf.if %cond3A_605 {
          %dma_wait3A_621 = arith.constant 7 : i32
          %dma_wait3A_622 = arith.constant 0 : i32
          %dma_wait3A_623 = arith.constant 0 : i32
          %dma_wait3A_624 = tpu.memref_slice %arg8[%dma_wait3A_621, %dma_wait3A_622, %dma_wait3A_623] : memref<10x125x32xf32, #tpu.memory_space<vmem>> -> memref<1x125x32xf32, #tpu.memory_space<vmem>>
          %dma_wait3A_625 = tpu.memref_squeeze %dma_wait3A_624 : memref<1x125x32xf32, #tpu.memory_space<vmem>> -> memref<125x32xf32, #tpu.memory_space<vmem>>
          %dma_wait3A_626 = arith.constant 0 : i32
          %dma_wait3A_627 = tpu.memref_slice %arg7[%add3A_337, %dma_wait3A_626] : memref<160x125xi32, #tpu.memory_space<vmem>> -> memref<1x125xi32, #tpu.memory_space<vmem>>
          %dma_wait3A_628 = tpu.memref_squeeze %dma_wait3A_627 : memref<1x125xi32, #tpu.memory_space<vmem>> -> memref<125xi32, #tpu.memory_space<vmem>>
          %dma_wait3A_629 = arith.constant 0 : i32
          %dma_wait3A_630 = arith.constant 0 : i32
          %dma_wait3A_631 = tpu.memref_slice %arg30[%dma_wait3A_629, %dma_wait3A_630] : memref<10000x32xf32, #tpu.memory_space<vmem_shared>> -> memref<10000x32xf32, #tpu.memory_space<vmem_shared>>
          tpu.wait_indirect_dma semaphore(%arg27 : memref<!tpu.dma_semaphore, #tpu.memory_space<semaphore_mem>>) src(%dma_wait3A_625 : memref<125x32xf32, #tpu.memory_space<vmem>>) dst(%dma_wait3A_631 : memref<10000x32xf32, #tpu.memory_space<vmem_shared>>)
        } else {
        }
        %dma_start3A_606 = arith.constant 7 : i32
        %dma_start3A_607 = arith.constant 0 : i32
        %dma_start3A_608 = arith.constant 0 : i32
        %dma_start3A_609 = tpu.memref_slice %arg8[%dma_start3A_606, %dma_start3A_607, %dma_start3A_608] : memref<10x125x32xf32, #tpu.memory_space<vmem>> -> memref<1x125x32xf32, #tpu.memory_space<vmem>>
        %dma_start3A_610 = tpu.memref_squeeze %dma_start3A_609 : memref<1x125x32xf32, #tpu.memory_space<vmem>> -> memref<125x32xf32, #tpu.memory_space<vmem>>
        %dma_start3A_611 = arith.constant 0 : i32
        %dma_start3A_612 = tpu.memref_slice %arg6[%add3A_337, %dma_start3A_611] : memref<160x125xi32, #tpu.memory_space<vmem>> -> memref<1x125xi32, #tpu.memory_space<vmem>>
        %dma_start3A_613 = tpu.memref_squeeze %dma_start3A_612 : memref<1x125xi32, #tpu.memory_space<vmem>> -> memref<125xi32, #tpu.memory_space<vmem>>
        %dma_start3A_614 = arith.constant 0 : i32
        %dma_start3A_615 = arith.constant 0 : i32
        %dma_start3A_616 = tpu.memref_slice %arg2[%arg0, %dma_start3A_614, %dma_start3A_615] : memref<2x10000x32xf32, #tpu.memory_space<hbm>> -> memref<1x10000x32xf32, #tpu.memory_space<hbm>>
        %dma_start3A_617 = tpu.memref_squeeze %dma_start3A_616 : memref<1x10000x32xf32, #tpu.memory_space<hbm>> -> memref<10000x32xf32, #tpu.memory_space<hbm>>
        %dma_start3A_618 = arith.constant 0 : i32
        %dma_start3A_619 = arith.constant 0 : i32
        %dma_start3A_620 = tpu.memref_slice %dma_start3A_617[%dma_start3A_618, %dma_start3A_619] : memref<10000x32xf32, #tpu.memory_space<hbm>> -> memref<10000x32xf32, #tpu.memory_space<hbm>>
        tpu.enqueue_indirect_dma source(%dma_start3A_620 : memref<10000x32xf32, #tpu.memory_space<hbm>>) target(%dma_start3A_610 : memref<125x32xf32, #tpu.memory_space<vmem>>) offsets(%dma_start3A_613 : memref<125xi32, #tpu.memory_space<vmem>>) semaphore(%arg17 : memref<!tpu.dma_semaphore, #tpu.memory_space<semaphore_mem>>)
      } else {
      }
      %mul3A_343 = arith.constant 10 : i32
      %mul3A_344 = arith.muli %scan3A_234, %mul3A_343 : i32
      %add3A_345 = arith.constant 3 : i32
      %add3A_346 = arith.addi %mul3A_344, %add3A_345 : i32
      %dma_wait3A_347 = arith.constant 3 : i32
      %dma_wait3A_348 = arith.constant 0 : i32
      %dma_wait3A_349 = arith.constant 0 : i32
      %dma_wait3A_350 = tpu.memref_slice %arg8[%dma_wait3A_347, %dma_wait3A_348, %dma_wait3A_349] : memref<10x125x32xf32, #tpu.memory_space<vmem>> -> memref<1x125x32xf32, #tpu.memory_space<vmem>>
      %dma_wait3A_351 = tpu.memref_squeeze %dma_wait3A_350 : memref<1x125x32xf32, #tpu.memory_space<vmem>> -> memref<125x32xf32, #tpu.memory_space<vmem>>
      %dma_wait3A_352 = arith.constant 0 : i32
      %dma_wait3A_353 = tpu.memref_slice %arg6[%add3A_346, %dma_wait3A_352] : memref<160x125xi32, #tpu.memory_space<vmem>> -> memref<1x125xi32, #tpu.memory_space<vmem>>
      %dma_wait3A_354 = tpu.memref_squeeze %dma_wait3A_353 : memref<1x125xi32, #tpu.memory_space<vmem>> -> memref<125xi32, #tpu.memory_space<vmem>>
      %dma_wait3A_355 = arith.constant 0 : i32
      %dma_wait3A_356 = arith.constant 0 : i32
      %dma_wait3A_357 = tpu.memref_slice %arg2[%arg0, %dma_wait3A_355, %dma_wait3A_356] : memref<2x10000x32xf32, #tpu.memory_space<hbm>> -> memref<1x10000x32xf32, #tpu.memory_space<hbm>>
      %dma_wait3A_358 = tpu.memref_squeeze %dma_wait3A_357 : memref<1x10000x32xf32, #tpu.memory_space<hbm>> -> memref<10000x32xf32, #tpu.memory_space<hbm>>
      %dma_wait3A_359 = arith.constant 0 : i32
      %dma_wait3A_360 = arith.constant 0 : i32
      %dma_wait3A_361 = tpu.memref_slice %dma_wait3A_358[%dma_wait3A_359, %dma_wait3A_360] : memref<10000x32xf32, #tpu.memory_space<hbm>> -> memref<10000x32xf32, #tpu.memory_space<hbm>>
      tpu.wait_indirect_dma semaphore(%arg13 : memref<!tpu.dma_semaphore, #tpu.memory_space<semaphore_mem>>) src(%dma_wait3A_361 : memref<10000x32xf32, #tpu.memory_space<hbm>>) dst(%dma_wait3A_351 : memref<125x32xf32, #tpu.memory_space<vmem>>)
      %dma_start3A_362 = arith.constant 3 : i32
      %dma_start3A_363 = arith.constant 0 : i32
      %dma_start3A_364 = arith.constant 0 : i32
      %dma_start3A_365 = tpu.memref_slice %arg8[%dma_start3A_362, %dma_start3A_363, %dma_start3A_364] : memref<10x125x32xf32, #tpu.memory_space<vmem>> -> memref<1x125x32xf32, #tpu.memory_space<vmem>>
      %dma_start3A_366 = tpu.memref_squeeze %dma_start3A_365 : memref<1x125x32xf32, #tpu.memory_space<vmem>> -> memref<125x32xf32, #tpu.memory_space<vmem>>
      %dma_start3A_367 = arith.constant 0 : i32
      %dma_start3A_368 = tpu.memref_slice %arg7[%add3A_346, %dma_start3A_367] : memref<160x125xi32, #tpu.memory_space<vmem>> -> memref<1x125xi32, #tpu.memory_space<vmem>>
      %dma_start3A_369 = tpu.memref_squeeze %dma_start3A_368 : memref<1x125xi32, #tpu.memory_space<vmem>> -> memref<125xi32, #tpu.memory_space<vmem>>
      %dma_start3A_370 = arith.constant 0 : i32
      %dma_start3A_371 = arith.constant 0 : i32
      %dma_start3A_372 = tpu.memref_slice %arg30[%dma_start3A_370, %dma_start3A_371] : memref<10000x32xf32, #tpu.memory_space<vmem_shared>> -> memref<10000x32xf32, #tpu.memory_space<vmem_shared>>
      tpu.enqueue_indirect_dma source(%dma_start3A_366 : memref<125x32xf32, #tpu.memory_space<vmem>>) target(%dma_start3A_372 : memref<10000x32xf32, #tpu.memory_space<vmem_shared>>) offsets(%dma_start3A_369 : memref<125xi32, #tpu.memory_space<vmem>>) semaphore(%arg23 : memref<!tpu.dma_semaphore, #tpu.memory_space<semaphore_mem>>) {add = true}
      %add3A_373 = arith.constant 5 : i32
      %add3A_374 = arith.addi %add3A_346, %add3A_373 : i32
      %lt3A_375 = arith.constant 160 : i32
      %lt3A_376 = arith.cmpi slt, %add3A_374, %lt3A_375 : i32
      %convert_element_type3A_377 = arith.extui %lt3A_376 : i1 to i32
      %cond3A_378 = arith.constant 0 : i32
      %cond3A_379 = arith.cmpi ne, %convert_element_type3A_377, %cond3A_378 : i32
      scf.if %cond3A_379 {
        %ge3A = arith.constant 10 : i32
        %ge3A_602 = arith.cmpi sge, %add3A_374, %ge3A : i32
        %convert_element_type3A_603 = arith.extui %ge3A_602 : i1 to i32
        %cond3A_604 = arith.constant 0 : i32
        %cond3A_605 = arith.cmpi ne, %convert_element_type3A_603, %cond3A_604 : i32
        scf.if %cond3A_605 {
          %dma_wait3A_621 = arith.constant 8 : i32
          %dma_wait3A_622 = arith.constant 0 : i32
          %dma_wait3A_623 = arith.constant 0 : i32
          %dma_wait3A_624 = tpu.memref_slice %arg8[%dma_wait3A_621, %dma_wait3A_622, %dma_wait3A_623] : memref<10x125x32xf32, #tpu.memory_space<vmem>> -> memref<1x125x32xf32, #tpu.memory_space<vmem>>
          %dma_wait3A_625 = tpu.memref_squeeze %dma_wait3A_624 : memref<1x125x32xf32, #tpu.memory_space<vmem>> -> memref<125x32xf32, #tpu.memory_space<vmem>>
          %dma_wait3A_626 = arith.constant 0 : i32
          %dma_wait3A_627 = tpu.memref_slice %arg7[%add3A_374, %dma_wait3A_626] : memref<160x125xi32, #tpu.memory_space<vmem>> -> memref<1x125xi32, #tpu.memory_space<vmem>>
          %dma_wait3A_628 = tpu.memref_squeeze %dma_wait3A_627 : memref<1x125xi32, #tpu.memory_space<vmem>> -> memref<125xi32, #tpu.memory_space<vmem>>
          %dma_wait3A_629 = arith.constant 0 : i32
          %dma_wait3A_630 = arith.constant 0 : i32
          %dma_wait3A_631 = tpu.memref_slice %arg30[%dma_wait3A_629, %dma_wait3A_630] : memref<10000x32xf32, #tpu.memory_space<vmem_shared>> -> memref<10000x32xf32, #tpu.memory_space<vmem_shared>>
          tpu.wait_indirect_dma semaphore(%arg28 : memref<!tpu.dma_semaphore, #tpu.memory_space<semaphore_mem>>) src(%dma_wait3A_625 : memref<125x32xf32, #tpu.memory_space<vmem>>) dst(%dma_wait3A_631 : memref<10000x32xf32, #tpu.memory_space<vmem_shared>>)
        } else {
        }
        %dma_start3A_606 = arith.constant 8 : i32
        %dma_start3A_607 = arith.constant 0 : i32
        %dma_start3A_608 = arith.constant 0 : i32
        %dma_start3A_609 = tpu.memref_slice %arg8[%dma_start3A_606, %dma_start3A_607, %dma_start3A_608] : memref<10x125x32xf32, #tpu.memory_space<vmem>> -> memref<1x125x32xf32, #tpu.memory_space<vmem>>
        %dma_start3A_610 = tpu.memref_squeeze %dma_start3A_609 : memref<1x125x32xf32, #tpu.memory_space<vmem>> -> memref<125x32xf32, #tpu.memory_space<vmem>>
        %dma_start3A_611 = arith.constant 0 : i32
        %dma_start3A_612 = tpu.memref_slice %arg6[%add3A_374, %dma_start3A_611] : memref<160x125xi32, #tpu.memory_space<vmem>> -> memref<1x125xi32, #tpu.memory_space<vmem>>
        %dma_start3A_613 = tpu.memref_squeeze %dma_start3A_612 : memref<1x125xi32, #tpu.memory_space<vmem>> -> memref<125xi32, #tpu.memory_space<vmem>>
        %dma_start3A_614 = arith.constant 0 : i32
        %dma_start3A_615 = arith.constant 0 : i32
        %dma_start3A_616 = tpu.memref_slice %arg2[%arg0, %dma_start3A_614, %dma_start3A_615] : memref<2x10000x32xf32, #tpu.memory_space<hbm>> -> memref<1x10000x32xf32, #tpu.memory_space<hbm>>
        %dma_start3A_617 = tpu.memref_squeeze %dma_start3A_616 : memref<1x10000x32xf32, #tpu.memory_space<hbm>> -> memref<10000x32xf32, #tpu.memory_space<hbm>>
        %dma_start3A_618 = arith.constant 0 : i32
        %dma_start3A_619 = arith.constant 0 : i32
        %dma_start3A_620 = tpu.memref_slice %dma_start3A_617[%dma_start3A_618, %dma_start3A_619] : memref<10000x32xf32, #tpu.memory_space<hbm>> -> memref<10000x32xf32, #tpu.memory_space<hbm>>
        tpu.enqueue_indirect_dma source(%dma_start3A_620 : memref<10000x32xf32, #tpu.memory_space<hbm>>) target(%dma_start3A_610 : memref<125x32xf32, #tpu.memory_space<vmem>>) offsets(%dma_start3A_613 : memref<125xi32, #tpu.memory_space<vmem>>) semaphore(%arg18 : memref<!tpu.dma_semaphore, #tpu.memory_space<semaphore_mem>>)
      } else {
      }
      %mul3A_380 = arith.constant 10 : i32
      %mul3A_381 = arith.muli %scan3A_234, %mul3A_380 : i32
      %add3A_382 = arith.constant 4 : i32
      %add3A_383 = arith.addi %mul3A_381, %add3A_382 : i32
      %dma_wait3A_384 = arith.constant 4 : i32
      %dma_wait3A_385 = arith.constant 0 : i32
      %dma_wait3A_386 = arith.constant 0 : i32
      %dma_wait3A_387 = tpu.memref_slice %arg8[%dma_wait3A_384, %dma_wait3A_385, %dma_wait3A_386] : memref<10x125x32xf32, #tpu.memory_space<vmem>> -> memref<1x125x32xf32, #tpu.memory_space<vmem>>
      %dma_wait3A_388 = tpu.memref_squeeze %dma_wait3A_387 : memref<1x125x32xf32, #tpu.memory_space<vmem>> -> memref<125x32xf32, #tpu.memory_space<vmem>>
      %dma_wait3A_389 = arith.constant 0 : i32
      %dma_wait3A_390 = tpu.memref_slice %arg6[%add3A_383, %dma_wait3A_389] : memref<160x125xi32, #tpu.memory_space<vmem>> -> memref<1x125xi32, #tpu.memory_space<vmem>>
      %dma_wait3A_391 = tpu.memref_squeeze %dma_wait3A_390 : memref<1x125xi32, #tpu.memory_space<vmem>> -> memref<125xi32, #tpu.memory_space<vmem>>
      %dma_wait3A_392 = arith.constant 0 : i32
      %dma_wait3A_393 = arith.constant 0 : i32
      %dma_wait3A_394 = tpu.memref_slice %arg2[%arg0, %dma_wait3A_392, %dma_wait3A_393] : memref<2x10000x32xf32, #tpu.memory_space<hbm>> -> memref<1x10000x32xf32, #tpu.memory_space<hbm>>
      %dma_wait3A_395 = tpu.memref_squeeze %dma_wait3A_394 : memref<1x10000x32xf32, #tpu.memory_space<hbm>> -> memref<10000x32xf32, #tpu.memory_space<hbm>>
      %dma_wait3A_396 = arith.constant 0 : i32
      %dma_wait3A_397 = arith.constant 0 : i32
      %dma_wait3A_398 = tpu.memref_slice %dma_wait3A_395[%dma_wait3A_396, %dma_wait3A_397] : memref<10000x32xf32, #tpu.memory_space<hbm>> -> memref<10000x32xf32, #tpu.memory_space<hbm>>
      tpu.wait_indirect_dma semaphore(%arg14 : memref<!tpu.dma_semaphore, #tpu.memory_space<semaphore_mem>>) src(%dma_wait3A_398 : memref<10000x32xf32, #tpu.memory_space<hbm>>) dst(%dma_wait3A_388 : memref<125x32xf32, #tpu.memory_space<vmem>>)
      %dma_start3A_399 = arith.constant 4 : i32
      %dma_start3A_400 = arith.constant 0 : i32
      %dma_start3A_401 = arith.constant 0 : i32
      %dma_start3A_402 = tpu.memref_slice %arg8[%dma_start3A_399, %dma_start3A_400, %dma_start3A_401] : memref<10x125x32xf32, #tpu.memory_space<vmem>> -> memref<1x125x32xf32, #tpu.memory_space<vmem>>
      %dma_start3A_403 = tpu.memref_squeeze %dma_start3A_402 : memref<1x125x32xf32, #tpu.memory_space<vmem>> -> memref<125x32xf32, #tpu.memory_space<vmem>>
      %dma_start3A_404 = arith.constant 0 : i32
      %dma_start3A_405 = tpu.memref_slice %arg7[%add3A_383, %dma_start3A_404] : memref<160x125xi32, #tpu.memory_space<vmem>> -> memref<1x125xi32, #tpu.memory_space<vmem>>
      %dma_start3A_406 = tpu.memref_squeeze %dma_start3A_405 : memref<1x125xi32, #tpu.memory_space<vmem>> -> memref<125xi32, #tpu.memory_space<vmem>>
      %dma_start3A_407 = arith.constant 0 : i32
      %dma_start3A_408 = arith.constant 0 : i32
      %dma_start3A_409 = tpu.memref_slice %arg30[%dma_start3A_407, %dma_start3A_408] : memref<10000x32xf32, #tpu.memory_space<vmem_shared>> -> memref<10000x32xf32, #tpu.memory_space<vmem_shared>>
      tpu.enqueue_indirect_dma source(%dma_start3A_403 : memref<125x32xf32, #tpu.memory_space<vmem>>) target(%dma_start3A_409 : memref<10000x32xf32, #tpu.memory_space<vmem_shared>>) offsets(%dma_start3A_406 : memref<125xi32, #tpu.memory_space<vmem>>) semaphore(%arg24 : memref<!tpu.dma_semaphore, #tpu.memory_space<semaphore_mem>>) {add = true}
      %add3A_410 = arith.constant 5 : i32
      %add3A_411 = arith.addi %add3A_383, %add3A_410 : i32
      %lt3A_412 = arith.constant 160 : i32
      %lt3A_413 = arith.cmpi slt, %add3A_411, %lt3A_412 : i32
      %convert_element_type3A_414 = arith.extui %lt3A_413 : i1 to i32
      %cond3A_415 = arith.constant 0 : i32
      %cond3A_416 = arith.cmpi ne, %convert_element_type3A_414, %cond3A_415 : i32
      scf.if %cond3A_416 {
        %ge3A = arith.constant 10 : i32
        %ge3A_602 = arith.cmpi sge, %add3A_411, %ge3A : i32
        %convert_element_type3A_603 = arith.extui %ge3A_602 : i1 to i32
        %cond3A_604 = arith.constant 0 : i32
        %cond3A_605 = arith.cmpi ne, %convert_element_type3A_603, %cond3A_604 : i32
        scf.if %cond3A_605 {
          %dma_wait3A_621 = arith.constant 9 : i32
          %dma_wait3A_622 = arith.constant 0 : i32
          %dma_wait3A_623 = arith.constant 0 : i32
          %dma_wait3A_624 = tpu.memref_slice %arg8[%dma_wait3A_621, %dma_wait3A_622, %dma_wait3A_623] : memref<10x125x32xf32, #tpu.memory_space<vmem>> -> memref<1x125x32xf32, #tpu.memory_space<vmem>>
          %dma_wait3A_625 = tpu.memref_squeeze %dma_wait3A_624 : memref<1x125x32xf32, #tpu.memory_space<vmem>> -> memref<125x32xf32, #tpu.memory_space<vmem>>
          %dma_wait3A_626 = arith.constant 0 : i32
          %dma_wait3A_627 = tpu.memref_slice %arg7[%add3A_411, %dma_wait3A_626] : memref<160x125xi32, #tpu.memory_space<vmem>> -> memref<1x125xi32, #tpu.memory_space<vmem>>
          %dma_wait3A_628 = tpu.memref_squeeze %dma_wait3A_627 : memref<1x125xi32, #tpu.memory_space<vmem>> -> memref<125xi32, #tpu.memory_space<vmem>>
          %dma_wait3A_629 = arith.constant 0 : i32
          %dma_wait3A_630 = arith.constant 0 : i32
          %dma_wait3A_631 = tpu.memref_slice %arg30[%dma_wait3A_629, %dma_wait3A_630] : memref<10000x32xf32, #tpu.memory_space<vmem_shared>> -> memref<10000x32xf32, #tpu.memory_space<vmem_shared>>
          tpu.wait_indirect_dma semaphore(%arg29 : memref<!tpu.dma_semaphore, #tpu.memory_space<semaphore_mem>>) src(%dma_wait3A_625 : memref<125x32xf32, #tpu.memory_space<vmem>>) dst(%dma_wait3A_631 : memref<10000x32xf32, #tpu.memory_space<vmem_shared>>)
        } else {
        }
        %dma_start3A_606 = arith.constant 9 : i32
        %dma_start3A_607 = arith.constant 0 : i32
        %dma_start3A_608 = arith.constant 0 : i32
        %dma_start3A_609 = tpu.memref_slice %arg8[%dma_start3A_606, %dma_start3A_607, %dma_start3A_608] : memref<10x125x32xf32, #tpu.memory_space<vmem>> -> memref<1x125x32xf32, #tpu.memory_space<vmem>>
        %dma_start3A_610 = tpu.memref_squeeze %dma_start3A_609 : memref<1x125x32xf32, #tpu.memory_space<vmem>> -> memref<125x32xf32, #tpu.memory_space<vmem>>
        %dma_start3A_611 = arith.constant 0 : i32
        %dma_start3A_612 = tpu.memref_slice %arg6[%add3A_411, %dma_start3A_611] : memref<160x125xi32, #tpu.memory_space<vmem>> -> memref<1x125xi32, #tpu.memory_space<vmem>>
        %dma_start3A_613 = tpu.memref_squeeze %dma_start3A_612 : memref<1x125xi32, #tpu.memory_space<vmem>> -> memref<125xi32, #tpu.memory_space<vmem>>
        %dma_start3A_614 = arith.constant 0 : i32
        %dma_start3A_615 = arith.constant 0 : i32
        %dma_start3A_616 = tpu.memref_slice %arg2[%arg0, %dma_start3A_614, %dma_start3A_615] : memref<2x10000x32xf32, #tpu.memory_space<hbm>> -> memref<1x10000x32xf32, #tpu.memory_space<hbm>>
        %dma_start3A_617 = tpu.memref_squeeze %dma_start3A_616 : memref<1x10000x32xf32, #tpu.memory_space<hbm>> -> memref<10000x32xf32, #tpu.memory_space<hbm>>
        %dma_start3A_618 = arith.constant 0 : i32
        %dma_start3A_619 = arith.constant 0 : i32
        %dma_start3A_620 = tpu.memref_slice %dma_start3A_617[%dma_start3A_618, %dma_start3A_619] : memref<10000x32xf32, #tpu.memory_space<hbm>> -> memref<10000x32xf32, #tpu.memory_space<hbm>>
        tpu.enqueue_indirect_dma source(%dma_start3A_620 : memref<10000x32xf32, #tpu.memory_space<hbm>>) target(%dma_start3A_610 : memref<125x32xf32, #tpu.memory_space<vmem>>) offsets(%dma_start3A_613 : memref<125xi32, #tpu.memory_space<vmem>>) semaphore(%arg19 : memref<!tpu.dma_semaphore, #tpu.memory_space<semaphore_mem>>)
      } else {
      }
      %mul3A_417 = arith.constant 10 : i32
      %mul3A_418 = arith.muli %scan3A_234, %mul3A_417 : i32
      %add3A_419 = arith.constant 5 : i32
      %add3A_420 = arith.addi %mul3A_418, %add3A_419 : i32
      %dma_wait3A_421 = arith.constant 5 : i32
      %dma_wait3A_422 = arith.constant 0 : i32
      %dma_wait3A_423 = arith.constant 0 : i32
      %dma_wait3A_424 = tpu.memref_slice %arg8[%dma_wait3A_421, %dma_wait3A_422, %dma_wait3A_423] : memref<10x125x32xf32, #tpu.memory_space<vmem>> -> memref<1x125x32xf32, #tpu.memory_space<vmem>>
      %dma_wait3A_425 = tpu.memref_squeeze %dma_wait3A_424 : memref<1x125x32xf32, #tpu.memory_space<vmem>> -> memref<125x32xf32, #tpu.memory_space<vmem>>
      %dma_wait3A_426 = arith.constant 0 : i32
      %dma_wait3A_427 = tpu.memref_slice %arg6[%add3A_420, %dma_wait3A_426] : memref<160x125xi32, #tpu.memory_space<vmem>> -> memref<1x125xi32, #tpu.memory_space<vmem>>
      %dma_wait3A_428 = tpu.memref_squeeze %dma_wait3A_427 : memref<1x125xi32, #tpu.memory_space<vmem>> -> memref<125xi32, #tpu.memory_space<vmem>>
      %dma_wait3A_429 = arith.constant 0 : i32
      %dma_wait3A_430 = arith.constant 0 : i32
      %dma_wait3A_431 = tpu.memref_slice %arg2[%arg0, %dma_wait3A_429, %dma_wait3A_430] : memref<2x10000x32xf32, #tpu.memory_space<hbm>> -> memref<1x10000x32xf32, #tpu.memory_space<hbm>>
      %dma_wait3A_432 = tpu.memref_squeeze %dma_wait3A_431 : memref<1x10000x32xf32, #tpu.memory_space<hbm>> -> memref<10000x32xf32, #tpu.memory_space<hbm>>
      %dma_wait3A_433 = arith.constant 0 : i32
      %dma_wait3A_434 = arith.constant 0 : i32
      %dma_wait3A_435 = tpu.memref_slice %dma_wait3A_432[%dma_wait3A_433, %dma_wait3A_434] : memref<10000x32xf32, #tpu.memory_space<hbm>> -> memref<10000x32xf32, #tpu.memory_space<hbm>>
      tpu.wait_indirect_dma semaphore(%arg15 : memref<!tpu.dma_semaphore, #tpu.memory_space<semaphore_mem>>) src(%dma_wait3A_435 : memref<10000x32xf32, #tpu.memory_space<hbm>>) dst(%dma_wait3A_425 : memref<125x32xf32, #tpu.memory_space<vmem>>)
      %dma_start3A_436 = arith.constant 5 : i32
      %dma_start3A_437 = arith.constant 0 : i32
      %dma_start3A_438 = arith.constant 0 : i32
      %dma_start3A_439 = tpu.memref_slice %arg8[%dma_start3A_436, %dma_start3A_437, %dma_start3A_438] : memref<10x125x32xf32, #tpu.memory_space<vmem>> -> memref<1x125x32xf32, #tpu.memory_space<vmem>>
      %dma_start3A_440 = tpu.memref_squeeze %dma_start3A_439 : memref<1x125x32xf32, #tpu.memory_space<vmem>> -> memref<125x32xf32, #tpu.memory_space<vmem>>
      %dma_start3A_441 = arith.constant 0 : i32
      %dma_start3A_442 = tpu.memref_slice %arg7[%add3A_420, %dma_start3A_441] : memref<160x125xi32, #tpu.memory_space<vmem>> -> memref<1x125xi32, #tpu.memory_space<vmem>>
      %dma_start3A_443 = tpu.memref_squeeze %dma_start3A_442 : memref<1x125xi32, #tpu.memory_space<vmem>> -> memref<125xi32, #tpu.memory_space<vmem>>
      %dma_start3A_444 = arith.constant 0 : i32
      %dma_start3A_445 = arith.constant 0 : i32
      %dma_start3A_446 = tpu.memref_slice %arg30[%dma_start3A_444, %dma_start3A_445] : memref<10000x32xf32, #tpu.memory_space<vmem_shared>> -> memref<10000x32xf32, #tpu.memory_space<vmem_shared>>
      tpu.enqueue_indirect_dma source(%dma_start3A_440 : memref<125x32xf32, #tpu.memory_space<vmem>>) target(%dma_start3A_446 : memref<10000x32xf32, #tpu.memory_space<vmem_shared>>) offsets(%dma_start3A_443 : memref<125xi32, #tpu.memory_space<vmem>>) semaphore(%arg25 : memref<!tpu.dma_semaphore, #tpu.memory_space<semaphore_mem>>) {add = true}
      %add3A_447 = arith.constant 5 : i32
      %add3A_448 = arith.addi %add3A_420, %add3A_447 : i32
      %lt3A_449 = arith.constant 160 : i32
      %lt3A_450 = arith.cmpi slt, %add3A_448, %lt3A_449 : i32
      %convert_element_type3A_451 = arith.extui %lt3A_450 : i1 to i32
      %cond3A_452 = arith.constant 0 : i32
      %cond3A_453 = arith.cmpi ne, %convert_element_type3A_451, %cond3A_452 : i32
      scf.if %cond3A_453 {
        %ge3A = arith.constant 10 : i32
        %ge3A_602 = arith.cmpi sge, %add3A_448, %ge3A : i32
        %convert_element_type3A_603 = arith.extui %ge3A_602 : i1 to i32
        %cond3A_604 = arith.constant 0 : i32
        %cond3A_605 = arith.cmpi ne, %convert_element_type3A_603, %cond3A_604 : i32
        scf.if %cond3A_605 {
          %dma_wait3A_621 = arith.constant 0 : i32
          %dma_wait3A_622 = arith.constant 0 : i32
          %dma_wait3A_623 = arith.constant 0 : i32
          %dma_wait3A_624 = tpu.memref_slice %arg8[%dma_wait3A_621, %dma_wait3A_622, %dma_wait3A_623] : memref<10x125x32xf32, #tpu.memory_space<vmem>> -> memref<1x125x32xf32, #tpu.memory_space<vmem>>
          %dma_wait3A_625 = tpu.memref_squeeze %dma_wait3A_624 : memref<1x125x32xf32, #tpu.memory_space<vmem>> -> memref<125x32xf32, #tpu.memory_space<vmem>>
          %dma_wait3A_626 = arith.constant 0 : i32
          %dma_wait3A_627 = tpu.memref_slice %arg7[%add3A_448, %dma_wait3A_626] : memref<160x125xi32, #tpu.memory_space<vmem>> -> memref<1x125xi32, #tpu.memory_space<vmem>>
          %dma_wait3A_628 = tpu.memref_squeeze %dma_wait3A_627 : memref<1x125xi32, #tpu.memory_space<vmem>> -> memref<125xi32, #tpu.memory_space<vmem>>
          %dma_wait3A_629 = arith.constant 0 : i32
          %dma_wait3A_630 = arith.constant 0 : i32
          %dma_wait3A_631 = tpu.memref_slice %arg30[%dma_wait3A_629, %dma_wait3A_630] : memref<10000x32xf32, #tpu.memory_space<vmem_shared>> -> memref<10000x32xf32, #tpu.memory_space<vmem_shared>>
          tpu.wait_indirect_dma semaphore(%arg20 : memref<!tpu.dma_semaphore, #tpu.memory_space<semaphore_mem>>) src(%dma_wait3A_625 : memref<125x32xf32, #tpu.memory_space<vmem>>) dst(%dma_wait3A_631 : memref<10000x32xf32, #tpu.memory_space<vmem_shared>>)
        } else {
        }
        %dma_start3A_606 = arith.constant 0 : i32
        %dma_start3A_607 = arith.constant 0 : i32
        %dma_start3A_608 = arith.constant 0 : i32
        %dma_start3A_609 = tpu.memref_slice %arg8[%dma_start3A_606, %dma_start3A_607, %dma_start3A_608] : memref<10x125x32xf32, #tpu.memory_space<vmem>> -> memref<1x125x32xf32, #tpu.memory_space<vmem>>
        %dma_start3A_610 = tpu.memref_squeeze %dma_start3A_609 : memref<1x125x32xf32, #tpu.memory_space<vmem>> -> memref<125x32xf32, #tpu.memory_space<vmem>>
        %dma_start3A_611 = arith.constant 0 : i32
        %dma_start3A_612 = tpu.memref_slice %arg6[%add3A_448, %dma_start3A_611] : memref<160x125xi32, #tpu.memory_space<vmem>> -> memref<1x125xi32, #tpu.memory_space<vmem>>
        %dma_start3A_613 = tpu.memref_squeeze %dma_start3A_612 : memref<1x125xi32, #tpu.memory_space<vmem>> -> memref<125xi32, #tpu.memory_space<vmem>>
        %dma_start3A_614 = arith.constant 0 : i32
        %dma_start3A_615 = arith.constant 0 : i32
        %dma_start3A_616 = tpu.memref_slice %arg2[%arg0, %dma_start3A_614, %dma_start3A_615] : memref<2x10000x32xf32, #tpu.memory_space<hbm>> -> memref<1x10000x32xf32, #tpu.memory_space<hbm>>
        %dma_start3A_617 = tpu.memref_squeeze %dma_start3A_616 : memref<1x10000x32xf32, #tpu.memory_space<hbm>> -> memref<10000x32xf32, #tpu.memory_space<hbm>>
        %dma_start3A_618 = arith.constant 0 : i32
        %dma_start3A_619 = arith.constant 0 : i32
        %dma_start3A_620 = tpu.memref_slice %dma_start3A_617[%dma_start3A_618, %dma_start3A_619] : memref<10000x32xf32, #tpu.memory_space<hbm>> -> memref<10000x32xf32, #tpu.memory_space<hbm>>
        tpu.enqueue_indirect_dma source(%dma_start3A_620 : memref<10000x32xf32, #tpu.memory_space<hbm>>) target(%dma_start3A_610 : memref<125x32xf32, #tpu.memory_space<vmem>>) offsets(%dma_start3A_613 : memref<125xi32, #tpu.memory_space<vmem>>) semaphore(%arg10 : memref<!tpu.dma_semaphore, #tpu.memory_space<semaphore_mem>>)
      } else {
      }
      %mul3A_454 = arith.constant 10 : i32
      %mul3A_455 = arith.muli %scan3A_234, %mul3A_454 : i32
      %add3A_456 = arith.constant 6 : i32
      %add3A_457 = arith.addi %mul3A_455, %add3A_456 : i32
      %dma_wait3A_458 = arith.constant 6 : i32
      %dma_wait3A_459 = arith.constant 0 : i32
      %dma_wait3A_460 = arith.constant 0 : i32
      %dma_wait3A_461 = tpu.memref_slice %arg8[%dma_wait3A_458, %dma_wait3A_459, %dma_wait3A_460] : memref<10x125x32xf32, #tpu.memory_space<vmem>> -> memref<1x125x32xf32, #tpu.memory_space<vmem>>
      %dma_wait3A_462 = tpu.memref_squeeze %dma_wait3A_461 : memref<1x125x32xf32, #tpu.memory_space<vmem>> -> memref<125x32xf32, #tpu.memory_space<vmem>>
      %dma_wait3A_463 = arith.constant 0 : i32
      %dma_wait3A_464 = tpu.memref_slice %arg6[%add3A_457, %dma_wait3A_463] : memref<160x125xi32, #tpu.memory_space<vmem>> -> memref<1x125xi32, #tpu.memory_space<vmem>>
      %dma_wait3A_465 = tpu.memref_squeeze %dma_wait3A_464 : memref<1x125xi32, #tpu.memory_space<vmem>> -> memref<125xi32, #tpu.memory_space<vmem>>
      %dma_wait3A_466 = arith.constant 0 : i32
      %dma_wait3A_467 = arith.constant 0 : i32
      %dma_wait3A_468 = tpu.memref_slice %arg2[%arg0, %dma_wait3A_466, %dma_wait3A_467] : memref<2x10000x32xf32, #tpu.memory_space<hbm>> -> memref<1x10000x32xf32, #tpu.memory_space<hbm>>
      %dma_wait3A_469 = tpu.memref_squeeze %dma_wait3A_468 : memref<1x10000x32xf32, #tpu.memory_space<hbm>> -> memref<10000x32xf32, #tpu.memory_space<hbm>>
      %dma_wait3A_470 = arith.constant 0 : i32
      %dma_wait3A_471 = arith.constant 0 : i32
      %dma_wait3A_472 = tpu.memref_slice %dma_wait3A_469[%dma_wait3A_470, %dma_wait3A_471] : memref<10000x32xf32, #tpu.memory_space<hbm>> -> memref<10000x32xf32, #tpu.memory_space<hbm>>
      tpu.wait_indirect_dma semaphore(%arg16 : memref<!tpu.dma_semaphore, #tpu.memory_space<semaphore_mem>>) src(%dma_wait3A_472 : memref<10000x32xf32, #tpu.memory_space<hbm>>) dst(%dma_wait3A_462 : memref<125x32xf32, #tpu.memory_space<vmem>>)
      %dma_start3A_473 = arith.constant 6 : i32
      %dma_start3A_474 = arith.constant 0 : i32
      %dma_start3A_475 = arith.constant 0 : i32
      %dma_start3A_476 = tpu.memref_slice %arg8[%dma_start3A_473, %dma_start3A_474, %dma_start3A_475] : memref<10x125x32xf32, #tpu.memory_space<vmem>> -> memref<1x125x32xf32, #tpu.memory_space<vmem>>
      %dma_start3A_477 = tpu.memref_squeeze %dma_start3A_476 : memref<1x125x32xf32, #tpu.memory_space<vmem>> -> memref<125x32xf32, #tpu.memory_space<vmem>>
      %dma_start3A_478 = arith.constant 0 : i32
      %dma_start3A_479 = tpu.memref_slice %arg7[%add3A_457, %dma_start3A_478] : memref<160x125xi32, #tpu.memory_space<vmem>> -> memref<1x125xi32, #tpu.memory_space<vmem>>
      %dma_start3A_480 = tpu.memref_squeeze %dma_start3A_479 : memref<1x125xi32, #tpu.memory_space<vmem>> -> memref<125xi32, #tpu.memory_space<vmem>>
      %dma_start3A_481 = arith.constant 0 : i32
      %dma_start3A_482 = arith.constant 0 : i32
      %dma_start3A_483 = tpu.memref_slice %arg30[%dma_start3A_481, %dma_start3A_482] : memref<10000x32xf32, #tpu.memory_space<vmem_shared>> -> memref<10000x32xf32, #tpu.memory_space<vmem_shared>>
      tpu.enqueue_indirect_dma source(%dma_start3A_477 : memref<125x32xf32, #tpu.memory_space<vmem>>) target(%dma_start3A_483 : memref<10000x32xf32, #tpu.memory_space<vmem_shared>>) offsets(%dma_start3A_480 : memref<125xi32, #tpu.memory_space<vmem>>) semaphore(%arg26 : memref<!tpu.dma_semaphore, #tpu.memory_space<semaphore_mem>>) {add = true}
      %add3A_484 = arith.constant 5 : i32
      %add3A_485 = arith.addi %add3A_457, %add3A_484 : i32
      %lt3A_486 = arith.constant 160 : i32
      %lt3A_487 = arith.cmpi slt, %add3A_485, %lt3A_486 : i32
      %convert_element_type3A_488 = arith.extui %lt3A_487 : i1 to i32
      %cond3A_489 = arith.constant 0 : i32
      %cond3A_490 = arith.cmpi ne, %convert_element_type3A_488, %cond3A_489 : i32
      scf.if %cond3A_490 {
        %ge3A = arith.constant 10 : i32
        %ge3A_602 = arith.cmpi sge, %add3A_485, %ge3A : i32
        %convert_element_type3A_603 = arith.extui %ge3A_602 : i1 to i32
        %cond3A_604 = arith.constant 0 : i32
        %cond3A_605 = arith.cmpi ne, %convert_element_type3A_603, %cond3A_604 : i32
        scf.if %cond3A_605 {
          %dma_wait3A_621 = arith.constant 1 : i32
          %dma_wait3A_622 = arith.constant 0 : i32
          %dma_wait3A_623 = arith.constant 0 : i32
          %dma_wait3A_624 = tpu.memref_slice %arg8[%dma_wait3A_621, %dma_wait3A_622, %dma_wait3A_623] : memref<10x125x32xf32, #tpu.memory_space<vmem>> -> memref<1x125x32xf32, #tpu.memory_space<vmem>>
          %dma_wait3A_625 = tpu.memref_squeeze %dma_wait3A_624 : memref<1x125x32xf32, #tpu.memory_space<vmem>> -> memref<125x32xf32, #tpu.memory_space<vmem>>
          %dma_wait3A_626 = arith.constant 0 : i32
          %dma_wait3A_627 = tpu.memref_slice %arg7[%add3A_485, %dma_wait3A_626] : memref<160x125xi32, #tpu.memory_space<vmem>> -> memref<1x125xi32, #tpu.memory_space<vmem>>
          %dma_wait3A_628 = tpu.memref_squeeze %dma_wait3A_627 : memref<1x125xi32, #tpu.memory_space<vmem>> -> memref<125xi32, #tpu.memory_space<vmem>>
          %dma_wait3A_629 = arith.constant 0 : i32
          %dma_wait3A_630 = arith.constant 0 : i32
          %dma_wait3A_631 = tpu.memref_slice %arg30[%dma_wait3A_629, %dma_wait3A_630] : memref<10000x32xf32, #tpu.memory_space<vmem_shared>> -> memref<10000x32xf32, #tpu.memory_space<vmem_shared>>
          tpu.wait_indirect_dma semaphore(%arg21 : memref<!tpu.dma_semaphore, #tpu.memory_space<semaphore_mem>>) src(%dma_wait3A_625 : memref<125x32xf32, #tpu.memory_space<vmem>>) dst(%dma_wait3A_631 : memref<10000x32xf32, #tpu.memory_space<vmem_shared>>)
        } else {
        }
        %dma_start3A_606 = arith.constant 1 : i32
        %dma_start3A_607 = arith.constant 0 : i32
        %dma_start3A_608 = arith.constant 0 : i32
        %dma_start3A_609 = tpu.memref_slice %arg8[%dma_start3A_606, %dma_start3A_607, %dma_start3A_608] : memref<10x125x32xf32, #tpu.memory_space<vmem>> -> memref<1x125x32xf32, #tpu.memory_space<vmem>>
        %dma_start3A_610 = tpu.memref_squeeze %dma_start3A_609 : memref<1x125x32xf32, #tpu.memory_space<vmem>> -> memref<125x32xf32, #tpu.memory_space<vmem>>
        %dma_start3A_611 = arith.constant 0 : i32
        %dma_start3A_612 = tpu.memref_slice %arg6[%add3A_485, %dma_start3A_611] : memref<160x125xi32, #tpu.memory_space<vmem>> -> memref<1x125xi32, #tpu.memory_space<vmem>>
        %dma_start3A_613 = tpu.memref_squeeze %dma_start3A_612 : memref<1x125xi32, #tpu.memory_space<vmem>> -> memref<125xi32, #tpu.memory_space<vmem>>
        %dma_start3A_614 = arith.constant 0 : i32
        %dma_start3A_615 = arith.constant 0 : i32
        %dma_start3A_616 = tpu.memref_slice %arg2[%arg0, %dma_start3A_614, %dma_start3A_615] : memref<2x10000x32xf32, #tpu.memory_space<hbm>> -> memref<1x10000x32xf32, #tpu.memory_space<hbm>>
        %dma_start3A_617 = tpu.memref_squeeze %dma_start3A_616 : memref<1x10000x32xf32, #tpu.memory_space<hbm>> -> memref<10000x32xf32, #tpu.memory_space<hbm>>
        %dma_start3A_618 = arith.constant 0 : i32
        %dma_start3A_619 = arith.constant 0 : i32
        %dma_start3A_620 = tpu.memref_slice %dma_start3A_617[%dma_start3A_618, %dma_start3A_619] : memref<10000x32xf32, #tpu.memory_space<hbm>> -> memref<10000x32xf32, #tpu.memory_space<hbm>>
        tpu.enqueue_indirect_dma source(%dma_start3A_620 : memref<10000x32xf32, #tpu.memory_space<hbm>>) target(%dma_start3A_610 : memref<125x32xf32, #tpu.memory_space<vmem>>) offsets(%dma_start3A_613 : memref<125xi32, #tpu.memory_space<vmem>>) semaphore(%arg11 : memref<!tpu.dma_semaphore, #tpu.memory_space<semaphore_mem>>)
      } else {
      }
      %mul3A_491 = arith.constant 10 : i32
      %mul3A_492 = arith.muli %scan3A_234, %mul3A_491 : i32
      %add3A_493 = arith.constant 7 : i32
      %add3A_494 = arith.addi %mul3A_492, %add3A_493 : i32
      %dma_wait3A_495 = arith.constant 7 : i32
      %dma_wait3A_496 = arith.constant 0 : i32
      %dma_wait3A_497 = arith.constant 0 : i32
      %dma_wait3A_498 = tpu.memref_slice %arg8[%dma_wait3A_495, %dma_wait3A_496, %dma_wait3A_497] : memref<10x125x32xf32, #tpu.memory_space<vmem>> -> memref<1x125x32xf32, #tpu.memory_space<vmem>>
      %dma_wait3A_499 = tpu.memref_squeeze %dma_wait3A_498 : memref<1x125x32xf32, #tpu.memory_space<vmem>> -> memref<125x32xf32, #tpu.memory_space<vmem>>
      %dma_wait3A_500 = arith.constant 0 : i32
      %dma_wait3A_501 = tpu.memref_slice %arg6[%add3A_494, %dma_wait3A_500] : memref<160x125xi32, #tpu.memory_space<vmem>> -> memref<1x125xi32, #tpu.memory_space<vmem>>
      %dma_wait3A_502 = tpu.memref_squeeze %dma_wait3A_501 : memref<1x125xi32, #tpu.memory_space<vmem>> -> memref<125xi32, #tpu.memory_space<vmem>>
      %dma_wait3A_503 = arith.constant 0 : i32
      %dma_wait3A_504 = arith.constant 0 : i32
      %dma_wait3A_505 = tpu.memref_slice %arg2[%arg0, %dma_wait3A_503, %dma_wait3A_504] : memref<2x10000x32xf32, #tpu.memory_space<hbm>> -> memref<1x10000x32xf32, #tpu.memory_space<hbm>>
      %dma_wait3A_506 = tpu.memref_squeeze %dma_wait3A_505 : memref<1x10000x32xf32, #tpu.memory_space<hbm>> -> memref<10000x32xf32, #tpu.memory_space<hbm>>
      %dma_wait3A_507 = arith.constant 0 : i32
      %dma_wait3A_508 = arith.constant 0 : i32
      %dma_wait3A_509 = tpu.memref_slice %dma_wait3A_506[%dma_wait3A_507, %dma_wait3A_508] : memref<10000x32xf32, #tpu.memory_space<hbm>> -> memref<10000x32xf32, #tpu.memory_space<hbm>>
      tpu.wait_indirect_dma semaphore(%arg17 : memref<!tpu.dma_semaphore, #tpu.memory_space<semaphore_mem>>) src(%dma_wait3A_509 : memref<10000x32xf32, #tpu.memory_space<hbm>>) dst(%dma_wait3A_499 : memref<125x32xf32, #tpu.memory_space<vmem>>)
      %dma_start3A_510 = arith.constant 7 : i32
      %dma_start3A_511 = arith.constant 0 : i32
      %dma_start3A_512 = arith.constant 0 : i32
      %dma_start3A_513 = tpu.memref_slice %arg8[%dma_start3A_510, %dma_start3A_511, %dma_start3A_512] : memref<10x125x32xf32, #tpu.memory_space<vmem>> -> memref<1x125x32xf32, #tpu.memory_space<vmem>>
      %dma_start3A_514 = tpu.memref_squeeze %dma_start3A_513 : memref<1x125x32xf32, #tpu.memory_space<vmem>> -> memref<125x32xf32, #tpu.memory_space<vmem>>
      %dma_start3A_515 = arith.constant 0 : i32
      %dma_start3A_516 = tpu.memref_slice %arg7[%add3A_494, %dma_start3A_515] : memref<160x125xi32, #tpu.memory_space<vmem>> -> memref<1x125xi32, #tpu.memory_space<vmem>>
      %dma_start3A_517 = tpu.memref_squeeze %dma_start3A_516 : memref<1x125xi32, #tpu.memory_space<vmem>> -> memref<125xi32, #tpu.memory_space<vmem>>
      %dma_start3A_518 = arith.constant 0 : i32
      %dma_start3A_519 = arith.constant 0 : i32
      %dma_start3A_520 = tpu.memref_slice %arg30[%dma_start3A_518, %dma_start3A_519] : memref<10000x32xf32, #tpu.memory_space<vmem_shared>> -> memref<10000x32xf32, #tpu.memory_space<vmem_shared>>
      tpu.enqueue_indirect_dma source(%dma_start3A_514 : memref<125x32xf32, #tpu.memory_space<vmem>>) target(%dma_start3A_520 : memref<10000x32xf32, #tpu.memory_space<vmem_shared>>) offsets(%dma_start3A_517 : memref<125xi32, #tpu.memory_space<vmem>>) semaphore(%arg27 : memref<!tpu.dma_semaphore, #tpu.memory_space<semaphore_mem>>) {add = true}
      %add3A_521 = arith.constant 5 : i32
      %add3A_522 = arith.addi %add3A_494, %add3A_521 : i32
      %lt3A_523 = arith.constant 160 : i32
      %lt3A_524 = arith.cmpi slt, %add3A_522, %lt3A_523 : i32
      %convert_element_type3A_525 = arith.extui %lt3A_524 : i1 to i32
      %cond3A_526 = arith.constant 0 : i32
      %cond3A_527 = arith.cmpi ne, %convert_element_type3A_525, %cond3A_526 : i32
      scf.if %cond3A_527 {
        %ge3A = arith.constant 10 : i32
        %ge3A_602 = arith.cmpi sge, %add3A_522, %ge3A : i32
        %convert_element_type3A_603 = arith.extui %ge3A_602 : i1 to i32
        %cond3A_604 = arith.constant 0 : i32
        %cond3A_605 = arith.cmpi ne, %convert_element_type3A_603, %cond3A_604 : i32
        scf.if %cond3A_605 {
          %dma_wait3A_621 = arith.constant 2 : i32
          %dma_wait3A_622 = arith.constant 0 : i32
          %dma_wait3A_623 = arith.constant 0 : i32
          %dma_wait3A_624 = tpu.memref_slice %arg8[%dma_wait3A_621, %dma_wait3A_622, %dma_wait3A_623] : memref<10x125x32xf32, #tpu.memory_space<vmem>> -> memref<1x125x32xf32, #tpu.memory_space<vmem>>
          %dma_wait3A_625 = tpu.memref_squeeze %dma_wait3A_624 : memref<1x125x32xf32, #tpu.memory_space<vmem>> -> memref<125x32xf32, #tpu.memory_space<vmem>>
          %dma_wait3A_626 = arith.constant 0 : i32
          %dma_wait3A_627 = tpu.memref_slice %arg7[%add3A_522, %dma_wait3A_626] : memref<160x125xi32, #tpu.memory_space<vmem>> -> memref<1x125xi32, #tpu.memory_space<vmem>>
          %dma_wait3A_628 = tpu.memref_squeeze %dma_wait3A_627 : memref<1x125xi32, #tpu.memory_space<vmem>> -> memref<125xi32, #tpu.memory_space<vmem>>
          %dma_wait3A_629 = arith.constant 0 : i32
          %dma_wait3A_630 = arith.constant 0 : i32
          %dma_wait3A_631 = tpu.memref_slice %arg30[%dma_wait3A_629, %dma_wait3A_630] : memref<10000x32xf32, #tpu.memory_space<vmem_shared>> -> memref<10000x32xf32, #tpu.memory_space<vmem_shared>>
          tpu.wait_indirect_dma semaphore(%arg22 : memref<!tpu.dma_semaphore, #tpu.memory_space<semaphore_mem>>) src(%dma_wait3A_625 : memref<125x32xf32, #tpu.memory_space<vmem>>) dst(%dma_wait3A_631 : memref<10000x32xf32, #tpu.memory_space<vmem_shared>>)
        } else {
        }
        %dma_start3A_606 = arith.constant 2 : i32
        %dma_start3A_607 = arith.constant 0 : i32
        %dma_start3A_608 = arith.constant 0 : i32
        %dma_start3A_609 = tpu.memref_slice %arg8[%dma_start3A_606, %dma_start3A_607, %dma_start3A_608] : memref<10x125x32xf32, #tpu.memory_space<vmem>> -> memref<1x125x32xf32, #tpu.memory_space<vmem>>
        %dma_start3A_610 = tpu.memref_squeeze %dma_start3A_609 : memref<1x125x32xf32, #tpu.memory_space<vmem>> -> memref<125x32xf32, #tpu.memory_space<vmem>>
        %dma_start3A_611 = arith.constant 0 : i32
        %dma_start3A_612 = tpu.memref_slice %arg6[%add3A_522, %dma_start3A_611] : memref<160x125xi32, #tpu.memory_space<vmem>> -> memref<1x125xi32, #tpu.memory_space<vmem>>
        %dma_start3A_613 = tpu.memref_squeeze %dma_start3A_612 : memref<1x125xi32, #tpu.memory_space<vmem>> -> memref<125xi32, #tpu.memory_space<vmem>>
        %dma_start3A_614 = arith.constant 0 : i32
        %dma_start3A_615 = arith.constant 0 : i32
        %dma_start3A_616 = tpu.memref_slice %arg2[%arg0, %dma_start3A_614, %dma_start3A_615] : memref<2x10000x32xf32, #tpu.memory_space<hbm>> -> memref<1x10000x32xf32, #tpu.memory_space<hbm>>
        %dma_start3A_617 = tpu.memref_squeeze %dma_start3A_616 : memref<1x10000x32xf32, #tpu.memory_space<hbm>> -> memref<10000x32xf32, #tpu.memory_space<hbm>>
        %dma_start3A_618 = arith.constant 0 : i32
        %dma_start3A_619 = arith.constant 0 : i32
        %dma_start3A_620 = tpu.memref_slice %dma_start3A_617[%dma_start3A_618, %dma_start3A_619] : memref<10000x32xf32, #tpu.memory_space<hbm>> -> memref<10000x32xf32, #tpu.memory_space<hbm>>
        tpu.enqueue_indirect_dma source(%dma_start3A_620 : memref<10000x32xf32, #tpu.memory_space<hbm>>) target(%dma_start3A_610 : memref<125x32xf32, #tpu.memory_space<vmem>>) offsets(%dma_start3A_613 : memref<125xi32, #tpu.memory_space<vmem>>) semaphore(%arg12 : memref<!tpu.dma_semaphore, #tpu.memory_space<semaphore_mem>>)
      } else {
      }
      %mul3A_528 = arith.constant 10 : i32
      %mul3A_529 = arith.muli %scan3A_234, %mul3A_528 : i32
      %add3A_530 = arith.constant 8 : i32
      %add3A_531 = arith.addi %mul3A_529, %add3A_530 : i32
      %dma_wait3A_532 = arith.constant 8 : i32
      %dma_wait3A_533 = arith.constant 0 : i32
      %dma_wait3A_534 = arith.constant 0 : i32
      %dma_wait3A_535 = tpu.memref_slice %arg8[%dma_wait3A_532, %dma_wait3A_533, %dma_wait3A_534] : memref<10x125x32xf32, #tpu.memory_space<vmem>> -> memref<1x125x32xf32, #tpu.memory_space<vmem>>
      %dma_wait3A_536 = tpu.memref_squeeze %dma_wait3A_535 : memref<1x125x32xf32, #tpu.memory_space<vmem>> -> memref<125x32xf32, #tpu.memory_space<vmem>>
      %dma_wait3A_537 = arith.constant 0 : i32
      %dma_wait3A_538 = tpu.memref_slice %arg6[%add3A_531, %dma_wait3A_537] : memref<160x125xi32, #tpu.memory_space<vmem>> -> memref<1x125xi32, #tpu.memory_space<vmem>>
      %dma_wait3A_539 = tpu.memref_squeeze %dma_wait3A_538 : memref<1x125xi32, #tpu.memory_space<vmem>> -> memref<125xi32, #tpu.memory_space<vmem>>
      %dma_wait3A_540 = arith.constant 0 : i32
      %dma_wait3A_541 = arith.constant 0 : i32
      %dma_wait3A_542 = tpu.memref_slice %arg2[%arg0, %dma_wait3A_540, %dma_wait3A_541] : memref<2x10000x32xf32, #tpu.memory_space<hbm>> -> memref<1x10000x32xf32, #tpu.memory_space<hbm>>
      %dma_wait3A_543 = tpu.memref_squeeze %dma_wait3A_542 : memref<1x10000x32xf32, #tpu.memory_space<hbm>> -> memref<10000x32xf32, #tpu.memory_space<hbm>>
      %dma_wait3A_544 = arith.constant 0 : i32
      %dma_wait3A_545 = arith.constant 0 : i32
      %dma_wait3A_546 = tpu.memref_slice %dma_wait3A_543[%dma_wait3A_544, %dma_wait3A_545] : memref<10000x32xf32, #tpu.memory_space<hbm>> -> memref<10000x32xf32, #tpu.memory_space<hbm>>
      tpu.wait_indirect_dma semaphore(%arg18 : memref<!tpu.dma_semaphore, #tpu.memory_space<semaphore_mem>>) src(%dma_wait3A_546 : memref<10000x32xf32, #tpu.memory_space<hbm>>) dst(%dma_wait3A_536 : memref<125x32xf32, #tpu.memory_space<vmem>>)
      %dma_start3A_547 = arith.constant 8 : i32
      %dma_start3A_548 = arith.constant 0 : i32
      %dma_start3A_549 = arith.constant 0 : i32
      %dma_start3A_550 = tpu.memref_slice %arg8[%dma_start3A_547, %dma_start3A_548, %dma_start3A_549] : memref<10x125x32xf32, #tpu.memory_space<vmem>> -> memref<1x125x32xf32, #tpu.memory_space<vmem>>
      %dma_start3A_551 = tpu.memref_squeeze %dma_start3A_550 : memref<1x125x32xf32, #tpu.memory_space<vmem>> -> memref<125x32xf32, #tpu.memory_space<vmem>>
      %dma_start3A_552 = arith.constant 0 : i32
      %dma_start3A_553 = tpu.memref_slice %arg7[%add3A_531, %dma_start3A_552] : memref<160x125xi32, #tpu.memory_space<vmem>> -> memref<1x125xi32, #tpu.memory_space<vmem>>
      %dma_start3A_554 = tpu.memref_squeeze %dma_start3A_553 : memref<1x125xi32, #tpu.memory_space<vmem>> -> memref<125xi32, #tpu.memory_space<vmem>>
      %dma_start3A_555 = arith.constant 0 : i32
      %dma_start3A_556 = arith.constant 0 : i32
      %dma_start3A_557 = tpu.memref_slice %arg30[%dma_start3A_555, %dma_start3A_556] : memref<10000x32xf32, #tpu.memory_space<vmem_shared>> -> memref<10000x32xf32, #tpu.memory_space<vmem_shared>>
      tpu.enqueue_indirect_dma source(%dma_start3A_551 : memref<125x32xf32, #tpu.memory_space<vmem>>) target(%dma_start3A_557 : memref<10000x32xf32, #tpu.memory_space<vmem_shared>>) offsets(%dma_start3A_554 : memref<125xi32, #tpu.memory_space<vmem>>) semaphore(%arg28 : memref<!tpu.dma_semaphore, #tpu.memory_space<semaphore_mem>>) {add = true}
      %add3A_558 = arith.constant 5 : i32
      %add3A_559 = arith.addi %add3A_531, %add3A_558 : i32
      %lt3A_560 = arith.constant 160 : i32
      %lt3A_561 = arith.cmpi slt, %add3A_559, %lt3A_560 : i32
      %convert_element_type3A_562 = arith.extui %lt3A_561 : i1 to i32
      %cond3A_563 = arith.constant 0 : i32
      %cond3A_564 = arith.cmpi ne, %convert_element_type3A_562, %cond3A_563 : i32
      scf.if %cond3A_564 {
        %ge3A = arith.constant 10 : i32
        %ge3A_602 = arith.cmpi sge, %add3A_559, %ge3A : i32
        %convert_element_type3A_603 = arith.extui %ge3A_602 : i1 to i32
        %cond3A_604 = arith.constant 0 : i32
        %cond3A_605 = arith.cmpi ne, %convert_element_type3A_603, %cond3A_604 : i32
        scf.if %cond3A_605 {
          %dma_wait3A_621 = arith.constant 3 : i32
          %dma_wait3A_622 = arith.constant 0 : i32
          %dma_wait3A_623 = arith.constant 0 : i32
          %dma_wait3A_624 = tpu.memref_slice %arg8[%dma_wait3A_621, %dma_wait3A_622, %dma_wait3A_623] : memref<10x125x32xf32, #tpu.memory_space<vmem>> -> memref<1x125x32xf32, #tpu.memory_space<vmem>>
          %dma_wait3A_625 = tpu.memref_squeeze %dma_wait3A_624 : memref<1x125x32xf32, #tpu.memory_space<vmem>> -> memref<125x32xf32, #tpu.memory_space<vmem>>
          %dma_wait3A_626 = arith.constant 0 : i32
          %dma_wait3A_627 = tpu.memref_slice %arg7[%add3A_559, %dma_wait3A_626] : memref<160x125xi32, #tpu.memory_space<vmem>> -> memref<1x125xi32, #tpu.memory_space<vmem>>
          %dma_wait3A_628 = tpu.memref_squeeze %dma_wait3A_627 : memref<1x125xi32, #tpu.memory_space<vmem>> -> memref<125xi32, #tpu.memory_space<vmem>>
          %dma_wait3A_629 = arith.constant 0 : i32
          %dma_wait3A_630 = arith.constant 0 : i32
          %dma_wait3A_631 = tpu.memref_slice %arg30[%dma_wait3A_629, %dma_wait3A_630] : memref<10000x32xf32, #tpu.memory_space<vmem_shared>> -> memref<10000x32xf32, #tpu.memory_space<vmem_shared>>
          tpu.wait_indirect_dma semaphore(%arg23 : memref<!tpu.dma_semaphore, #tpu.memory_space<semaphore_mem>>) src(%dma_wait3A_625 : memref<125x32xf32, #tpu.memory_space<vmem>>) dst(%dma_wait3A_631 : memref<10000x32xf32, #tpu.memory_space<vmem_shared>>)
        } else {
        }
        %dma_start3A_606 = arith.constant 3 : i32
        %dma_start3A_607 = arith.constant 0 : i32
        %dma_start3A_608 = arith.constant 0 : i32
        %dma_start3A_609 = tpu.memref_slice %arg8[%dma_start3A_606, %dma_start3A_607, %dma_start3A_608] : memref<10x125x32xf32, #tpu.memory_space<vmem>> -> memref<1x125x32xf32, #tpu.memory_space<vmem>>
        %dma_start3A_610 = tpu.memref_squeeze %dma_start3A_609 : memref<1x125x32xf32, #tpu.memory_space<vmem>> -> memref<125x32xf32, #tpu.memory_space<vmem>>
        %dma_start3A_611 = arith.constant 0 : i32
        %dma_start3A_612 = tpu.memref_slice %arg6[%add3A_559, %dma_start3A_611] : memref<160x125xi32, #tpu.memory_space<vmem>> -> memref<1x125xi32, #tpu.memory_space<vmem>>
        %dma_start3A_613 = tpu.memref_squeeze %dma_start3A_612 : memref<1x125xi32, #tpu.memory_space<vmem>> -> memref<125xi32, #tpu.memory_space<vmem>>
        %dma_start3A_614 = arith.constant 0 : i32
        %dma_start3A_615 = arith.constant 0 : i32
        %dma_start3A_616 = tpu.memref_slice %arg2[%arg0, %dma_start3A_614, %dma_start3A_615] : memref<2x10000x32xf32, #tpu.memory_space<hbm>> -> memref<1x10000x32xf32, #tpu.memory_space<hbm>>
        %dma_start3A_617 = tpu.memref_squeeze %dma_start3A_616 : memref<1x10000x32xf32, #tpu.memory_space<hbm>> -> memref<10000x32xf32, #tpu.memory_space<hbm>>
        %dma_start3A_618 = arith.constant 0 : i32
        %dma_start3A_619 = arith.constant 0 : i32
        %dma_start3A_620 = tpu.memref_slice %dma_start3A_617[%dma_start3A_618, %dma_start3A_619] : memref<10000x32xf32, #tpu.memory_space<hbm>> -> memref<10000x32xf32, #tpu.memory_space<hbm>>
        tpu.enqueue_indirect_dma source(%dma_start3A_620 : memref<10000x32xf32, #tpu.memory_space<hbm>>) target(%dma_start3A_610 : memref<125x32xf32, #tpu.memory_space<vmem>>) offsets(%dma_start3A_613 : memref<125xi32, #tpu.memory_space<vmem>>) semaphore(%arg13 : memref<!tpu.dma_semaphore, #tpu.memory_space<semaphore_mem>>)
      } else {
      }
      %mul3A_565 = arith.constant 10 : i32
      %mul3A_566 = arith.muli %scan3A_234, %mul3A_565 : i32
      %add3A_567 = arith.constant 9 : i32
      %add3A_568 = arith.addi %mul3A_566, %add3A_567 : i32
      %dma_wait3A_569 = arith.constant 9 : i32
      %dma_wait3A_570 = arith.constant 0 : i32
      %dma_wait3A_571 = arith.constant 0 : i32
      %dma_wait3A_572 = tpu.memref_slice %arg8[%dma_wait3A_569, %dma_wait3A_570, %dma_wait3A_571] : memref<10x125x32xf32, #tpu.memory_space<vmem>> -> memref<1x125x32xf32, #tpu.memory_space<vmem>>
      %dma_wait3A_573 = tpu.memref_squeeze %dma_wait3A_572 : memref<1x125x32xf32, #tpu.memory_space<vmem>> -> memref<125x32xf32, #tpu.memory_space<vmem>>
      %dma_wait3A_574 = arith.constant 0 : i32
      %dma_wait3A_575 = tpu.memref_slice %arg6[%add3A_568, %dma_wait3A_574] : memref<160x125xi32, #tpu.memory_space<vmem>> -> memref<1x125xi32, #tpu.memory_space<vmem>>
      %dma_wait3A_576 = tpu.memref_squeeze %dma_wait3A_575 : memref<1x125xi32, #tpu.memory_space<vmem>> -> memref<125xi32, #tpu.memory_space<vmem>>
      %dma_wait3A_577 = arith.constant 0 : i32
      %dma_wait3A_578 = arith.constant 0 : i32
      %dma_wait3A_579 = tpu.memref_slice %arg2[%arg0, %dma_wait3A_577, %dma_wait3A_578] : memref<2x10000x32xf32, #tpu.memory_space<hbm>> -> memref<1x10000x32xf32, #tpu.memory_space<hbm>>
      %dma_wait3A_580 = tpu.memref_squeeze %dma_wait3A_579 : memref<1x10000x32xf32, #tpu.memory_space<hbm>> -> memref<10000x32xf32, #tpu.memory_space<hbm>>
      %dma_wait3A_581 = arith.constant 0 : i32
      %dma_wait3A_582 = arith.constant 0 : i32
      %dma_wait3A_583 = tpu.memref_slice %dma_wait3A_580[%dma_wait3A_581, %dma_wait3A_582] : memref<10000x32xf32, #tpu.memory_space<hbm>> -> memref<10000x32xf32, #tpu.memory_space<hbm>>
      tpu.wait_indirect_dma semaphore(%arg19 : memref<!tpu.dma_semaphore, #tpu.memory_space<semaphore_mem>>) src(%dma_wait3A_583 : memref<10000x32xf32, #tpu.memory_space<hbm>>) dst(%dma_wait3A_573 : memref<125x32xf32, #tpu.memory_space<vmem>>)
      %dma_start3A_584 = arith.constant 9 : i32
      %dma_start3A_585 = arith.constant 0 : i32
      %dma_start3A_586 = arith.constant 0 : i32
      %dma_start3A_587 = tpu.memref_slice %arg8[%dma_start3A_584, %dma_start3A_585, %dma_start3A_586] : memref<10x125x32xf32, #tpu.memory_space<vmem>> -> memref<1x125x32xf32, #tpu.memory_space<vmem>>
      %dma_start3A_588 = tpu.memref_squeeze %dma_start3A_587 : memref<1x125x32xf32, #tpu.memory_space<vmem>> -> memref<125x32xf32, #tpu.memory_space<vmem>>
      %dma_start3A_589 = arith.constant 0 : i32
      %dma_start3A_590 = tpu.memref_slice %arg7[%add3A_568, %dma_start3A_589] : memref<160x125xi32, #tpu.memory_space<vmem>> -> memref<1x125xi32, #tpu.memory_space<vmem>>
      %dma_start3A_591 = tpu.memref_squeeze %dma_start3A_590 : memref<1x125xi32, #tpu.memory_space<vmem>> -> memref<125xi32, #tpu.memory_space<vmem>>
      %dma_start3A_592 = arith.constant 0 : i32
      %dma_start3A_593 = arith.constant 0 : i32
      %dma_start3A_594 = tpu.memref_slice %arg30[%dma_start3A_592, %dma_start3A_593] : memref<10000x32xf32, #tpu.memory_space<vmem_shared>> -> memref<10000x32xf32, #tpu.memory_space<vmem_shared>>
      tpu.enqueue_indirect_dma source(%dma_start3A_588 : memref<125x32xf32, #tpu.memory_space<vmem>>) target(%dma_start3A_594 : memref<10000x32xf32, #tpu.memory_space<vmem_shared>>) offsets(%dma_start3A_591 : memref<125xi32, #tpu.memory_space<vmem>>) semaphore(%arg29 : memref<!tpu.dma_semaphore, #tpu.memory_space<semaphore_mem>>) {add = true}
      %add3A_595 = arith.constant 5 : i32
      %add3A_596 = arith.addi %add3A_568, %add3A_595 : i32
      %lt3A_597 = arith.constant 160 : i32
      %lt3A_598 = arith.cmpi slt, %add3A_596, %lt3A_597 : i32
      %convert_element_type3A_599 = arith.extui %lt3A_598 : i1 to i32
      %cond3A_600 = arith.constant 0 : i32
      %cond3A_601 = arith.cmpi ne, %convert_element_type3A_599, %cond3A_600 : i32
      scf.if %cond3A_601 {
        %ge3A = arith.constant 10 : i32
        %ge3A_602 = arith.cmpi sge, %add3A_596, %ge3A : i32
        %convert_element_type3A_603 = arith.extui %ge3A_602 : i1 to i32
        %cond3A_604 = arith.constant 0 : i32
        %cond3A_605 = arith.cmpi ne, %convert_element_type3A_603, %cond3A_604 : i32
        scf.if %cond3A_605 {
          %dma_wait3A_621 = arith.constant 4 : i32
          %dma_wait3A_622 = arith.constant 0 : i32
          %dma_wait3A_623 = arith.constant 0 : i32
          %dma_wait3A_624 = tpu.memref_slice %arg8[%dma_wait3A_621, %dma_wait3A_622, %dma_wait3A_623] : memref<10x125x32xf32, #tpu.memory_space<vmem>> -> memref<1x125x32xf32, #tpu.memory_space<vmem>>
          %dma_wait3A_625 = tpu.memref_squeeze %dma_wait3A_624 : memref<1x125x32xf32, #tpu.memory_space<vmem>> -> memref<125x32xf32, #tpu.memory_space<vmem>>
          %dma_wait3A_626 = arith.constant 0 : i32
          %dma_wait3A_627 = tpu.memref_slice %arg7[%add3A_596, %dma_wait3A_626] : memref<160x125xi32, #tpu.memory_space<vmem>> -> memref<1x125xi32, #tpu.memory_space<vmem>>
          %dma_wait3A_628 = tpu.memref_squeeze %dma_wait3A_627 : memref<1x125xi32, #tpu.memory_space<vmem>> -> memref<125xi32, #tpu.memory_space<vmem>>
          %dma_wait3A_629 = arith.constant 0 : i32
          %dma_wait3A_630 = arith.constant 0 : i32
          %dma_wait3A_631 = tpu.memref_slice %arg30[%dma_wait3A_629, %dma_wait3A_630] : memref<10000x32xf32, #tpu.memory_space<vmem_shared>> -> memref<10000x32xf32, #tpu.memory_space<vmem_shared>>
          tpu.wait_indirect_dma semaphore(%arg24 : memref<!tpu.dma_semaphore, #tpu.memory_space<semaphore_mem>>) src(%dma_wait3A_625 : memref<125x32xf32, #tpu.memory_space<vmem>>) dst(%dma_wait3A_631 : memref<10000x32xf32, #tpu.memory_space<vmem_shared>>)
        } else {
        }
        %dma_start3A_606 = arith.constant 4 : i32
        %dma_start3A_607 = arith.constant 0 : i32
        %dma_start3A_608 = arith.constant 0 : i32
        %dma_start3A_609 = tpu.memref_slice %arg8[%dma_start3A_606, %dma_start3A_607, %dma_start3A_608] : memref<10x125x32xf32, #tpu.memory_space<vmem>> -> memref<1x125x32xf32, #tpu.memory_space<vmem>>
        %dma_start3A_610 = tpu.memref_squeeze %dma_start3A_609 : memref<1x125x32xf32, #tpu.memory_space<vmem>> -> memref<125x32xf32, #tpu.memory_space<vmem>>
        %dma_start3A_611 = arith.constant 0 : i32
        %dma_start3A_612 = tpu.memref_slice %arg6[%add3A_596, %dma_start3A_611] : memref<160x125xi32, #tpu.memory_space<vmem>> -> memref<1x125xi32, #tpu.memory_space<vmem>>
        %dma_start3A_613 = tpu.memref_squeeze %dma_start3A_612 : memref<1x125xi32, #tpu.memory_space<vmem>> -> memref<125xi32, #tpu.memory_space<vmem>>
        %dma_start3A_614 = arith.constant 0 : i32
        %dma_start3A_615 = arith.constant 0 : i32
        %dma_start3A_616 = tpu.memref_slice %arg2[%arg0, %dma_start3A_614, %dma_start3A_615] : memref<2x10000x32xf32, #tpu.memory_space<hbm>> -> memref<1x10000x32xf32, #tpu.memory_space<hbm>>
        %dma_start3A_617 = tpu.memref_squeeze %dma_start3A_616 : memref<1x10000x32xf32, #tpu.memory_space<hbm>> -> memref<10000x32xf32, #tpu.memory_space<hbm>>
        %dma_start3A_618 = arith.constant 0 : i32
        %dma_start3A_619 = arith.constant 0 : i32
        %dma_start3A_620 = tpu.memref_slice %dma_start3A_617[%dma_start3A_618, %dma_start3A_619] : memref<10000x32xf32, #tpu.memory_space<hbm>> -> memref<10000x32xf32, #tpu.memory_space<hbm>>
        tpu.enqueue_indirect_dma source(%dma_start3A_620 : memref<10000x32xf32, #tpu.memory_space<hbm>>) target(%dma_start3A_610 : memref<125x32xf32, #tpu.memory_space<vmem>>) offsets(%dma_start3A_613 : memref<125xi32, #tpu.memory_space<vmem>>) semaphore(%arg14 : memref<!tpu.dma_semaphore, #tpu.memory_space<semaphore_mem>>)
      } else {
      }
    }
    %scan3A_107 = arith.constant 16 : i32
    %dma_wait3A = arith.constant 0 : i32
    %dma_wait3A_108 = arith.constant 0 : i32
    %dma_wait3A_109 = arith.constant 0 : i32
    %dma_wait3A_110 = arith.constant 0 : i32
    %dma_wait3A_111 = tpu.memref_slice %arg8[%dma_wait3A, %dma_wait3A_109, %dma_wait3A_110] : memref<10x125x32xf32, #tpu.memory_space<vmem>> -> memref<1x125x32xf32, #tpu.memory_space<vmem>>
    %dma_wait3A_112 = tpu.memref_squeeze %dma_wait3A_111 : memref<1x125x32xf32, #tpu.memory_space<vmem>> -> memref<125x32xf32, #tpu.memory_space<vmem>>
    %dma_wait3A_113 = arith.constant 0 : i32
    %dma_wait3A_114 = tpu.memref_slice %arg7[%dma_wait3A_108, %dma_wait3A_113] : memref<160x125xi32, #tpu.memory_space<vmem>> -> memref<1x125xi32, #tpu.memory_space<vmem>>
    %dma_wait3A_115 = tpu.memref_squeeze %dma_wait3A_114 : memref<1x125xi32, #tpu.memory_space<vmem>> -> memref<125xi32, #tpu.memory_space<vmem>>
    %dma_wait3A_116 = arith.constant 0 : i32
    %dma_wait3A_117 = arith.constant 0 : i32
    %dma_wait3A_118 = tpu.memref_slice %arg30[%dma_wait3A_116, %dma_wait3A_117] : memref<10000x32xf32, #tpu.memory_space<vmem_shared>> -> memref<10000x32xf32, #tpu.memory_space<vmem_shared>>
    tpu.wait_indirect_dma semaphore(%arg20 : memref<!tpu.dma_semaphore, #tpu.memory_space<semaphore_mem>>) src(%dma_wait3A_112 : memref<125x32xf32, #tpu.memory_space<vmem>>) dst(%dma_wait3A_118 : memref<10000x32xf32, #tpu.memory_space<vmem_shared>>)
    %dma_wait3A_119 = arith.constant 1 : i32
    %dma_wait3A_120 = arith.constant 0 : i32
    %dma_wait3A_121 = arith.constant 0 : i32
    %dma_wait3A_122 = arith.constant 0 : i32
    %dma_wait3A_123 = tpu.memref_slice %arg8[%dma_wait3A_119, %dma_wait3A_121, %dma_wait3A_122] : memref<10x125x32xf32, #tpu.memory_space<vmem>> -> memref<1x125x32xf32, #tpu.memory_space<vmem>>
    %dma_wait3A_124 = tpu.memref_squeeze %dma_wait3A_123 : memref<1x125x32xf32, #tpu.memory_space<vmem>> -> memref<125x32xf32, #tpu.memory_space<vmem>>
    %dma_wait3A_125 = arith.constant 0 : i32
    %dma_wait3A_126 = tpu.memref_slice %arg7[%dma_wait3A_120, %dma_wait3A_125] : memref<160x125xi32, #tpu.memory_space<vmem>> -> memref<1x125xi32, #tpu.memory_space<vmem>>
    %dma_wait3A_127 = tpu.memref_squeeze %dma_wait3A_126 : memref<1x125xi32, #tpu.memory_space<vmem>> -> memref<125xi32, #tpu.memory_space<vmem>>
    %dma_wait3A_128 = arith.constant 0 : i32
    %dma_wait3A_129 = arith.constant 0 : i32
    %dma_wait3A_130 = tpu.memref_slice %arg30[%dma_wait3A_128, %dma_wait3A_129] : memref<10000x32xf32, #tpu.memory_space<vmem_shared>> -> memref<10000x32xf32, #tpu.memory_space<vmem_shared>>
    tpu.wait_indirect_dma semaphore(%arg21 : memref<!tpu.dma_semaphore, #tpu.memory_space<semaphore_mem>>) src(%dma_wait3A_124 : memref<125x32xf32, #tpu.memory_space<vmem>>) dst(%dma_wait3A_130 : memref<10000x32xf32, #tpu.memory_space<vmem_shared>>)
    %dma_wait3A_131 = arith.constant 2 : i32
    %dma_wait3A_132 = arith.constant 0 : i32
    %dma_wait3A_133 = arith.constant 0 : i32
    %dma_wait3A_134 = arith.constant 0 : i32
    %dma_wait3A_135 = tpu.memref_slice %arg8[%dma_wait3A_131, %dma_wait3A_133, %dma_wait3A_134] : memref<10x125x32xf32, #tpu.memory_space<vmem>> -> memref<1x125x32xf32, #tpu.memory_space<vmem>>
    %dma_wait3A_136 = tpu.memref_squeeze %dma_wait3A_135 : memref<1x125x32xf32, #tpu.memory_space<vmem>> -> memref<125x32xf32, #tpu.memory_space<vmem>>
    %dma_wait3A_137 = arith.constant 0 : i32
    %dma_wait3A_138 = tpu.memref_slice %arg7[%dma_wait3A_132, %dma_wait3A_137] : memref<160x125xi32, #tpu.memory_space<vmem>> -> memref<1x125xi32, #tpu.memory_space<vmem>>
    %dma_wait3A_139 = tpu.memref_squeeze %dma_wait3A_138 : memref<1x125xi32, #tpu.memory_space<vmem>> -> memref<125xi32, #tpu.memory_space<vmem>>
    %dma_wait3A_140 = arith.constant 0 : i32
    %dma_wait3A_141 = arith.constant 0 : i32
    %dma_wait3A_142 = tpu.memref_slice %arg30[%dma_wait3A_140, %dma_wait3A_141] : memref<10000x32xf32, #tpu.memory_space<vmem_shared>> -> memref<10000x32xf32, #tpu.memory_space<vmem_shared>>
    tpu.wait_indirect_dma semaphore(%arg22 : memref<!tpu.dma_semaphore, #tpu.memory_space<semaphore_mem>>) src(%dma_wait3A_136 : memref<125x32xf32, #tpu.memory_space<vmem>>) dst(%dma_wait3A_142 : memref<10000x32xf32, #tpu.memory_space<vmem_shared>>)
    %dma_wait3A_143 = arith.constant 3 : i32
    %dma_wait3A_144 = arith.constant 0 : i32
    %dma_wait3A_145 = arith.constant 0 : i32
    %dma_wait3A_146 = arith.constant 0 : i32
    %dma_wait3A_147 = tpu.memref_slice %arg8[%dma_wait3A_143, %dma_wait3A_145, %dma_wait3A_146] : memref<10x125x32xf32, #tpu.memory_space<vmem>> -> memref<1x125x32xf32, #tpu.memory_space<vmem>>
    %dma_wait3A_148 = tpu.memref_squeeze %dma_wait3A_147 : memref<1x125x32xf32, #tpu.memory_space<vmem>> -> memref<125x32xf32, #tpu.memory_space<vmem>>
    %dma_wait3A_149 = arith.constant 0 : i32
    %dma_wait3A_150 = tpu.memref_slice %arg7[%dma_wait3A_144, %dma_wait3A_149] : memref<160x125xi32, #tpu.memory_space<vmem>> -> memref<1x125xi32, #tpu.memory_space<vmem>>
    %dma_wait3A_151 = tpu.memref_squeeze %dma_wait3A_150 : memref<1x125xi32, #tpu.memory_space<vmem>> -> memref<125xi32, #tpu.memory_space<vmem>>
    %dma_wait3A_152 = arith.constant 0 : i32
    %dma_wait3A_153 = arith.constant 0 : i32
    %dma_wait3A_154 = tpu.memref_slice %arg30[%dma_wait3A_152, %dma_wait3A_153] : memref<10000x32xf32, #tpu.memory_space<vmem_shared>> -> memref<10000x32xf32, #tpu.memory_space<vmem_shared>>
    tpu.wait_indirect_dma semaphore(%arg23 : memref<!tpu.dma_semaphore, #tpu.memory_space<semaphore_mem>>) src(%dma_wait3A_148 : memref<125x32xf32, #tpu.memory_space<vmem>>) dst(%dma_wait3A_154 : memref<10000x32xf32, #tpu.memory_space<vmem_shared>>)
    %dma_wait3A_155 = arith.constant 4 : i32
    %dma_wait3A_156 = arith.constant 0 : i32
    %dma_wait3A_157 = arith.constant 0 : i32
    %dma_wait3A_158 = arith.constant 0 : i32
    %dma_wait3A_159 = tpu.memref_slice %arg8[%dma_wait3A_155, %dma_wait3A_157, %dma_wait3A_158] : memref<10x125x32xf32, #tpu.memory_space<vmem>> -> memref<1x125x32xf32, #tpu.memory_space<vmem>>
    %dma_wait3A_160 = tpu.memref_squeeze %dma_wait3A_159 : memref<1x125x32xf32, #tpu.memory_space<vmem>> -> memref<125x32xf32, #tpu.memory_space<vmem>>
    %dma_wait3A_161 = arith.constant 0 : i32
    %dma_wait3A_162 = tpu.memref_slice %arg7[%dma_wait3A_156, %dma_wait3A_161] : memref<160x125xi32, #tpu.memory_space<vmem>> -> memref<1x125xi32, #tpu.memory_space<vmem>>
    %dma_wait3A_163 = tpu.memref_squeeze %dma_wait3A_162 : memref<1x125xi32, #tpu.memory_space<vmem>> -> memref<125xi32, #tpu.memory_space<vmem>>
    %dma_wait3A_164 = arith.constant 0 : i32
    %dma_wait3A_165 = arith.constant 0 : i32
    %dma_wait3A_166 = tpu.memref_slice %arg30[%dma_wait3A_164, %dma_wait3A_165] : memref<10000x32xf32, #tpu.memory_space<vmem_shared>> -> memref<10000x32xf32, #tpu.memory_space<vmem_shared>>
    tpu.wait_indirect_dma semaphore(%arg24 : memref<!tpu.dma_semaphore, #tpu.memory_space<semaphore_mem>>) src(%dma_wait3A_160 : memref<125x32xf32, #tpu.memory_space<vmem>>) dst(%dma_wait3A_166 : memref<10000x32xf32, #tpu.memory_space<vmem_shared>>)
    %dma_wait3A_167 = arith.constant 5 : i32
    %dma_wait3A_168 = arith.constant 0 : i32
    %dma_wait3A_169 = arith.constant 0 : i32
    %dma_wait3A_170 = arith.constant 0 : i32
    %dma_wait3A_171 = tpu.memref_slice %arg8[%dma_wait3A_167, %dma_wait3A_169, %dma_wait3A_170] : memref<10x125x32xf32, #tpu.memory_space<vmem>> -> memref<1x125x32xf32, #tpu.memory_space<vmem>>
    %dma_wait3A_172 = tpu.memref_squeeze %dma_wait3A_171 : memref<1x125x32xf32, #tpu.memory_space<vmem>> -> memref<125x32xf32, #tpu.memory_space<vmem>>
    %dma_wait3A_173 = arith.constant 0 : i32
    %dma_wait3A_174 = tpu.memref_slice %arg7[%dma_wait3A_168, %dma_wait3A_173] : memref<160x125xi32, #tpu.memory_space<vmem>> -> memref<1x125xi32, #tpu.memory_space<vmem>>
    %dma_wait3A_175 = tpu.memref_squeeze %dma_wait3A_174 : memref<1x125xi32, #tpu.memory_space<vmem>> -> memref<125xi32, #tpu.memory_space<vmem>>
    %dma_wait3A_176 = arith.constant 0 : i32
    %dma_wait3A_177 = arith.constant 0 : i32
    %dma_wait3A_178 = tpu.memref_slice %arg30[%dma_wait3A_176, %dma_wait3A_177] : memref<10000x32xf32, #tpu.memory_space<vmem_shared>> -> memref<10000x32xf32, #tpu.memory_space<vmem_shared>>
    tpu.wait_indirect_dma semaphore(%arg25 : memref<!tpu.dma_semaphore, #tpu.memory_space<semaphore_mem>>) src(%dma_wait3A_172 : memref<125x32xf32, #tpu.memory_space<vmem>>) dst(%dma_wait3A_178 : memref<10000x32xf32, #tpu.memory_space<vmem_shared>>)
    %dma_wait3A_179 = arith.constant 6 : i32
    %dma_wait3A_180 = arith.constant 0 : i32
    %dma_wait3A_181 = arith.constant 0 : i32
    %dma_wait3A_182 = arith.constant 0 : i32
    %dma_wait3A_183 = tpu.memref_slice %arg8[%dma_wait3A_179, %dma_wait3A_181, %dma_wait3A_182] : memref<10x125x32xf32, #tpu.memory_space<vmem>> -> memref<1x125x32xf32, #tpu.memory_space<vmem>>
    %dma_wait3A_184 = tpu.memref_squeeze %dma_wait3A_183 : memref<1x125x32xf32, #tpu.memory_space<vmem>> -> memref<125x32xf32, #tpu.memory_space<vmem>>
    %dma_wait3A_185 = arith.constant 0 : i32
    %dma_wait3A_186 = tpu.memref_slice %arg7[%dma_wait3A_180, %dma_wait3A_185] : memref<160x125xi32, #tpu.memory_space<vmem>> -> memref<1x125xi32, #tpu.memory_space<vmem>>
    %dma_wait3A_187 = tpu.memref_squeeze %dma_wait3A_186 : memref<1x125xi32, #tpu.memory_space<vmem>> -> memref<125xi32, #tpu.memory_space<vmem>>
    %dma_wait3A_188 = arith.constant 0 : i32
    %dma_wait3A_189 = arith.constant 0 : i32
    %dma_wait3A_190 = tpu.memref_slice %arg30[%dma_wait3A_188, %dma_wait3A_189] : memref<10000x32xf32, #tpu.memory_space<vmem_shared>> -> memref<10000x32xf32, #tpu.memory_space<vmem_shared>>
    tpu.wait_indirect_dma semaphore(%arg26 : memref<!tpu.dma_semaphore, #tpu.memory_space<semaphore_mem>>) src(%dma_wait3A_184 : memref<125x32xf32, #tpu.memory_space<vmem>>) dst(%dma_wait3A_190 : memref<10000x32xf32, #tpu.memory_space<vmem_shared>>)
    %dma_wait3A_191 = arith.constant 7 : i32
    %dma_wait3A_192 = arith.constant 0 : i32
    %dma_wait3A_193 = arith.constant 0 : i32
    %dma_wait3A_194 = arith.constant 0 : i32
    %dma_wait3A_195 = tpu.memref_slice %arg8[%dma_wait3A_191, %dma_wait3A_193, %dma_wait3A_194] : memref<10x125x32xf32, #tpu.memory_space<vmem>> -> memref<1x125x32xf32, #tpu.memory_space<vmem>>
    %dma_wait3A_196 = tpu.memref_squeeze %dma_wait3A_195 : memref<1x125x32xf32, #tpu.memory_space<vmem>> -> memref<125x32xf32, #tpu.memory_space<vmem>>
    %dma_wait3A_197 = arith.constant 0 : i32
    %dma_wait3A_198 = tpu.memref_slice %arg7[%dma_wait3A_192, %dma_wait3A_197] : memref<160x125xi32, #tpu.memory_space<vmem>> -> memref<1x125xi32, #tpu.memory_space<vmem>>
    %dma_wait3A_199 = tpu.memref_squeeze %dma_wait3A_198 : memref<1x125xi32, #tpu.memory_space<vmem>> -> memref<125xi32, #tpu.memory_space<vmem>>
    %dma_wait3A_200 = arith.constant 0 : i32
    %dma_wait3A_201 = arith.constant 0 : i32
    %dma_wait3A_202 = tpu.memref_slice %arg30[%dma_wait3A_200, %dma_wait3A_201] : memref<10000x32xf32, #tpu.memory_space<vmem_shared>> -> memref<10000x32xf32, #tpu.memory_space<vmem_shared>>
    tpu.wait_indirect_dma semaphore(%arg27 : memref<!tpu.dma_semaphore, #tpu.memory_space<semaphore_mem>>) src(%dma_wait3A_196 : memref<125x32xf32, #tpu.memory_space<vmem>>) dst(%dma_wait3A_202 : memref<10000x32xf32, #tpu.memory_space<vmem_shared>>)
    %dma_wait3A_203 = arith.constant 8 : i32
    %dma_wait3A_204 = arith.constant 0 : i32
    %dma_wait3A_205 = arith.constant 0 : i32
    %dma_wait3A_206 = arith.constant 0 : i32
    %dma_wait3A_207 = tpu.memref_slice %arg8[%dma_wait3A_203, %dma_wait3A_205, %dma_wait3A_206] : memref<10x125x32xf32, #tpu.memory_space<vmem>> -> memref<1x125x32xf32, #tpu.memory_space<vmem>>
    %dma_wait3A_208 = tpu.memref_squeeze %dma_wait3A_207 : memref<1x125x32xf32, #tpu.memory_space<vmem>> -> memref<125x32xf32, #tpu.memory_space<vmem>>
    %dma_wait3A_209 = arith.constant 0 : i32
    %dma_wait3A_210 = tpu.memref_slice %arg7[%dma_wait3A_204, %dma_wait3A_209] : memref<160x125xi32, #tpu.memory_space<vmem>> -> memref<1x125xi32, #tpu.memory_space<vmem>>
    %dma_wait3A_211 = tpu.memref_squeeze %dma_wait3A_210 : memref<1x125xi32, #tpu.memory_space<vmem>> -> memref<125xi32, #tpu.memory_space<vmem>>
    %dma_wait3A_212 = arith.constant 0 : i32
    %dma_wait3A_213 = arith.constant 0 : i32
    %dma_wait3A_214 = tpu.memref_slice %arg30[%dma_wait3A_212, %dma_wait3A_213] : memref<10000x32xf32, #tpu.memory_space<vmem_shared>> -> memref<10000x32xf32, #tpu.memory_space<vmem_shared>>
    tpu.wait_indirect_dma semaphore(%arg28 : memref<!tpu.dma_semaphore, #tpu.memory_space<semaphore_mem>>) src(%dma_wait3A_208 : memref<125x32xf32, #tpu.memory_space<vmem>>) dst(%dma_wait3A_214 : memref<10000x32xf32, #tpu.memory_space<vmem_shared>>)
    %dma_wait3A_215 = arith.constant 9 : i32
    %dma_wait3A_216 = arith.constant 0 : i32
    %dma_wait3A_217 = arith.constant 0 : i32
    %dma_wait3A_218 = arith.constant 0 : i32
    %dma_wait3A_219 = tpu.memref_slice %arg8[%dma_wait3A_215, %dma_wait3A_217, %dma_wait3A_218] : memref<10x125x32xf32, #tpu.memory_space<vmem>> -> memref<1x125x32xf32, #tpu.memory_space<vmem>>
    %dma_wait3A_220 = tpu.memref_squeeze %dma_wait3A_219 : memref<1x125x32xf32, #tpu.memory_space<vmem>> -> memref<125x32xf32, #tpu.memory_space<vmem>>
    %dma_wait3A_221 = arith.constant 0 : i32
    %dma_wait3A_222 = tpu.memref_slice %arg7[%dma_wait3A_216, %dma_wait3A_221] : memref<160x125xi32, #tpu.memory_space<vmem>> -> memref<1x125xi32, #tpu.memory_space<vmem>>
    %dma_wait3A_223 = tpu.memref_squeeze %dma_wait3A_222 : memref<1x125xi32, #tpu.memory_space<vmem>> -> memref<125xi32, #tpu.memory_space<vmem>>
    %dma_wait3A_224 = arith.constant 0 : i32
    %dma_wait3A_225 = arith.constant 0 : i32
    %dma_wait3A_226 = tpu.memref_slice %arg30[%dma_wait3A_224, %dma_wait3A_225] : memref<10000x32xf32, #tpu.memory_space<vmem_shared>> -> memref<10000x32xf32, #tpu.memory_space<vmem_shared>>
    tpu.wait_indirect_dma semaphore(%arg29 : memref<!tpu.dma_semaphore, #tpu.memory_space<semaphore_mem>>) src(%dma_wait3A_220 : memref<125x32xf32, #tpu.memory_space<vmem>>) dst(%dma_wait3A_226 : memref<10000x32xf32, #tpu.memory_space<vmem_shared>>)
    %barrier3A_227 = arith.constant 0 : index
    tpu.barrier barrier_id(%barrier3A_227)
    %mul3A_228 = arith.constant 625 : i32
    %mul3A_229 = arith.muli %arg1, %mul3A_228 : i32
    %mul3A_230 = arith.constant 625 : i32
    %mul3A_231 = arith.muli %arg1, %mul3A_230 : i32
    %mul3A_232 = arith.constant 32 : i32
    %mul3A_233 = arith.muli %arg0, %mul3A_232 : i32
    "tpu.region"() ({
      %run_scoped3A = tpu.sem_alloc : memref<!tpu.dma_semaphore, #tpu.memory_space<semaphore_mem>>
      %dma_start3A_234 = tpu.memref_slice %arg5[%mul3A_231, %mul3A_233] : memref<10000x128xf32, #tpu.memory_space<hbm>> -> memref<625x32xf32, #tpu.memory_space<hbm>>
      %dma_start3A_235 = arith.constant 0 : i32
      %dma_start3A_236 = tpu.memref_slice %arg30[%mul3A_229, %dma_start3A_235] : memref<10000x32xf32, #tpu.memory_space<vmem_shared>> -> memref<625x32xf32, #tpu.memory_space<vmem_shared>>
      tpu.enqueue_dma source(%dma_start3A_236 : memref<625x32xf32, #tpu.memory_space<vmem_shared>>) target(%dma_start3A_234 : memref<625x32xf32, #tpu.memory_space<hbm>>) target_semaphore(%run_scoped3A : memref<!tpu.dma_semaphore, #tpu.memory_space<semaphore_mem>>)
      %dma_wait3A_237 = tpu.memref_slice %arg5[%mul3A_231, %mul3A_233] : memref<10000x128xf32, #tpu.memory_space<hbm>> -> memref<625x32xf32, #tpu.memory_space<hbm>>
      %dma_wait3A_238 = arith.constant 0 : i32
      %dma_wait3A_239 = tpu.memref_slice %arg30[%mul3A_229, %dma_wait3A_238] : memref<10000x32xf32, #tpu.memory_space<vmem_shared>> -> memref<625x32xf32, #tpu.memory_space<vmem_shared>>
      tpu.wait_dma2 semaphore(%run_scoped3A : memref<!tpu.dma_semaphore, #tpu.memory_space<semaphore_mem>>) src(%dma_wait3A_239 : memref<625x32xf32, #tpu.memory_space<vmem_shared>>) dst(%dma_wait3A_237 : memref<625x32xf32, #tpu.memory_space<hbm>>)
      tpu.yield
    }) : () -> ()
    return
  }
}

#map = affine_map<(d0, d1) -> (0, 0, 0)>
#map1 = affine_map<(d0, d1) -> (0, 0)>
module attributes {stable_mosaic.version = 14 : i64} {
  func.func @_deg_body(%arg0: i32, %arg1: i32, %arg2: memref<16x160x125xi32, #tpu.memory_space<hbm>>, %arg3: memref<10000x16xf32, #tpu.memory_space<hbm>>, %arg4: memref<160x125xi32, #tpu.memory_space<vmem>>, %arg5: memref<125x16xf32, #tpu.memory_space<vmem>>, %arg6: memref<125x16xf32, #tpu.memory_space<vmem>>, %arg7: memref<!tpu.dma_semaphore, #tpu.memory_space<semaphore_mem>>, %arg8: memref<10000x16xf32, #tpu.memory_space<vmem_shared>>) attributes {dimension_semantics = [#tpu.dimension_semantics<core_parallel>, #tpu.dimension_semantics<subcore_parallel>], iteration_bounds = array<i64: 1, 16>, scalar_prefetch = 0 : i64, scratch_operands = 5 : i64, tpu.core_type = #tpu.core_type<sc_vector_subcore>, window_params = [{transform_indices = #map}, {transform_indices = #map1}]} {
    %scan3A = arith.constant 0 : i32
    %scan3A_0 = arith.constant 0 : i32
    %scan3A_1 = arith.constant 125 : i32
    %scan3A_2 = arith.addi %scan3A_0, %scan3A_1 : i32
    %scan3A_3 = arith.constant 1 : i32
    scf.for %scan3A_40 = %scan3A_0 to %scan3A_2 step %scan3A_3  : i32 {
      %broadcast_in_dim3A = arith.constant 1.000000e+00 : f32
      %broadcast_in_dim3A_41 = vector.broadcast %broadcast_in_dim3A : f32 to vector<16xf32>
      %swap3A = arith.index_cast %scan3A_40 : i32 to index
      %swap3A_42 = arith.constant 0 : index
      %swap3A_43 = tpu.vector_load %arg5[%swap3A, %swap3A_42] {strides = array<i32>} : memref<125x16xf32, #tpu.memory_space<vmem>>, vector<1x16xf32>,
      %swap3A_44 = vector.shape_cast %swap3A_43 : vector<1x16xf32> to vector<16xf32>
      %swap3A_45 = vector.shape_cast %broadcast_in_dim3A_41 : vector<16xf32> to vector<1x16xf32>
      tpu.vector_store %arg5[%swap3A, %swap3A_42], %swap3A_45 {strides = array<i32>} : memref<125x16xf32, #tpu.memory_space<vmem>>, vector<1x16xf32>,
      %broadcast_in_dim3A_46 = arith.constant 0.000000e+00 : f32
      %broadcast_in_dim3A_47 = vector.broadcast %broadcast_in_dim3A_46 : f32 to vector<16xf32>
      %swap3A_48 = arith.index_cast %scan3A_40 : i32 to index
      %swap3A_49 = arith.constant 0 : index
      %swap3A_50 = tpu.vector_load %arg6[%swap3A_48, %swap3A_49] {strides = array<i32>} : memref<125x16xf32, #tpu.memory_space<vmem>>, vector<1x16xf32>,
      %swap3A_51 = vector.shape_cast %swap3A_50 : vector<1x16xf32> to vector<16xf32>
      %swap3A_52 = vector.shape_cast %broadcast_in_dim3A_47 : vector<16xf32> to vector<1x16xf32>
      tpu.vector_store %arg6[%swap3A_48, %swap3A_49], %swap3A_52 {strides = array<i32>} : memref<125x16xf32, #tpu.memory_space<vmem>>, vector<1x16xf32>,
    }
    %scan3A_4 = arith.constant 125 : i32
    %mul3A = arith.constant 625 : i32
    %mul3A_5 = arith.muli %arg1, %mul3A : i32
    %add3A = arith.constant 0 : i32
    %add3A_6 = arith.addi %mul3A_5, %add3A : i32
    "tpu.region"() ({
      %run_scoped3A = tpu.sem_alloc : memref<!tpu.dma_semaphore, #tpu.memory_space<semaphore_mem>>
      %dma_start3A = arith.constant 0 : i32
      %dma_start3A_40 = tpu.memref_slice %arg8[%add3A_6, %dma_start3A] : memref<10000x16xf32, #tpu.memory_space<vmem_shared>> -> memref<125x16xf32, #tpu.memory_space<vmem_shared>>
      %dma_start3A_41 = arith.constant 0 : i32
      %dma_start3A_42 = tpu.memref_slice %arg8[%add3A_6, %dma_start3A_41] : memref<10000x16xf32, #tpu.memory_space<vmem_shared>> -> memref<125x16xf32, #tpu.memory_space<vmem_shared>>
      tpu.enqueue_dma source(%arg6 : memref<125x16xf32, #tpu.memory_space<vmem>>) target(%dma_start3A_42 : memref<125x16xf32, #tpu.memory_space<vmem_shared>>) target_semaphore(%run_scoped3A : memref<!tpu.dma_semaphore, #tpu.memory_space<semaphore_mem>>)
      %dma_wait3A = arith.constant 0 : i32
      %dma_wait3A_43 = tpu.memref_slice %arg8[%add3A_6, %dma_wait3A] : memref<10000x16xf32, #tpu.memory_space<vmem_shared>> -> memref<125x16xf32, #tpu.memory_space<vmem_shared>>
      %dma_wait3A_44 = arith.constant 0 : i32
      %dma_wait3A_45 = tpu.memref_slice %arg8[%add3A_6, %dma_wait3A_44] : memref<10000x16xf32, #tpu.memory_space<vmem_shared>> -> memref<125x16xf32, #tpu.memory_space<vmem_shared>>
      tpu.wait_dma2 semaphore(%run_scoped3A : memref<!tpu.dma_semaphore, #tpu.memory_space<semaphore_mem>>) src(%arg6 : memref<125x16xf32, #tpu.memory_space<vmem>>) dst(%dma_wait3A_45 : memref<125x16xf32, #tpu.memory_space<vmem_shared>>)
      tpu.yield
    }) : () -> ()
    %mul3A_7 = arith.constant 625 : i32
    %mul3A_8 = arith.muli %arg1, %mul3A_7 : i32
    %add3A_9 = arith.constant 125 : i32
    %add3A_10 = arith.addi %mul3A_8, %add3A_9 : i32
    "tpu.region"() ({
      %run_scoped3A = tpu.sem_alloc : memref<!tpu.dma_semaphore, #tpu.memory_space<semaphore_mem>>
      %dma_start3A = arith.constant 0 : i32
      %dma_start3A_40 = tpu.memref_slice %arg8[%add3A_10, %dma_start3A] : memref<10000x16xf32, #tpu.memory_space<vmem_shared>> -> memref<125x16xf32, #tpu.memory_space<vmem_shared>>
      %dma_start3A_41 = arith.constant 0 : i32
      %dma_start3A_42 = tpu.memref_slice %arg8[%add3A_10, %dma_start3A_41] : memref<10000x16xf32, #tpu.memory_space<vmem_shared>> -> memref<125x16xf32, #tpu.memory_space<vmem_shared>>
      tpu.enqueue_dma source(%arg6 : memref<125x16xf32, #tpu.memory_space<vmem>>) target(%dma_start3A_42 : memref<125x16xf32, #tpu.memory_space<vmem_shared>>) target_semaphore(%run_scoped3A : memref<!tpu.dma_semaphore, #tpu.memory_space<semaphore_mem>>)
      %dma_wait3A = arith.constant 0 : i32
      %dma_wait3A_43 = tpu.memref_slice %arg8[%add3A_10, %dma_wait3A] : memref<10000x16xf32, #tpu.memory_space<vmem_shared>> -> memref<125x16xf32, #tpu.memory_space<vmem_shared>>
      %dma_wait3A_44 = arith.constant 0 : i32
      %dma_wait3A_45 = tpu.memref_slice %arg8[%add3A_10, %dma_wait3A_44] : memref<10000x16xf32, #tpu.memory_space<vmem_shared>> -> memref<125x16xf32, #tpu.memory_space<vmem_shared>>
      tpu.wait_dma2 semaphore(%run_scoped3A : memref<!tpu.dma_semaphore, #tpu.memory_space<semaphore_mem>>) src(%arg6 : memref<125x16xf32, #tpu.memory_space<vmem>>) dst(%dma_wait3A_45 : memref<125x16xf32, #tpu.memory_space<vmem_shared>>)
      tpu.yield
    }) : () -> ()
    %mul3A_11 = arith.constant 625 : i32
    %mul3A_12 = arith.muli %arg1, %mul3A_11 : i32
    %add3A_13 = arith.constant 250 : i32
    %add3A_14 = arith.addi %mul3A_12, %add3A_13 : i32
    "tpu.region"() ({
      %run_scoped3A = tpu.sem_alloc : memref<!tpu.dma_semaphore, #tpu.memory_space<semaphore_mem>>
      %dma_start3A = arith.constant 0 : i32
      %dma_start3A_40 = tpu.memref_slice %arg8[%add3A_14, %dma_start3A] : memref<10000x16xf32, #tpu.memory_space<vmem_shared>> -> memref<125x16xf32, #tpu.memory_space<vmem_shared>>
      %dma_start3A_41 = arith.constant 0 : i32
      %dma_start3A_42 = tpu.memref_slice %arg8[%add3A_14, %dma_start3A_41] : memref<10000x16xf32, #tpu.memory_space<vmem_shared>> -> memref<125x16xf32, #tpu.memory_space<vmem_shared>>
      tpu.enqueue_dma source(%arg6 : memref<125x16xf32, #tpu.memory_space<vmem>>) target(%dma_start3A_42 : memref<125x16xf32, #tpu.memory_space<vmem_shared>>) target_semaphore(%run_scoped3A : memref<!tpu.dma_semaphore, #tpu.memory_space<semaphore_mem>>)
      %dma_wait3A = arith.constant 0 : i32
      %dma_wait3A_43 = tpu.memref_slice %arg8[%add3A_14, %dma_wait3A] : memref<10000x16xf32, #tpu.memory_space<vmem_shared>> -> memref<125x16xf32, #tpu.memory_space<vmem_shared>>
      %dma_wait3A_44 = arith.constant 0 : i32
      %dma_wait3A_45 = tpu.memref_slice %arg8[%add3A_14, %dma_wait3A_44] : memref<10000x16xf32, #tpu.memory_space<vmem_shared>> -> memref<125x16xf32, #tpu.memory_space<vmem_shared>>
      tpu.wait_dma2 semaphore(%run_scoped3A : memref<!tpu.dma_semaphore, #tpu.memory_space<semaphore_mem>>) src(%arg6 : memref<125x16xf32, #tpu.memory_space<vmem>>) dst(%dma_wait3A_45 : memref<125x16xf32, #tpu.memory_space<vmem_shared>>)
      tpu.yield
    }) : () -> ()
    %mul3A_15 = arith.constant 625 : i32
    %mul3A_16 = arith.muli %arg1, %mul3A_15 : i32
    %add3A_17 = arith.constant 375 : i32
    %add3A_18 = arith.addi %mul3A_16, %add3A_17 : i32
    "tpu.region"() ({
      %run_scoped3A = tpu.sem_alloc : memref<!tpu.dma_semaphore, #tpu.memory_space<semaphore_mem>>
      %dma_start3A = arith.constant 0 : i32
      %dma_start3A_40 = tpu.memref_slice %arg8[%add3A_18, %dma_start3A] : memref<10000x16xf32, #tpu.memory_space<vmem_shared>> -> memref<125x16xf32, #tpu.memory_space<vmem_shared>>
      %dma_start3A_41 = arith.constant 0 : i32
      %dma_start3A_42 = tpu.memref_slice %arg8[%add3A_18, %dma_start3A_41] : memref<10000x16xf32, #tpu.memory_space<vmem_shared>> -> memref<125x16xf32, #tpu.memory_space<vmem_shared>>
      tpu.enqueue_dma source(%arg6 : memref<125x16xf32, #tpu.memory_space<vmem>>) target(%dma_start3A_42 : memref<125x16xf32, #tpu.memory_space<vmem_shared>>) target_semaphore(%run_scoped3A : memref<!tpu.dma_semaphore, #tpu.memory_space<semaphore_mem>>)
      %dma_wait3A = arith.constant 0 : i32
      %dma_wait3A_43 = tpu.memref_slice %arg8[%add3A_18, %dma_wait3A] : memref<10000x16xf32, #tpu.memory_space<vmem_shared>> -> memref<125x16xf32, #tpu.memory_space<vmem_shared>>
      %dma_wait3A_44 = arith.constant 0 : i32
      %dma_wait3A_45 = tpu.memref_slice %arg8[%add3A_18, %dma_wait3A_44] : memref<10000x16xf32, #tpu.memory_space<vmem_shared>> -> memref<125x16xf32, #tpu.memory_space<vmem_shared>>
      tpu.wait_dma2 semaphore(%run_scoped3A : memref<!tpu.dma_semaphore, #tpu.memory_space<semaphore_mem>>) src(%arg6 : memref<125x16xf32, #tpu.memory_space<vmem>>) dst(%dma_wait3A_45 : memref<125x16xf32, #tpu.memory_space<vmem_shared>>)
      tpu.yield
    }) : () -> ()
    %mul3A_19 = arith.constant 625 : i32
    %mul3A_20 = arith.muli %arg1, %mul3A_19 : i32
    %add3A_21 = arith.constant 500 : i32
    %add3A_22 = arith.addi %mul3A_20, %add3A_21 : i32
    "tpu.region"() ({
      %run_scoped3A = tpu.sem_alloc : memref<!tpu.dma_semaphore, #tpu.memory_space<semaphore_mem>>
      %dma_start3A = arith.constant 0 : i32
      %dma_start3A_40 = tpu.memref_slice %arg8[%add3A_22, %dma_start3A] : memref<10000x16xf32, #tpu.memory_space<vmem_shared>> -> memref<125x16xf32, #tpu.memory_space<vmem_shared>>
      %dma_start3A_41 = arith.constant 0 : i32
      %dma_start3A_42 = tpu.memref_slice %arg8[%add3A_22, %dma_start3A_41] : memref<10000x16xf32, #tpu.memory_space<vmem_shared>> -> memref<125x16xf32, #tpu.memory_space<vmem_shared>>
      tpu.enqueue_dma source(%arg6 : memref<125x16xf32, #tpu.memory_space<vmem>>) target(%dma_start3A_42 : memref<125x16xf32, #tpu.memory_space<vmem_shared>>) target_semaphore(%run_scoped3A : memref<!tpu.dma_semaphore, #tpu.memory_space<semaphore_mem>>)
      %dma_wait3A = arith.constant 0 : i32
      %dma_wait3A_43 = tpu.memref_slice %arg8[%add3A_22, %dma_wait3A] : memref<10000x16xf32, #tpu.memory_space<vmem_shared>> -> memref<125x16xf32, #tpu.memory_space<vmem_shared>>
      %dma_wait3A_44 = arith.constant 0 : i32
      %dma_wait3A_45 = tpu.memref_slice %arg8[%add3A_22, %dma_wait3A_44] : memref<10000x16xf32, #tpu.memory_space<vmem_shared>> -> memref<125x16xf32, #tpu.memory_space<vmem_shared>>
      tpu.wait_dma2 semaphore(%run_scoped3A : memref<!tpu.dma_semaphore, #tpu.memory_space<semaphore_mem>>) src(%arg6 : memref<125x16xf32, #tpu.memory_space<vmem>>) dst(%dma_wait3A_45 : memref<125x16xf32, #tpu.memory_space<vmem_shared>>)
      tpu.yield
    }) : () -> ()
    "tpu.region"() ({
      %run_scoped3A = tpu.sem_alloc : memref<!tpu.dma_semaphore, #tpu.memory_space<semaphore_mem>>
      %dma_start3A = arith.constant 0 : i32
      %dma_start3A_40 = arith.constant 0 : i32
      %dma_start3A_41 = tpu.memref_slice %arg2[%arg1, %dma_start3A, %dma_start3A_40] : memref<16x160x125xi32, #tpu.memory_space<hbm>> -> memref<1x160x125xi32, #tpu.memory_space<hbm>>
      %dma_start3A_42 = tpu.memref_squeeze %dma_start3A_41 : memref<1x160x125xi32, #tpu.memory_space<hbm>> -> memref<160x125xi32, #tpu.memory_space<hbm>>
      %dma_start3A_43 = arith.constant 0 : i32
      %dma_start3A_44 = arith.constant 0 : i32
      %dma_start3A_45 = tpu.memref_slice %arg2[%arg1, %dma_start3A_43, %dma_start3A_44] : memref<16x160x125xi32, #tpu.memory_space<hbm>> -> memref<1x160x125xi32, #tpu.memory_space<hbm>>
      %dma_start3A_46 = tpu.memref_squeeze %dma_start3A_45 : memref<1x160x125xi32, #tpu.memory_space<hbm>> -> memref<160x125xi32, #tpu.memory_space<hbm>>
      tpu.enqueue_dma source(%dma_start3A_46 : memref<160x125xi32, #tpu.memory_space<hbm>>) target(%arg4 : memref<160x125xi32, #tpu.memory_space<vmem>>) target_semaphore(%run_scoped3A : memref<!tpu.dma_semaphore, #tpu.memory_space<semaphore_mem>>)
      %dma_wait3A = arith.constant 0 : i32
      %dma_wait3A_47 = arith.constant 0 : i32
      %dma_wait3A_48 = tpu.memref_slice %arg2[%arg1, %dma_wait3A, %dma_wait3A_47] : memref<16x160x125xi32, #tpu.memory_space<hbm>> -> memref<1x160x125xi32, #tpu.memory_space<hbm>>
      %dma_wait3A_49 = tpu.memref_squeeze %dma_wait3A_48 : memref<1x160x125xi32, #tpu.memory_space<hbm>> -> memref<160x125xi32, #tpu.memory_space<hbm>>
      %dma_wait3A_50 = arith.constant 0 : i32
      %dma_wait3A_51 = arith.constant 0 : i32
      %dma_wait3A_52 = tpu.memref_slice %arg2[%arg1, %dma_wait3A_50, %dma_wait3A_51] : memref<16x160x125xi32, #tpu.memory_space<hbm>> -> memref<1x160x125xi32, #tpu.memory_space<hbm>>
      %dma_wait3A_53 = tpu.memref_squeeze %dma_wait3A_52 : memref<1x160x125xi32, #tpu.memory_space<hbm>> -> memref<160x125xi32, #tpu.memory_space<hbm>>
      tpu.wait_dma2 semaphore(%run_scoped3A : memref<!tpu.dma_semaphore, #tpu.memory_space<semaphore_mem>>) src(%dma_wait3A_53 : memref<160x125xi32, #tpu.memory_space<hbm>>) dst(%arg4 : memref<160x125xi32, #tpu.memory_space<vmem>>)
      tpu.yield
    }) : () -> ()
    %barrier3A = arith.constant 0 : index
    tpu.barrier barrier_id(%barrier3A)
    %scan3A_23 = arith.constant 0 : i32
    %scan3A_24 = arith.constant 0 : i32
    %scan3A_25 = arith.constant 160 : i32
    %scan3A_26 = arith.addi %scan3A_24, %scan3A_25 : i32
    %scan3A_27 = arith.constant 1 : i32
    scf.for %scan3A_40 = %scan3A_24 to %scan3A_26 step %scan3A_27  : i32 {
      %ge3A = arith.constant 16 : i32
      %ge3A_41 = arith.cmpi sge, %scan3A_40, %ge3A : i32
      %convert_element_type3A = arith.extui %ge3A_41 : i1 to i32
      %cond3A = arith.constant 0 : i32
      %cond3A_42 = arith.cmpi ne, %convert_element_type3A, %cond3A : i32
      scf.if %cond3A_42 {
        %dma_wait3A = arith.constant 0 : i32
        %dma_wait3A_48 = tpu.memref_slice %arg4[%scan3A_40, %dma_wait3A] : memref<160x125xi32, #tpu.memory_space<vmem>> -> memref<1x125xi32, #tpu.memory_space<vmem>>
        %dma_wait3A_49 = tpu.memref_squeeze %dma_wait3A_48 : memref<1x125xi32, #tpu.memory_space<vmem>> -> memref<125xi32, #tpu.memory_space<vmem>>
        %dma_wait3A_50 = arith.constant 0 : i32
        %dma_wait3A_51 = arith.constant 0 : i32
        %dma_wait3A_52 = tpu.memref_slice %arg8[%dma_wait3A_50, %dma_wait3A_51] : memref<10000x16xf32, #tpu.memory_space<vmem_shared>> -> memref<10000x16xf32, #tpu.memory_space<vmem_shared>>
        tpu.wait_indirect_dma semaphore(%arg7 : memref<!tpu.dma_semaphore, #tpu.memory_space<semaphore_mem>>) src(%arg5 : memref<125x16xf32, #tpu.memory_space<vmem>>) dst(%dma_wait3A_52 : memref<10000x16xf32, #tpu.memory_space<vmem_shared>>)
      } else {
      }
      %dma_start3A = arith.constant 0 : i32
      %dma_start3A_43 = tpu.memref_slice %arg4[%scan3A_40, %dma_start3A] : memref<160x125xi32, #tpu.memory_space<vmem>> -> memref<1x125xi32, #tpu.memory_space<vmem>>
      %dma_start3A_44 = tpu.memref_squeeze %dma_start3A_43 : memref<1x125xi32, #tpu.memory_space<vmem>> -> memref<125xi32, #tpu.memory_space<vmem>>
      %dma_start3A_45 = arith.constant 0 : i32
      %dma_start3A_46 = arith.constant 0 : i32
      %dma_start3A_47 = tpu.memref_slice %arg8[%dma_start3A_45, %dma_start3A_46] : memref<10000x16xf32, #tpu.memory_space<vmem_shared>> -> memref<10000x16xf32, #tpu.memory_space<vmem_shared>>
      tpu.enqueue_indirect_dma source(%arg5 : memref<125x16xf32, #tpu.memory_space<vmem>>) target(%dma_start3A_47 : memref<10000x16xf32, #tpu.memory_space<vmem_shared>>) offsets(%dma_start3A_44 : memref<125xi32, #tpu.memory_space<vmem>>) semaphore(%arg7 : memref<!tpu.dma_semaphore, #tpu.memory_space<semaphore_mem>>) {add = true}
    }
    %scan3A_28 = arith.constant 160 : i32
    %scan3A_29 = arith.constant 0 : i32
    %scan3A_30 = arith.constant 0 : i32
    %scan3A_31 = arith.constant 16 : i32
    %scan3A_32 = arith.addi %scan3A_30, %scan3A_31 : i32
    %scan3A_33 = arith.constant 1 : i32
    scf.for %scan3A_40 = %scan3A_30 to %scan3A_32 step %scan3A_33  : i32 {
      %dma_wait3A = arith.constant 0 : i32
      %dma_wait3A_41 = tpu.memref_slice %arg4[%scan3A_40, %dma_wait3A] : memref<160x125xi32, #tpu.memory_space<vmem>> -> memref<1x125xi32, #tpu.memory_space<vmem>>
      %dma_wait3A_42 = tpu.memref_squeeze %dma_wait3A_41 : memref<1x125xi32, #tpu.memory_space<vmem>> -> memref<125xi32, #tpu.memory_space<vmem>>
      %dma_wait3A_43 = arith.constant 0 : i32
      %dma_wait3A_44 = arith.constant 0 : i32
      %dma_wait3A_45 = tpu.memref_slice %arg8[%dma_wait3A_43, %dma_wait3A_44] : memref<10000x16xf32, #tpu.memory_space<vmem_shared>> -> memref<10000x16xf32, #tpu.memory_space<vmem_shared>>
      tpu.wait_indirect_dma semaphore(%arg7 : memref<!tpu.dma_semaphore, #tpu.memory_space<semaphore_mem>>) src(%arg5 : memref<125x16xf32, #tpu.memory_space<vmem>>) dst(%dma_wait3A_45 : memref<10000x16xf32, #tpu.memory_space<vmem_shared>>)
    }
    %scan3A_34 = arith.constant 16 : i32
    %barrier3A_35 = arith.constant 0 : index
    tpu.barrier barrier_id(%barrier3A_35)
    %mul3A_36 = arith.constant 625 : i32
    %mul3A_37 = arith.muli %arg1, %mul3A_36 : i32
    %mul3A_38 = arith.constant 625 : i32
    %mul3A_39 = arith.muli %arg1, %mul3A_38 : i32
    "tpu.region"() ({
      %run_scoped3A = tpu.sem_alloc : memref<!tpu.dma_semaphore, #tpu.memory_space<semaphore_mem>>
      %dma_start3A = arith.constant 0 : i32
      %dma_start3A_40 = tpu.memref_slice %arg3[%mul3A_39, %dma_start3A] : memref<10000x16xf32, #tpu.memory_space<hbm>> -> memref<625x16xf32, #tpu.memory_space<hbm>>
      %dma_start3A_41 = arith.constant 0 : i32
      %dma_start3A_42 = tpu.memref_slice %arg8[%mul3A_37, %dma_start3A_41] : memref<10000x16xf32, #tpu.memory_space<vmem_shared>> -> memref<625x16xf32, #tpu.memory_space<vmem_shared>>
      tpu.enqueue_dma source(%dma_start3A_42 : memref<625x16xf32, #tpu.memory_space<vmem_shared>>) target(%dma_start3A_40 : memref<625x16xf32, #tpu.memory_space<hbm>>) target_semaphore(%run_scoped3A : memref<!tpu.dma_semaphore, #tpu.memory_space<semaphore_mem>>)
      %dma_wait3A = arith.constant 0 : i32
      %dma_wait3A_43 = tpu.memref_slice %arg3[%mul3A_39, %dma_wait3A] : memref<10000x16xf32, #tpu.memory_space<hbm>> -> memref<625x16xf32, #tpu.memory_space<hbm>>
      %dma_wait3A_44 = arith.constant 0 : i32
      %dma_wait3A_45 = tpu.memref_slice %arg8[%mul3A_37, %dma_wait3A_44] : memref<10000x16xf32, #tpu.memory_space<vmem_shared>> -> memref<625x16xf32, #tpu.memory_space<vmem_shared>>
      tpu.wait_dma2 semaphore(%run_scoped3A : memref<!tpu.dma_semaphore, #tpu.memory_space<semaphore_mem>>) src(%dma_wait3A_45 : memref<625x16xf32, #tpu.memory_space<vmem_shared>>) dst(%dma_wait3A_43 : memref<625x16xf32, #tpu.memory_space<hbm>>)
      tpu.yield
    }) : () -> ()
    return
  }
}

#map = affine_map<(d0, d1) -> (0, 0, 0)>
#map1 = affine_map<(d0, d1) -> (0, 0)>
module attributes {stable_mosaic.version = 14 : i64} {
  func.func @_agg_body(%arg0: i32, %arg1: i32, %arg2: memref<2x10000x64xf32, #tpu.memory_space<hbm>>, %arg3: memref<16x160x125xi32, #tpu.memory_space<hbm>>, %arg4: memref<16x160x125xi32, #tpu.memory_space<hbm>>, %arg5: memref<10000x128xf32, #tpu.memory_space<hbm>>, %arg6: memref<160x125xi32, #tpu.memory_space<vmem>>, %arg7: memref<160x125xi32, #tpu.memory_space<vmem>>, %arg8: memref<5x125x64xf32, #tpu.memory_space<vmem>>, %arg9: memref<125x64xf32, #tpu.memory_space<vmem>>, %arg10: memref<!tpu.dma_semaphore, #tpu.memory_space<semaphore_mem>>, %arg11: memref<!tpu.dma_semaphore, #tpu.memory_space<semaphore_mem>>, %arg12: memref<!tpu.dma_semaphore, #tpu.memory_space<semaphore_mem>>, %arg13: memref<!tpu.dma_semaphore, #tpu.memory_space<semaphore_mem>>, %arg14: memref<!tpu.dma_semaphore, #tpu.memory_space<semaphore_mem>>, %arg15: memref<!tpu.dma_semaphore, #tpu.memory_space<semaphore_mem>>, %arg16: memref<!tpu.dma_semaphore, #tpu.memory_space<semaphore_mem>>, %arg17: memref<!tpu.dma_semaphore, #tpu.memory_space<semaphore_mem>>, %arg18: memref<!tpu.dma_semaphore, #tpu.memory_space<semaphore_mem>>, %arg19: memref<!tpu.dma_semaphore, #tpu.memory_space<semaphore_mem>>, %arg20: memref<10000x64xf32, #tpu.memory_space<vmem_shared>>) attributes {dimension_semantics = [#tpu.dimension_semantics<core_parallel>, #tpu.dimension_semantics<subcore_parallel>], iteration_bounds = array<i64: 2, 16>, scalar_prefetch = 0 : i64, scratch_operands = 15 : i64, tpu.core_type = #tpu.core_type<sc_vector_subcore>, window_params = [{transform_indices = #map}, {transform_indices = #map}, {transform_indices = #map}, {transform_indices = #map1}]} {
    %scan3A = arith.constant 0 : i32
    %scan3A_0 = arith.constant 0 : i32
    %scan3A_1 = arith.constant 125 : i32
    %scan3A_2 = arith.addi %scan3A_0, %scan3A_1 : i32
    %scan3A_3 = arith.constant 1 : i32
    scf.for %scan3A_142 = %scan3A_0 to %scan3A_2 step %scan3A_3  : i32 {
      %broadcast_in_dim3A = arith.constant 0.000000e+00 : f32
      %broadcast_in_dim3A_143 = vector.broadcast %broadcast_in_dim3A : f32 to vector<16xf32>
      %swap3A = arith.index_cast %scan3A_142 : i32 to index
      %swap3A_144 = arith.constant 0 : index
      %swap3A_145 = tpu.vector_load %arg9[%swap3A, %swap3A_144] {strides = array<i32>} : memref<125x64xf32, #tpu.memory_space<vmem>>, vector<1x16xf32>,
      %swap3A_146 = vector.shape_cast %swap3A_145 : vector<1x16xf32> to vector<16xf32>
      %swap3A_147 = vector.shape_cast %broadcast_in_dim3A_143 : vector<16xf32> to vector<1x16xf32>
      tpu.vector_store %arg9[%swap3A, %swap3A_144], %swap3A_147 {strides = array<i32>} : memref<125x64xf32, #tpu.memory_space<vmem>>, vector<1x16xf32>,
      %broadcast_in_dim3A_148 = arith.constant 0.000000e+00 : f32
      %broadcast_in_dim3A_149 = vector.broadcast %broadcast_in_dim3A_148 : f32 to vector<16xf32>
      %swap3A_150 = arith.index_cast %scan3A_142 : i32 to index
      %swap3A_151 = arith.constant 16 : index
      %swap3A_152 = tpu.vector_load %arg9[%swap3A_150, %swap3A_151] {strides = array<i32>} : memref<125x64xf32, #tpu.memory_space<vmem>>, vector<1x16xf32>,
      %swap3A_153 = vector.shape_cast %swap3A_152 : vector<1x16xf32> to vector<16xf32>
      %swap3A_154 = vector.shape_cast %broadcast_in_dim3A_149 : vector<16xf32> to vector<1x16xf32>
      tpu.vector_store %arg9[%swap3A_150, %swap3A_151], %swap3A_154 {strides = array<i32>} : memref<125x64xf32, #tpu.memory_space<vmem>>, vector<1x16xf32>,
      %broadcast_in_dim3A_155 = arith.constant 0.000000e+00 : f32
      %broadcast_in_dim3A_156 = vector.broadcast %broadcast_in_dim3A_155 : f32 to vector<16xf32>
      %swap3A_157 = arith.index_cast %scan3A_142 : i32 to index
      %swap3A_158 = arith.constant 32 : index
      %swap3A_159 = tpu.vector_load %arg9[%swap3A_157, %swap3A_158] {strides = array<i32>} : memref<125x64xf32, #tpu.memory_space<vmem>>, vector<1x16xf32>,
      %swap3A_160 = vector.shape_cast %swap3A_159 : vector<1x16xf32> to vector<16xf32>
      %swap3A_161 = vector.shape_cast %broadcast_in_dim3A_156 : vector<16xf32> to vector<1x16xf32>
      tpu.vector_store %arg9[%swap3A_157, %swap3A_158], %swap3A_161 {strides = array<i32>} : memref<125x64xf32, #tpu.memory_space<vmem>>, vector<1x16xf32>,
      %broadcast_in_dim3A_162 = arith.constant 0.000000e+00 : f32
      %broadcast_in_dim3A_163 = vector.broadcast %broadcast_in_dim3A_162 : f32 to vector<16xf32>
      %swap3A_164 = arith.index_cast %scan3A_142 : i32 to index
      %swap3A_165 = arith.constant 48 : index
      %swap3A_166 = tpu.vector_load %arg9[%swap3A_164, %swap3A_165] {strides = array<i32>} : memref<125x64xf32, #tpu.memory_space<vmem>>, vector<1x16xf32>,
      %swap3A_167 = vector.shape_cast %swap3A_166 : vector<1x16xf32> to vector<16xf32>
      %swap3A_168 = vector.shape_cast %broadcast_in_dim3A_163 : vector<16xf32> to vector<1x16xf32>
      tpu.vector_store %arg9[%swap3A_164, %swap3A_165], %swap3A_168 {strides = array<i32>} : memref<125x64xf32, #tpu.memory_space<vmem>>, vector<1x16xf32>,
    }
    %scan3A_4 = arith.constant 125 : i32
    %mul3A = arith.constant 625 : i32
    %mul3A_5 = arith.muli %arg1, %mul3A : i32
    %add3A = arith.constant 0 : i32
    %add3A_6 = arith.addi %mul3A_5, %add3A : i32
    "tpu.region"() ({
      %run_scoped3A = tpu.sem_alloc : memref<!tpu.dma_semaphore, #tpu.memory_space<semaphore_mem>>
      %dma_start3A_142 = arith.constant 0 : i32
      %dma_start3A_143 = tpu.memref_slice %arg20[%add3A_6, %dma_start3A_142] : memref<10000x64xf32, #tpu.memory_space<vmem_shared>> -> memref<125x64xf32, #tpu.memory_space<vmem_shared>>
      %dma_start3A_144 = arith.constant 0 : i32
      %dma_start3A_145 = tpu.memref_slice %arg20[%add3A_6, %dma_start3A_144] : memref<10000x64xf32, #tpu.memory_space<vmem_shared>> -> memref<125x64xf32, #tpu.memory_space<vmem_shared>>
      tpu.enqueue_dma source(%arg9 : memref<125x64xf32, #tpu.memory_space<vmem>>) target(%dma_start3A_145 : memref<125x64xf32, #tpu.memory_space<vmem_shared>>) target_semaphore(%run_scoped3A : memref<!tpu.dma_semaphore, #tpu.memory_space<semaphore_mem>>)
      %dma_wait3A_146 = arith.constant 0 : i32
      %dma_wait3A_147 = tpu.memref_slice %arg20[%add3A_6, %dma_wait3A_146] : memref<10000x64xf32, #tpu.memory_space<vmem_shared>> -> memref<125x64xf32, #tpu.memory_space<vmem_shared>>
      %dma_wait3A_148 = arith.constant 0 : i32
      %dma_wait3A_149 = tpu.memref_slice %arg20[%add3A_6, %dma_wait3A_148] : memref<10000x64xf32, #tpu.memory_space<vmem_shared>> -> memref<125x64xf32, #tpu.memory_space<vmem_shared>>
      tpu.wait_dma2 semaphore(%run_scoped3A : memref<!tpu.dma_semaphore, #tpu.memory_space<semaphore_mem>>) src(%arg9 : memref<125x64xf32, #tpu.memory_space<vmem>>) dst(%dma_wait3A_149 : memref<125x64xf32, #tpu.memory_space<vmem_shared>>)
      tpu.yield
    }) : () -> ()
    %mul3A_7 = arith.constant 625 : i32
    %mul3A_8 = arith.muli %arg1, %mul3A_7 : i32
    %add3A_9 = arith.constant 125 : i32
    %add3A_10 = arith.addi %mul3A_8, %add3A_9 : i32
    "tpu.region"() ({
      %run_scoped3A = tpu.sem_alloc : memref<!tpu.dma_semaphore, #tpu.memory_space<semaphore_mem>>
      %dma_start3A_142 = arith.constant 0 : i32
      %dma_start3A_143 = tpu.memref_slice %arg20[%add3A_10, %dma_start3A_142] : memref<10000x64xf32, #tpu.memory_space<vmem_shared>> -> memref<125x64xf32, #tpu.memory_space<vmem_shared>>
      %dma_start3A_144 = arith.constant 0 : i32
      %dma_start3A_145 = tpu.memref_slice %arg20[%add3A_10, %dma_start3A_144] : memref<10000x64xf32, #tpu.memory_space<vmem_shared>> -> memref<125x64xf32, #tpu.memory_space<vmem_shared>>
      tpu.enqueue_dma source(%arg9 : memref<125x64xf32, #tpu.memory_space<vmem>>) target(%dma_start3A_145 : memref<125x64xf32, #tpu.memory_space<vmem_shared>>) target_semaphore(%run_scoped3A : memref<!tpu.dma_semaphore, #tpu.memory_space<semaphore_mem>>)
      %dma_wait3A_146 = arith.constant 0 : i32
      %dma_wait3A_147 = tpu.memref_slice %arg20[%add3A_10, %dma_wait3A_146] : memref<10000x64xf32, #tpu.memory_space<vmem_shared>> -> memref<125x64xf32, #tpu.memory_space<vmem_shared>>
      %dma_wait3A_148 = arith.constant 0 : i32
      %dma_wait3A_149 = tpu.memref_slice %arg20[%add3A_10, %dma_wait3A_148] : memref<10000x64xf32, #tpu.memory_space<vmem_shared>> -> memref<125x64xf32, #tpu.memory_space<vmem_shared>>
      tpu.wait_dma2 semaphore(%run_scoped3A : memref<!tpu.dma_semaphore, #tpu.memory_space<semaphore_mem>>) src(%arg9 : memref<125x64xf32, #tpu.memory_space<vmem>>) dst(%dma_wait3A_149 : memref<125x64xf32, #tpu.memory_space<vmem_shared>>)
      tpu.yield
    }) : () -> ()
    %mul3A_11 = arith.constant 625 : i32
    %mul3A_12 = arith.muli %arg1, %mul3A_11 : i32
    %add3A_13 = arith.constant 250 : i32
    %add3A_14 = arith.addi %mul3A_12, %add3A_13 : i32
    "tpu.region"() ({
      %run_scoped3A = tpu.sem_alloc : memref<!tpu.dma_semaphore, #tpu.memory_space<semaphore_mem>>
      %dma_start3A_142 = arith.constant 0 : i32
      %dma_start3A_143 = tpu.memref_slice %arg20[%add3A_14, %dma_start3A_142] : memref<10000x64xf32, #tpu.memory_space<vmem_shared>> -> memref<125x64xf32, #tpu.memory_space<vmem_shared>>
      %dma_start3A_144 = arith.constant 0 : i32
      %dma_start3A_145 = tpu.memref_slice %arg20[%add3A_14, %dma_start3A_144] : memref<10000x64xf32, #tpu.memory_space<vmem_shared>> -> memref<125x64xf32, #tpu.memory_space<vmem_shared>>
      tpu.enqueue_dma source(%arg9 : memref<125x64xf32, #tpu.memory_space<vmem>>) target(%dma_start3A_145 : memref<125x64xf32, #tpu.memory_space<vmem_shared>>) target_semaphore(%run_scoped3A : memref<!tpu.dma_semaphore, #tpu.memory_space<semaphore_mem>>)
      %dma_wait3A_146 = arith.constant 0 : i32
      %dma_wait3A_147 = tpu.memref_slice %arg20[%add3A_14, %dma_wait3A_146] : memref<10000x64xf32, #tpu.memory_space<vmem_shared>> -> memref<125x64xf32, #tpu.memory_space<vmem_shared>>
      %dma_wait3A_148 = arith.constant 0 : i32
      %dma_wait3A_149 = tpu.memref_slice %arg20[%add3A_14, %dma_wait3A_148] : memref<10000x64xf32, #tpu.memory_space<vmem_shared>> -> memref<125x64xf32, #tpu.memory_space<vmem_shared>>
      tpu.wait_dma2 semaphore(%run_scoped3A : memref<!tpu.dma_semaphore, #tpu.memory_space<semaphore_mem>>) src(%arg9 : memref<125x64xf32, #tpu.memory_space<vmem>>) dst(%dma_wait3A_149 : memref<125x64xf32, #tpu.memory_space<vmem_shared>>)
      tpu.yield
    }) : () -> ()
    %mul3A_15 = arith.constant 625 : i32
    %mul3A_16 = arith.muli %arg1, %mul3A_15 : i32
    %add3A_17 = arith.constant 375 : i32
    %add3A_18 = arith.addi %mul3A_16, %add3A_17 : i32
    "tpu.region"() ({
      %run_scoped3A = tpu.sem_alloc : memref<!tpu.dma_semaphore, #tpu.memory_space<semaphore_mem>>
      %dma_start3A_142 = arith.constant 0 : i32
      %dma_start3A_143 = tpu.memref_slice %arg20[%add3A_18, %dma_start3A_142] : memref<10000x64xf32, #tpu.memory_space<vmem_shared>> -> memref<125x64xf32, #tpu.memory_space<vmem_shared>>
      %dma_start3A_144 = arith.constant 0 : i32
      %dma_start3A_145 = tpu.memref_slice %arg20[%add3A_18, %dma_start3A_144] : memref<10000x64xf32, #tpu.memory_space<vmem_shared>> -> memref<125x64xf32, #tpu.memory_space<vmem_shared>>
      tpu.enqueue_dma source(%arg9 : memref<125x64xf32, #tpu.memory_space<vmem>>) target(%dma_start3A_145 : memref<125x64xf32, #tpu.memory_space<vmem_shared>>) target_semaphore(%run_scoped3A : memref<!tpu.dma_semaphore, #tpu.memory_space<semaphore_mem>>)
      %dma_wait3A_146 = arith.constant 0 : i32
      %dma_wait3A_147 = tpu.memref_slice %arg20[%add3A_18, %dma_wait3A_146] : memref<10000x64xf32, #tpu.memory_space<vmem_shared>> -> memref<125x64xf32, #tpu.memory_space<vmem_shared>>
      %dma_wait3A_148 = arith.constant 0 : i32
      %dma_wait3A_149 = tpu.memref_slice %arg20[%add3A_18, %dma_wait3A_148] : memref<10000x64xf32, #tpu.memory_space<vmem_shared>> -> memref<125x64xf32, #tpu.memory_space<vmem_shared>>
      tpu.wait_dma2 semaphore(%run_scoped3A : memref<!tpu.dma_semaphore, #tpu.memory_space<semaphore_mem>>) src(%arg9 : memref<125x64xf32, #tpu.memory_space<vmem>>) dst(%dma_wait3A_149 : memref<125x64xf32, #tpu.memory_space<vmem_shared>>)
      tpu.yield
    }) : () -> ()
    %mul3A_19 = arith.constant 625 : i32
    %mul3A_20 = arith.muli %arg1, %mul3A_19 : i32
    %add3A_21 = arith.constant 500 : i32
    %add3A_22 = arith.addi %mul3A_20, %add3A_21 : i32
    "tpu.region"() ({
      %run_scoped3A = tpu.sem_alloc : memref<!tpu.dma_semaphore, #tpu.memory_space<semaphore_mem>>
      %dma_start3A_142 = arith.constant 0 : i32
      %dma_start3A_143 = tpu.memref_slice %arg20[%add3A_22, %dma_start3A_142] : memref<10000x64xf32, #tpu.memory_space<vmem_shared>> -> memref<125x64xf32, #tpu.memory_space<vmem_shared>>
      %dma_start3A_144 = arith.constant 0 : i32
      %dma_start3A_145 = tpu.memref_slice %arg20[%add3A_22, %dma_start3A_144] : memref<10000x64xf32, #tpu.memory_space<vmem_shared>> -> memref<125x64xf32, #tpu.memory_space<vmem_shared>>
      tpu.enqueue_dma source(%arg9 : memref<125x64xf32, #tpu.memory_space<vmem>>) target(%dma_start3A_145 : memref<125x64xf32, #tpu.memory_space<vmem_shared>>) target_semaphore(%run_scoped3A : memref<!tpu.dma_semaphore, #tpu.memory_space<semaphore_mem>>)
      %dma_wait3A_146 = arith.constant 0 : i32
      %dma_wait3A_147 = tpu.memref_slice %arg20[%add3A_22, %dma_wait3A_146] : memref<10000x64xf32, #tpu.memory_space<vmem_shared>> -> memref<125x64xf32, #tpu.memory_space<vmem_shared>>
      %dma_wait3A_148 = arith.constant 0 : i32
      %dma_wait3A_149 = tpu.memref_slice %arg20[%add3A_22, %dma_wait3A_148] : memref<10000x64xf32, #tpu.memory_space<vmem_shared>> -> memref<125x64xf32, #tpu.memory_space<vmem_shared>>
      tpu.wait_dma2 semaphore(%run_scoped3A : memref<!tpu.dma_semaphore, #tpu.memory_space<semaphore_mem>>) src(%arg9 : memref<125x64xf32, #tpu.memory_space<vmem>>) dst(%dma_wait3A_149 : memref<125x64xf32, #tpu.memory_space<vmem_shared>>)
      tpu.yield
    }) : () -> ()
    "tpu.region"() ({
      %run_scoped3A = tpu.sem_alloc : memref<!tpu.dma_semaphore, #tpu.memory_space<semaphore_mem>>
      %dma_start3A_142 = arith.constant 0 : i32
      %dma_start3A_143 = arith.constant 0 : i32
      %dma_start3A_144 = tpu.memref_slice %arg3[%arg1, %dma_start3A_142, %dma_start3A_143] : memref<16x160x125xi32, #tpu.memory_space<hbm>> -> memref<1x160x125xi32, #tpu.memory_space<hbm>>
      %dma_start3A_145 = tpu.memref_squeeze %dma_start3A_144 : memref<1x160x125xi32, #tpu.memory_space<hbm>> -> memref<160x125xi32, #tpu.memory_space<hbm>>
      %dma_start3A_146 = arith.constant 0 : i32
      %dma_start3A_147 = arith.constant 0 : i32
      %dma_start3A_148 = tpu.memref_slice %arg3[%arg1, %dma_start3A_146, %dma_start3A_147] : memref<16x160x125xi32, #tpu.memory_space<hbm>> -> memref<1x160x125xi32, #tpu.memory_space<hbm>>
      %dma_start3A_149 = tpu.memref_squeeze %dma_start3A_148 : memref<1x160x125xi32, #tpu.memory_space<hbm>> -> memref<160x125xi32, #tpu.memory_space<hbm>>
      tpu.enqueue_dma source(%dma_start3A_149 : memref<160x125xi32, #tpu.memory_space<hbm>>) target(%arg6 : memref<160x125xi32, #tpu.memory_space<vmem>>) target_semaphore(%run_scoped3A : memref<!tpu.dma_semaphore, #tpu.memory_space<semaphore_mem>>)
      %dma_wait3A_150 = arith.constant 0 : i32
      %dma_wait3A_151 = arith.constant 0 : i32
      %dma_wait3A_152 = tpu.memref_slice %arg3[%arg1, %dma_wait3A_150, %dma_wait3A_151] : memref<16x160x125xi32, #tpu.memory_space<hbm>> -> memref<1x160x125xi32, #tpu.memory_space<hbm>>
      %dma_wait3A_153 = tpu.memref_squeeze %dma_wait3A_152 : memref<1x160x125xi32, #tpu.memory_space<hbm>> -> memref<160x125xi32, #tpu.memory_space<hbm>>
      %dma_wait3A_154 = arith.constant 0 : i32
      %dma_wait3A_155 = arith.constant 0 : i32
      %dma_wait3A_156 = tpu.memref_slice %arg3[%arg1, %dma_wait3A_154, %dma_wait3A_155] : memref<16x160x125xi32, #tpu.memory_space<hbm>> -> memref<1x160x125xi32, #tpu.memory_space<hbm>>
      %dma_wait3A_157 = tpu.memref_squeeze %dma_wait3A_156 : memref<1x160x125xi32, #tpu.memory_space<hbm>> -> memref<160x125xi32, #tpu.memory_space<hbm>>
      tpu.wait_dma2 semaphore(%run_scoped3A : memref<!tpu.dma_semaphore, #tpu.memory_space<semaphore_mem>>) src(%dma_wait3A_157 : memref<160x125xi32, #tpu.memory_space<hbm>>) dst(%arg6 : memref<160x125xi32, #tpu.memory_space<vmem>>)
      tpu.yield
    }) : () -> ()
    "tpu.region"() ({
      %run_scoped3A = tpu.sem_alloc : memref<!tpu.dma_semaphore, #tpu.memory_space<semaphore_mem>>
      %dma_start3A_142 = arith.constant 0 : i32
      %dma_start3A_143 = arith.constant 0 : i32
      %dma_start3A_144 = tpu.memref_slice %arg4[%arg1, %dma_start3A_142, %dma_start3A_143] : memref<16x160x125xi32, #tpu.memory_space<hbm>> -> memref<1x160x125xi32, #tpu.memory_space<hbm>>
      %dma_start3A_145 = tpu.memref_squeeze %dma_start3A_144 : memref<1x160x125xi32, #tpu.memory_space<hbm>> -> memref<160x125xi32, #tpu.memory_space<hbm>>
      %dma_start3A_146 = arith.constant 0 : i32
      %dma_start3A_147 = arith.constant 0 : i32
      %dma_start3A_148 = tpu.memref_slice %arg4[%arg1, %dma_start3A_146, %dma_start3A_147] : memref<16x160x125xi32, #tpu.memory_space<hbm>> -> memref<1x160x125xi32, #tpu.memory_space<hbm>>
      %dma_start3A_149 = tpu.memref_squeeze %dma_start3A_148 : memref<1x160x125xi32, #tpu.memory_space<hbm>> -> memref<160x125xi32, #tpu.memory_space<hbm>>
      tpu.enqueue_dma source(%dma_start3A_149 : memref<160x125xi32, #tpu.memory_space<hbm>>) target(%arg7 : memref<160x125xi32, #tpu.memory_space<vmem>>) target_semaphore(%run_scoped3A : memref<!tpu.dma_semaphore, #tpu.memory_space<semaphore_mem>>)
      %dma_wait3A_150 = arith.constant 0 : i32
      %dma_wait3A_151 = arith.constant 0 : i32
      %dma_wait3A_152 = tpu.memref_slice %arg4[%arg1, %dma_wait3A_150, %dma_wait3A_151] : memref<16x160x125xi32, #tpu.memory_space<hbm>> -> memref<1x160x125xi32, #tpu.memory_space<hbm>>
      %dma_wait3A_153 = tpu.memref_squeeze %dma_wait3A_152 : memref<1x160x125xi32, #tpu.memory_space<hbm>> -> memref<160x125xi32, #tpu.memory_space<hbm>>
      %dma_wait3A_154 = arith.constant 0 : i32
      %dma_wait3A_155 = arith.constant 0 : i32
      %dma_wait3A_156 = tpu.memref_slice %arg4[%arg1, %dma_wait3A_154, %dma_wait3A_155] : memref<16x160x125xi32, #tpu.memory_space<hbm>> -> memref<1x160x125xi32, #tpu.memory_space<hbm>>
      %dma_wait3A_157 = tpu.memref_squeeze %dma_wait3A_156 : memref<1x160x125xi32, #tpu.memory_space<hbm>> -> memref<160x125xi32, #tpu.memory_space<hbm>>
      tpu.wait_dma2 semaphore(%run_scoped3A : memref<!tpu.dma_semaphore, #tpu.memory_space<semaphore_mem>>) src(%dma_wait3A_157 : memref<160x125xi32, #tpu.memory_space<hbm>>) dst(%arg7 : memref<160x125xi32, #tpu.memory_space<vmem>>)
      tpu.yield
    }) : () -> ()
    %barrier3A = arith.constant 0 : index
    tpu.barrier barrier_id(%barrier3A)
    %dma_start3A = arith.constant 0 : i32
    %dma_start3A_23 = arith.constant 0 : i32
    %dma_start3A_24 = arith.constant 0 : i32
    %dma_start3A_25 = arith.constant 0 : i32
    %dma_start3A_26 = tpu.memref_slice %arg8[%dma_start3A_23, %dma_start3A_24, %dma_start3A_25] : memref<5x125x64xf32, #tpu.memory_space<vmem>> -> memref<1x125x64xf32, #tpu.memory_space<vmem>>
    %dma_start3A_27 = tpu.memref_squeeze %dma_start3A_26 : memref<1x125x64xf32, #tpu.memory_space<vmem>> -> memref<125x64xf32, #tpu.memory_space<vmem>>
    %dma_start3A_28 = arith.constant 0 : i32
    %dma_start3A_29 = tpu.memref_slice %arg6[%dma_start3A, %dma_start3A_28] : memref<160x125xi32, #tpu.memory_space<vmem>> -> memref<1x125xi32, #tpu.memory_space<vmem>>
    %dma_start3A_30 = tpu.memref_squeeze %dma_start3A_29 : memref<1x125xi32, #tpu.memory_space<vmem>> -> memref<125xi32, #tpu.memory_space<vmem>>
    %dma_start3A_31 = arith.constant 0 : i32
    %dma_start3A_32 = arith.constant 0 : i32
    %dma_start3A_33 = tpu.memref_slice %arg2[%arg0, %dma_start3A_31, %dma_start3A_32] : memref<2x10000x64xf32, #tpu.memory_space<hbm>> -> memref<1x10000x64xf32, #tpu.memory_space<hbm>>
    %dma_start3A_34 = tpu.memref_squeeze %dma_start3A_33 : memref<1x10000x64xf32, #tpu.memory_space<hbm>> -> memref<10000x64xf32, #tpu.memory_space<hbm>>
    %dma_start3A_35 = arith.constant 0 : i32
    %dma_start3A_36 = arith.constant 0 : i32
    %dma_start3A_37 = tpu.memref_slice %dma_start3A_34[%dma_start3A_35, %dma_start3A_36] : memref<10000x64xf32, #tpu.memory_space<hbm>> -> memref<10000x64xf32, #tpu.memory_space<hbm>>
    tpu.enqueue_indirect_dma source(%dma_start3A_37 : memref<10000x64xf32, #tpu.memory_space<hbm>>) target(%dma_start3A_27 : memref<125x64xf32, #tpu.memory_space<vmem>>) offsets(%dma_start3A_30 : memref<125xi32, #tpu.memory_space<vmem>>) semaphore(%arg10 : memref<!tpu.dma_semaphore, #tpu.memory_space<semaphore_mem>>)
    %dma_start3A_38 = arith.constant 1 : i32
    %dma_start3A_39 = arith.constant 1 : i32
    %dma_start3A_40 = arith.constant 0 : i32
    %dma_start3A_41 = arith.constant 0 : i32
    %dma_start3A_42 = tpu.memref_slice %arg8[%dma_start3A_39, %dma_start3A_40, %dma_start3A_41] : memref<5x125x64xf32, #tpu.memory_space<vmem>> -> memref<1x125x64xf32, #tpu.memory_space<vmem>>
    %dma_start3A_43 = tpu.memref_squeeze %dma_start3A_42 : memref<1x125x64xf32, #tpu.memory_space<vmem>> -> memref<125x64xf32, #tpu.memory_space<vmem>>
    %dma_start3A_44 = arith.constant 0 : i32
    %dma_start3A_45 = tpu.memref_slice %arg6[%dma_start3A_38, %dma_start3A_44] : memref<160x125xi32, #tpu.memory_space<vmem>> -> memref<1x125xi32, #tpu.memory_space<vmem>>
    %dma_start3A_46 = tpu.memref_squeeze %dma_start3A_45 : memref<1x125xi32, #tpu.memory_space<vmem>> -> memref<125xi32, #tpu.memory_space<vmem>>
    %dma_start3A_47 = arith.constant 0 : i32
    %dma_start3A_48 = arith.constant 0 : i32
    %dma_start3A_49 = tpu.memref_slice %arg2[%arg0, %dma_start3A_47, %dma_start3A_48] : memref<2x10000x64xf32, #tpu.memory_space<hbm>> -> memref<1x10000x64xf32, #tpu.memory_space<hbm>>
    %dma_start3A_50 = tpu.memref_squeeze %dma_start3A_49 : memref<1x10000x64xf32, #tpu.memory_space<hbm>> -> memref<10000x64xf32, #tpu.memory_space<hbm>>
    %dma_start3A_51 = arith.constant 0 : i32
    %dma_start3A_52 = arith.constant 0 : i32
    %dma_start3A_53 = tpu.memref_slice %dma_start3A_50[%dma_start3A_51, %dma_start3A_52] : memref<10000x64xf32, #tpu.memory_space<hbm>> -> memref<10000x64xf32, #tpu.memory_space<hbm>>
    tpu.enqueue_indirect_dma source(%dma_start3A_53 : memref<10000x64xf32, #tpu.memory_space<hbm>>) target(%dma_start3A_43 : memref<125x64xf32, #tpu.memory_space<vmem>>) offsets(%dma_start3A_46 : memref<125xi32, #tpu.memory_space<vmem>>) semaphore(%arg11 : memref<!tpu.dma_semaphore, #tpu.memory_space<semaphore_mem>>)
    %dma_start3A_54 = arith.constant 2 : i32
    %dma_start3A_55 = arith.constant 2 : i32
    %dma_start3A_56 = arith.constant 0 : i32
    %dma_start3A_57 = arith.constant 0 : i32
    %dma_start3A_58 = tpu.memref_slice %arg8[%dma_start3A_55, %dma_start3A_56, %dma_start3A_57] : memref<5x125x64xf32, #tpu.memory_space<vmem>> -> memref<1x125x64xf32, #tpu.memory_space<vmem>>
    %dma_start3A_59 = tpu.memref_squeeze %dma_start3A_58 : memref<1x125x64xf32, #tpu.memory_space<vmem>> -> memref<125x64xf32, #tpu.memory_space<vmem>>
    %dma_start3A_60 = arith.constant 0 : i32
    %dma_start3A_61 = tpu.memref_slice %arg6[%dma_start3A_54, %dma_start3A_60] : memref<160x125xi32, #tpu.memory_space<vmem>> -> memref<1x125xi32, #tpu.memory_space<vmem>>
    %dma_start3A_62 = tpu.memref_squeeze %dma_start3A_61 : memref<1x125xi32, #tpu.memory_space<vmem>> -> memref<125xi32, #tpu.memory_space<vmem>>
    %dma_start3A_63 = arith.constant 0 : i32
    %dma_start3A_64 = arith.constant 0 : i32
    %dma_start3A_65 = tpu.memref_slice %arg2[%arg0, %dma_start3A_63, %dma_start3A_64] : memref<2x10000x64xf32, #tpu.memory_space<hbm>> -> memref<1x10000x64xf32, #tpu.memory_space<hbm>>
    %dma_start3A_66 = tpu.memref_squeeze %dma_start3A_65 : memref<1x10000x64xf32, #tpu.memory_space<hbm>> -> memref<10000x64xf32, #tpu.memory_space<hbm>>
    %dma_start3A_67 = arith.constant 0 : i32
    %dma_start3A_68 = arith.constant 0 : i32
    %dma_start3A_69 = tpu.memref_slice %dma_start3A_66[%dma_start3A_67, %dma_start3A_68] : memref<10000x64xf32, #tpu.memory_space<hbm>> -> memref<10000x64xf32, #tpu.memory_space<hbm>>
    tpu.enqueue_indirect_dma source(%dma_start3A_69 : memref<10000x64xf32, #tpu.memory_space<hbm>>) target(%dma_start3A_59 : memref<125x64xf32, #tpu.memory_space<vmem>>) offsets(%dma_start3A_62 : memref<125xi32, #tpu.memory_space<vmem>>) semaphore(%arg12 : memref<!tpu.dma_semaphore, #tpu.memory_space<semaphore_mem>>)
    %scan3A_70 = arith.constant 0 : i32
    %scan3A_71 = arith.constant 0 : i32
    %scan3A_72 = arith.constant 32 : i32
    %scan3A_73 = arith.addi %scan3A_71, %scan3A_72 : i32
    %scan3A_74 = arith.constant 1 : i32
    scf.for %scan3A_142 = %scan3A_71 to %scan3A_73 step %scan3A_74  : i32 {
      %mul3A_143 = arith.constant 5 : i32
      %mul3A_144 = arith.muli %scan3A_142, %mul3A_143 : i32
      %add3A_145 = arith.constant 0 : i32
      %add3A_146 = arith.addi %mul3A_144, %add3A_145 : i32
      %dma_wait3A_147 = arith.constant 0 : i32
      %dma_wait3A_148 = arith.constant 0 : i32
      %dma_wait3A_149 = arith.constant 0 : i32
      %dma_wait3A_150 = tpu.memref_slice %arg8[%dma_wait3A_147, %dma_wait3A_148, %dma_wait3A_149] : memref<5x125x64xf32, #tpu.memory_space<vmem>> -> memref<1x125x64xf32, #tpu.memory_space<vmem>>
      %dma_wait3A_151 = tpu.memref_squeeze %dma_wait3A_150 : memref<1x125x64xf32, #tpu.memory_space<vmem>> -> memref<125x64xf32, #tpu.memory_space<vmem>>
      %dma_wait3A_152 = arith.constant 0 : i32
      %dma_wait3A_153 = tpu.memref_slice %arg6[%add3A_146, %dma_wait3A_152] : memref<160x125xi32, #tpu.memory_space<vmem>> -> memref<1x125xi32, #tpu.memory_space<vmem>>
      %dma_wait3A_154 = tpu.memref_squeeze %dma_wait3A_153 : memref<1x125xi32, #tpu.memory_space<vmem>> -> memref<125xi32, #tpu.memory_space<vmem>>
      %dma_wait3A_155 = arith.constant 0 : i32
      %dma_wait3A_156 = arith.constant 0 : i32
      %dma_wait3A_157 = tpu.memref_slice %arg2[%arg0, %dma_wait3A_155, %dma_wait3A_156] : memref<2x10000x64xf32, #tpu.memory_space<hbm>> -> memref<1x10000x64xf32, #tpu.memory_space<hbm>>
      %dma_wait3A_158 = tpu.memref_squeeze %dma_wait3A_157 : memref<1x10000x64xf32, #tpu.memory_space<hbm>> -> memref<10000x64xf32, #tpu.memory_space<hbm>>
      %dma_wait3A_159 = arith.constant 0 : i32
      %dma_wait3A_160 = arith.constant 0 : i32
      %dma_wait3A_161 = tpu.memref_slice %dma_wait3A_158[%dma_wait3A_159, %dma_wait3A_160] : memref<10000x64xf32, #tpu.memory_space<hbm>> -> memref<10000x64xf32, #tpu.memory_space<hbm>>
      tpu.wait_indirect_dma semaphore(%arg10 : memref<!tpu.dma_semaphore, #tpu.memory_space<semaphore_mem>>) src(%dma_wait3A_161 : memref<10000x64xf32, #tpu.memory_space<hbm>>) dst(%dma_wait3A_151 : memref<125x64xf32, #tpu.memory_space<vmem>>)
      %dma_start3A_162 = arith.constant 0 : i32
      %dma_start3A_163 = arith.constant 0 : i32
      %dma_start3A_164 = arith.constant 0 : i32
      %dma_start3A_165 = tpu.memref_slice %arg8[%dma_start3A_162, %dma_start3A_163, %dma_start3A_164] : memref<5x125x64xf32, #tpu.memory_space<vmem>> -> memref<1x125x64xf32, #tpu.memory_space<vmem>>
      %dma_start3A_166 = tpu.memref_squeeze %dma_start3A_165 : memref<1x125x64xf32, #tpu.memory_space<vmem>> -> memref<125x64xf32, #tpu.memory_space<vmem>>
      %dma_start3A_167 = arith.constant 0 : i32
      %dma_start3A_168 = tpu.memref_slice %arg7[%add3A_146, %dma_start3A_167] : memref<160x125xi32, #tpu.memory_space<vmem>> -> memref<1x125xi32, #tpu.memory_space<vmem>>
      %dma_start3A_169 = tpu.memref_squeeze %dma_start3A_168 : memref<1x125xi32, #tpu.memory_space<vmem>> -> memref<125xi32, #tpu.memory_space<vmem>>
      %dma_start3A_170 = arith.constant 0 : i32
      %dma_start3A_171 = arith.constant 0 : i32
      %dma_start3A_172 = tpu.memref_slice %arg20[%dma_start3A_170, %dma_start3A_171] : memref<10000x64xf32, #tpu.memory_space<vmem_shared>> -> memref<10000x64xf32, #tpu.memory_space<vmem_shared>>
      tpu.enqueue_indirect_dma source(%dma_start3A_166 : memref<125x64xf32, #tpu.memory_space<vmem>>) target(%dma_start3A_172 : memref<10000x64xf32, #tpu.memory_space<vmem_shared>>) offsets(%dma_start3A_169 : memref<125xi32, #tpu.memory_space<vmem>>) semaphore(%arg15 : memref<!tpu.dma_semaphore, #tpu.memory_space<semaphore_mem>>) {add = true}
      %add3A_173 = arith.constant 3 : i32
      %add3A_174 = arith.addi %add3A_146, %add3A_173 : i32
      %lt3A = arith.constant 160 : i32
      %lt3A_175 = arith.cmpi slt, %add3A_174, %lt3A : i32
      %convert_element_type3A = arith.extui %lt3A_175 : i1 to i32
      %cond3A = arith.constant 0 : i32
      %cond3A_176 = arith.cmpi ne, %convert_element_type3A, %cond3A : i32
      scf.if %cond3A_176 {
        %ge3A = arith.constant 5 : i32
        %ge3A_325 = arith.cmpi sge, %add3A_174, %ge3A : i32
        %convert_element_type3A_326 = arith.extui %ge3A_325 : i1 to i32
        %cond3A_327 = arith.constant 0 : i32
        %cond3A_328 = arith.cmpi ne, %convert_element_type3A_326, %cond3A_327 : i32
        scf.if %cond3A_328 {
          %dma_wait3A_344 = arith.constant 3 : i32
          %dma_wait3A_345 = arith.constant 0 : i32
          %dma_wait3A_346 = arith.constant 0 : i32
          %dma_wait3A_347 = tpu.memref_slice %arg8[%dma_wait3A_344, %dma_wait3A_345, %dma_wait3A_346] : memref<5x125x64xf32, #tpu.memory_space<vmem>> -> memref<1x125x64xf32, #tpu.memory_space<vmem>>
          %dma_wait3A_348 = tpu.memref_squeeze %dma_wait3A_347 : memref<1x125x64xf32, #tpu.memory_space<vmem>> -> memref<125x64xf32, #tpu.memory_space<vmem>>
          %dma_wait3A_349 = arith.constant 0 : i32
          %dma_wait3A_350 = tpu.memref_slice %arg7[%add3A_174, %dma_wait3A_349] : memref<160x125xi32, #tpu.memory_space<vmem>> -> memref<1x125xi32, #tpu.memory_space<vmem>>
          %dma_wait3A_351 = tpu.memref_squeeze %dma_wait3A_350 : memref<1x125xi32, #tpu.memory_space<vmem>> -> memref<125xi32, #tpu.memory_space<vmem>>
          %dma_wait3A_352 = arith.constant 0 : i32
          %dma_wait3A_353 = arith.constant 0 : i32
          %dma_wait3A_354 = tpu.memref_slice %arg20[%dma_wait3A_352, %dma_wait3A_353] : memref<10000x64xf32, #tpu.memory_space<vmem_shared>> -> memref<10000x64xf32, #tpu.memory_space<vmem_shared>>
          tpu.wait_indirect_dma semaphore(%arg18 : memref<!tpu.dma_semaphore, #tpu.memory_space<semaphore_mem>>) src(%dma_wait3A_348 : memref<125x64xf32, #tpu.memory_space<vmem>>) dst(%dma_wait3A_354 : memref<10000x64xf32, #tpu.memory_space<vmem_shared>>)
        } else {
        }
        %dma_start3A_329 = arith.constant 3 : i32
        %dma_start3A_330 = arith.constant 0 : i32
        %dma_start3A_331 = arith.constant 0 : i32
        %dma_start3A_332 = tpu.memref_slice %arg8[%dma_start3A_329, %dma_start3A_330, %dma_start3A_331] : memref<5x125x64xf32, #tpu.memory_space<vmem>> -> memref<1x125x64xf32, #tpu.memory_space<vmem>>
        %dma_start3A_333 = tpu.memref_squeeze %dma_start3A_332 : memref<1x125x64xf32, #tpu.memory_space<vmem>> -> memref<125x64xf32, #tpu.memory_space<vmem>>
        %dma_start3A_334 = arith.constant 0 : i32
        %dma_start3A_335 = tpu.memref_slice %arg6[%add3A_174, %dma_start3A_334] : memref<160x125xi32, #tpu.memory_space<vmem>> -> memref<1x125xi32, #tpu.memory_space<vmem>>
        %dma_start3A_336 = tpu.memref_squeeze %dma_start3A_335 : memref<1x125xi32, #tpu.memory_space<vmem>> -> memref<125xi32, #tpu.memory_space<vmem>>
        %dma_start3A_337 = arith.constant 0 : i32
        %dma_start3A_338 = arith.constant 0 : i32
        %dma_start3A_339 = tpu.memref_slice %arg2[%arg0, %dma_start3A_337, %dma_start3A_338] : memref<2x10000x64xf32, #tpu.memory_space<hbm>> -> memref<1x10000x64xf32, #tpu.memory_space<hbm>>
        %dma_start3A_340 = tpu.memref_squeeze %dma_start3A_339 : memref<1x10000x64xf32, #tpu.memory_space<hbm>> -> memref<10000x64xf32, #tpu.memory_space<hbm>>
        %dma_start3A_341 = arith.constant 0 : i32
        %dma_start3A_342 = arith.constant 0 : i32
        %dma_start3A_343 = tpu.memref_slice %dma_start3A_340[%dma_start3A_341, %dma_start3A_342] : memref<10000x64xf32, #tpu.memory_space<hbm>> -> memref<10000x64xf32, #tpu.memory_space<hbm>>
        tpu.enqueue_indirect_dma source(%dma_start3A_343 : memref<10000x64xf32, #tpu.memory_space<hbm>>) target(%dma_start3A_333 : memref<125x64xf32, #tpu.memory_space<vmem>>) offsets(%dma_start3A_336 : memref<125xi32, #tpu.memory_space<vmem>>) semaphore(%arg13 : memref<!tpu.dma_semaphore, #tpu.memory_space<semaphore_mem>>)
      } else {
      }
      %mul3A_177 = arith.constant 5 : i32
      %mul3A_178 = arith.muli %scan3A_142, %mul3A_177 : i32
      %add3A_179 = arith.constant 1 : i32
      %add3A_180 = arith.addi %mul3A_178, %add3A_179 : i32
      %dma_wait3A_181 = arith.constant 1 : i32
      %dma_wait3A_182 = arith.constant 0 : i32
      %dma_wait3A_183 = arith.constant 0 : i32
      %dma_wait3A_184 = tpu.memref_slice %arg8[%dma_wait3A_181, %dma_wait3A_182, %dma_wait3A_183] : memref<5x125x64xf32, #tpu.memory_space<vmem>> -> memref<1x125x64xf32, #tpu.memory_space<vmem>>
      %dma_wait3A_185 = tpu.memref_squeeze %dma_wait3A_184 : memref<1x125x64xf32, #tpu.memory_space<vmem>> -> memref<125x64xf32, #tpu.memory_space<vmem>>
      %dma_wait3A_186 = arith.constant 0 : i32
      %dma_wait3A_187 = tpu.memref_slice %arg6[%add3A_180, %dma_wait3A_186] : memref<160x125xi32, #tpu.memory_space<vmem>> -> memref<1x125xi32, #tpu.memory_space<vmem>>
      %dma_wait3A_188 = tpu.memref_squeeze %dma_wait3A_187 : memref<1x125xi32, #tpu.memory_space<vmem>> -> memref<125xi32, #tpu.memory_space<vmem>>
      %dma_wait3A_189 = arith.constant 0 : i32
      %dma_wait3A_190 = arith.constant 0 : i32
      %dma_wait3A_191 = tpu.memref_slice %arg2[%arg0, %dma_wait3A_189, %dma_wait3A_190] : memref<2x10000x64xf32, #tpu.memory_space<hbm>> -> memref<1x10000x64xf32, #tpu.memory_space<hbm>>
      %dma_wait3A_192 = tpu.memref_squeeze %dma_wait3A_191 : memref<1x10000x64xf32, #tpu.memory_space<hbm>> -> memref<10000x64xf32, #tpu.memory_space<hbm>>
      %dma_wait3A_193 = arith.constant 0 : i32
      %dma_wait3A_194 = arith.constant 0 : i32
      %dma_wait3A_195 = tpu.memref_slice %dma_wait3A_192[%dma_wait3A_193, %dma_wait3A_194] : memref<10000x64xf32, #tpu.memory_space<hbm>> -> memref<10000x64xf32, #tpu.memory_space<hbm>>
      tpu.wait_indirect_dma semaphore(%arg11 : memref<!tpu.dma_semaphore, #tpu.memory_space<semaphore_mem>>) src(%dma_wait3A_195 : memref<10000x64xf32, #tpu.memory_space<hbm>>) dst(%dma_wait3A_185 : memref<125x64xf32, #tpu.memory_space<vmem>>)
      %dma_start3A_196 = arith.constant 1 : i32
      %dma_start3A_197 = arith.constant 0 : i32
      %dma_start3A_198 = arith.constant 0 : i32
      %dma_start3A_199 = tpu.memref_slice %arg8[%dma_start3A_196, %dma_start3A_197, %dma_start3A_198] : memref<5x125x64xf32, #tpu.memory_space<vmem>> -> memref<1x125x64xf32, #tpu.memory_space<vmem>>
      %dma_start3A_200 = tpu.memref_squeeze %dma_start3A_199 : memref<1x125x64xf32, #tpu.memory_space<vmem>> -> memref<125x64xf32, #tpu.memory_space<vmem>>
      %dma_start3A_201 = arith.constant 0 : i32
      %dma_start3A_202 = tpu.memref_slice %arg7[%add3A_180, %dma_start3A_201] : memref<160x125xi32, #tpu.memory_space<vmem>> -> memref<1x125xi32, #tpu.memory_space<vmem>>
      %dma_start3A_203 = tpu.memref_squeeze %dma_start3A_202 : memref<1x125xi32, #tpu.memory_space<vmem>> -> memref<125xi32, #tpu.memory_space<vmem>>
      %dma_start3A_204 = arith.constant 0 : i32
      %dma_start3A_205 = arith.constant 0 : i32
      %dma_start3A_206 = tpu.memref_slice %arg20[%dma_start3A_204, %dma_start3A_205] : memref<10000x64xf32, #tpu.memory_space<vmem_shared>> -> memref<10000x64xf32, #tpu.memory_space<vmem_shared>>
      tpu.enqueue_indirect_dma source(%dma_start3A_200 : memref<125x64xf32, #tpu.memory_space<vmem>>) target(%dma_start3A_206 : memref<10000x64xf32, #tpu.memory_space<vmem_shared>>) offsets(%dma_start3A_203 : memref<125xi32, #tpu.memory_space<vmem>>) semaphore(%arg16 : memref<!tpu.dma_semaphore, #tpu.memory_space<semaphore_mem>>) {add = true}
      %add3A_207 = arith.constant 3 : i32
      %add3A_208 = arith.addi %add3A_180, %add3A_207 : i32
      %lt3A_209 = arith.constant 160 : i32
      %lt3A_210 = arith.cmpi slt, %add3A_208, %lt3A_209 : i32
      %convert_element_type3A_211 = arith.extui %lt3A_210 : i1 to i32
      %cond3A_212 = arith.constant 0 : i32
      %cond3A_213 = arith.cmpi ne, %convert_element_type3A_211, %cond3A_212 : i32
      scf.if %cond3A_213 {
        %ge3A = arith.constant 5 : i32
        %ge3A_325 = arith.cmpi sge, %add3A_208, %ge3A : i32
        %convert_element_type3A_326 = arith.extui %ge3A_325 : i1 to i32
        %cond3A_327 = arith.constant 0 : i32
        %cond3A_328 = arith.cmpi ne, %convert_element_type3A_326, %cond3A_327 : i32
        scf.if %cond3A_328 {
          %dma_wait3A_344 = arith.constant 4 : i32
          %dma_wait3A_345 = arith.constant 0 : i32
          %dma_wait3A_346 = arith.constant 0 : i32
          %dma_wait3A_347 = tpu.memref_slice %arg8[%dma_wait3A_344, %dma_wait3A_345, %dma_wait3A_346] : memref<5x125x64xf32, #tpu.memory_space<vmem>> -> memref<1x125x64xf32, #tpu.memory_space<vmem>>
          %dma_wait3A_348 = tpu.memref_squeeze %dma_wait3A_347 : memref<1x125x64xf32, #tpu.memory_space<vmem>> -> memref<125x64xf32, #tpu.memory_space<vmem>>
          %dma_wait3A_349 = arith.constant 0 : i32
          %dma_wait3A_350 = tpu.memref_slice %arg7[%add3A_208, %dma_wait3A_349] : memref<160x125xi32, #tpu.memory_space<vmem>> -> memref<1x125xi32, #tpu.memory_space<vmem>>
          %dma_wait3A_351 = tpu.memref_squeeze %dma_wait3A_350 : memref<1x125xi32, #tpu.memory_space<vmem>> -> memref<125xi32, #tpu.memory_space<vmem>>
          %dma_wait3A_352 = arith.constant 0 : i32
          %dma_wait3A_353 = arith.constant 0 : i32
          %dma_wait3A_354 = tpu.memref_slice %arg20[%dma_wait3A_352, %dma_wait3A_353] : memref<10000x64xf32, #tpu.memory_space<vmem_shared>> -> memref<10000x64xf32, #tpu.memory_space<vmem_shared>>
          tpu.wait_indirect_dma semaphore(%arg19 : memref<!tpu.dma_semaphore, #tpu.memory_space<semaphore_mem>>) src(%dma_wait3A_348 : memref<125x64xf32, #tpu.memory_space<vmem>>) dst(%dma_wait3A_354 : memref<10000x64xf32, #tpu.memory_space<vmem_shared>>)
        } else {
        }
        %dma_start3A_329 = arith.constant 4 : i32
        %dma_start3A_330 = arith.constant 0 : i32
        %dma_start3A_331 = arith.constant 0 : i32
        %dma_start3A_332 = tpu.memref_slice %arg8[%dma_start3A_329, %dma_start3A_330, %dma_start3A_331] : memref<5x125x64xf32, #tpu.memory_space<vmem>> -> memref<1x125x64xf32, #tpu.memory_space<vmem>>
        %dma_start3A_333 = tpu.memref_squeeze %dma_start3A_332 : memref<1x125x64xf32, #tpu.memory_space<vmem>> -> memref<125x64xf32, #tpu.memory_space<vmem>>
        %dma_start3A_334 = arith.constant 0 : i32
        %dma_start3A_335 = tpu.memref_slice %arg6[%add3A_208, %dma_start3A_334] : memref<160x125xi32, #tpu.memory_space<vmem>> -> memref<1x125xi32, #tpu.memory_space<vmem>>
        %dma_start3A_336 = tpu.memref_squeeze %dma_start3A_335 : memref<1x125xi32, #tpu.memory_space<vmem>> -> memref<125xi32, #tpu.memory_space<vmem>>
        %dma_start3A_337 = arith.constant 0 : i32
        %dma_start3A_338 = arith.constant 0 : i32
        %dma_start3A_339 = tpu.memref_slice %arg2[%arg0, %dma_start3A_337, %dma_start3A_338] : memref<2x10000x64xf32, #tpu.memory_space<hbm>> -> memref<1x10000x64xf32, #tpu.memory_space<hbm>>
        %dma_start3A_340 = tpu.memref_squeeze %dma_start3A_339 : memref<1x10000x64xf32, #tpu.memory_space<hbm>> -> memref<10000x64xf32, #tpu.memory_space<hbm>>
        %dma_start3A_341 = arith.constant 0 : i32
        %dma_start3A_342 = arith.constant 0 : i32
        %dma_start3A_343 = tpu.memref_slice %dma_start3A_340[%dma_start3A_341, %dma_start3A_342] : memref<10000x64xf32, #tpu.memory_space<hbm>> -> memref<10000x64xf32, #tpu.memory_space<hbm>>
        tpu.enqueue_indirect_dma source(%dma_start3A_343 : memref<10000x64xf32, #tpu.memory_space<hbm>>) target(%dma_start3A_333 : memref<125x64xf32, #tpu.memory_space<vmem>>) offsets(%dma_start3A_336 : memref<125xi32, #tpu.memory_space<vmem>>) semaphore(%arg14 : memref<!tpu.dma_semaphore, #tpu.memory_space<semaphore_mem>>)
      } else {
      }
      %mul3A_214 = arith.constant 5 : i32
      %mul3A_215 = arith.muli %scan3A_142, %mul3A_214 : i32
      %add3A_216 = arith.constant 2 : i32
      %add3A_217 = arith.addi %mul3A_215, %add3A_216 : i32
      %dma_wait3A_218 = arith.constant 2 : i32
      %dma_wait3A_219 = arith.constant 0 : i32
      %dma_wait3A_220 = arith.constant 0 : i32
      %dma_wait3A_221 = tpu.memref_slice %arg8[%dma_wait3A_218, %dma_wait3A_219, %dma_wait3A_220] : memref<5x125x64xf32, #tpu.memory_space<vmem>> -> memref<1x125x64xf32, #tpu.memory_space<vmem>>
      %dma_wait3A_222 = tpu.memref_squeeze %dma_wait3A_221 : memref<1x125x64xf32, #tpu.memory_space<vmem>> -> memref<125x64xf32, #tpu.memory_space<vmem>>
      %dma_wait3A_223 = arith.constant 0 : i32
      %dma_wait3A_224 = tpu.memref_slice %arg6[%add3A_217, %dma_wait3A_223] : memref<160x125xi32, #tpu.memory_space<vmem>> -> memref<1x125xi32, #tpu.memory_space<vmem>>
      %dma_wait3A_225 = tpu.memref_squeeze %dma_wait3A_224 : memref<1x125xi32, #tpu.memory_space<vmem>> -> memref<125xi32, #tpu.memory_space<vmem>>
      %dma_wait3A_226 = arith.constant 0 : i32
      %dma_wait3A_227 = arith.constant 0 : i32
      %dma_wait3A_228 = tpu.memref_slice %arg2[%arg0, %dma_wait3A_226, %dma_wait3A_227] : memref<2x10000x64xf32, #tpu.memory_space<hbm>> -> memref<1x10000x64xf32, #tpu.memory_space<hbm>>
      %dma_wait3A_229 = tpu.memref_squeeze %dma_wait3A_228 : memref<1x10000x64xf32, #tpu.memory_space<hbm>> -> memref<10000x64xf32, #tpu.memory_space<hbm>>
      %dma_wait3A_230 = arith.constant 0 : i32
      %dma_wait3A_231 = arith.constant 0 : i32
      %dma_wait3A_232 = tpu.memref_slice %dma_wait3A_229[%dma_wait3A_230, %dma_wait3A_231] : memref<10000x64xf32, #tpu.memory_space<hbm>> -> memref<10000x64xf32, #tpu.memory_space<hbm>>
      tpu.wait_indirect_dma semaphore(%arg12 : memref<!tpu.dma_semaphore, #tpu.memory_space<semaphore_mem>>) src(%dma_wait3A_232 : memref<10000x64xf32, #tpu.memory_space<hbm>>) dst(%dma_wait3A_222 : memref<125x64xf32, #tpu.memory_space<vmem>>)
      %dma_start3A_233 = arith.constant 2 : i32
      %dma_start3A_234 = arith.constant 0 : i32
      %dma_start3A_235 = arith.constant 0 : i32
      %dma_start3A_236 = tpu.memref_slice %arg8[%dma_start3A_233, %dma_start3A_234, %dma_start3A_235] : memref<5x125x64xf32, #tpu.memory_space<vmem>> -> memref<1x125x64xf32, #tpu.memory_space<vmem>>
      %dma_start3A_237 = tpu.memref_squeeze %dma_start3A_236 : memref<1x125x64xf32, #tpu.memory_space<vmem>> -> memref<125x64xf32, #tpu.memory_space<vmem>>
      %dma_start3A_238 = arith.constant 0 : i32
      %dma_start3A_239 = tpu.memref_slice %arg7[%add3A_217, %dma_start3A_238] : memref<160x125xi32, #tpu.memory_space<vmem>> -> memref<1x125xi32, #tpu.memory_space<vmem>>
      %dma_start3A_240 = tpu.memref_squeeze %dma_start3A_239 : memref<1x125xi32, #tpu.memory_space<vmem>> -> memref<125xi32, #tpu.memory_space<vmem>>
      %dma_start3A_241 = arith.constant 0 : i32
      %dma_start3A_242 = arith.constant 0 : i32
      %dma_start3A_243 = tpu.memref_slice %arg20[%dma_start3A_241, %dma_start3A_242] : memref<10000x64xf32, #tpu.memory_space<vmem_shared>> -> memref<10000x64xf32, #tpu.memory_space<vmem_shared>>
      tpu.enqueue_indirect_dma source(%dma_start3A_237 : memref<125x64xf32, #tpu.memory_space<vmem>>) target(%dma_start3A_243 : memref<10000x64xf32, #tpu.memory_space<vmem_shared>>) offsets(%dma_start3A_240 : memref<125xi32, #tpu.memory_space<vmem>>) semaphore(%arg17 : memref<!tpu.dma_semaphore, #tpu.memory_space<semaphore_mem>>) {add = true}
      %add3A_244 = arith.constant 3 : i32
      %add3A_245 = arith.addi %add3A_217, %add3A_244 : i32
      %lt3A_246 = arith.constant 160 : i32
      %lt3A_247 = arith.cmpi slt, %add3A_245, %lt3A_246 : i32
      %convert_element_type3A_248 = arith.extui %lt3A_247 : i1 to i32
      %cond3A_249 = arith.constant 0 : i32
      %cond3A_250 = arith.cmpi ne, %convert_element_type3A_248, %cond3A_249 : i32
      scf.if %cond3A_250 {
        %ge3A = arith.constant 5 : i32
        %ge3A_325 = arith.cmpi sge, %add3A_245, %ge3A : i32
        %convert_element_type3A_326 = arith.extui %ge3A_325 : i1 to i32
        %cond3A_327 = arith.constant 0 : i32
        %cond3A_328 = arith.cmpi ne, %convert_element_type3A_326, %cond3A_327 : i32
        scf.if %cond3A_328 {
          %dma_wait3A_344 = arith.constant 0 : i32
          %dma_wait3A_345 = arith.constant 0 : i32
          %dma_wait3A_346 = arith.constant 0 : i32
          %dma_wait3A_347 = tpu.memref_slice %arg8[%dma_wait3A_344, %dma_wait3A_345, %dma_wait3A_346] : memref<5x125x64xf32, #tpu.memory_space<vmem>> -> memref<1x125x64xf32, #tpu.memory_space<vmem>>
          %dma_wait3A_348 = tpu.memref_squeeze %dma_wait3A_347 : memref<1x125x64xf32, #tpu.memory_space<vmem>> -> memref<125x64xf32, #tpu.memory_space<vmem>>
          %dma_wait3A_349 = arith.constant 0 : i32
          %dma_wait3A_350 = tpu.memref_slice %arg7[%add3A_245, %dma_wait3A_349] : memref<160x125xi32, #tpu.memory_space<vmem>> -> memref<1x125xi32, #tpu.memory_space<vmem>>
          %dma_wait3A_351 = tpu.memref_squeeze %dma_wait3A_350 : memref<1x125xi32, #tpu.memory_space<vmem>> -> memref<125xi32, #tpu.memory_space<vmem>>
          %dma_wait3A_352 = arith.constant 0 : i32
          %dma_wait3A_353 = arith.constant 0 : i32
          %dma_wait3A_354 = tpu.memref_slice %arg20[%dma_wait3A_352, %dma_wait3A_353] : memref<10000x64xf32, #tpu.memory_space<vmem_shared>> -> memref<10000x64xf32, #tpu.memory_space<vmem_shared>>
          tpu.wait_indirect_dma semaphore(%arg15 : memref<!tpu.dma_semaphore, #tpu.memory_space<semaphore_mem>>) src(%dma_wait3A_348 : memref<125x64xf32, #tpu.memory_space<vmem>>) dst(%dma_wait3A_354 : memref<10000x64xf32, #tpu.memory_space<vmem_shared>>)
        } else {
        }
        %dma_start3A_329 = arith.constant 0 : i32
        %dma_start3A_330 = arith.constant 0 : i32
        %dma_start3A_331 = arith.constant 0 : i32
        %dma_start3A_332 = tpu.memref_slice %arg8[%dma_start3A_329, %dma_start3A_330, %dma_start3A_331] : memref<5x125x64xf32, #tpu.memory_space<vmem>> -> memref<1x125x64xf32, #tpu.memory_space<vmem>>
        %dma_start3A_333 = tpu.memref_squeeze %dma_start3A_332 : memref<1x125x64xf32, #tpu.memory_space<vmem>> -> memref<125x64xf32, #tpu.memory_space<vmem>>
        %dma_start3A_334 = arith.constant 0 : i32
        %dma_start3A_335 = tpu.memref_slice %arg6[%add3A_245, %dma_start3A_334] : memref<160x125xi32, #tpu.memory_space<vmem>> -> memref<1x125xi32, #tpu.memory_space<vmem>>
        %dma_start3A_336 = tpu.memref_squeeze %dma_start3A_335 : memref<1x125xi32, #tpu.memory_space<vmem>> -> memref<125xi32, #tpu.memory_space<vmem>>
        %dma_start3A_337 = arith.constant 0 : i32
        %dma_start3A_338 = arith.constant 0 : i32
        %dma_start3A_339 = tpu.memref_slice %arg2[%arg0, %dma_start3A_337, %dma_start3A_338] : memref<2x10000x64xf32, #tpu.memory_space<hbm>> -> memref<1x10000x64xf32, #tpu.memory_space<hbm>>
        %dma_start3A_340 = tpu.memref_squeeze %dma_start3A_339 : memref<1x10000x64xf32, #tpu.memory_space<hbm>> -> memref<10000x64xf32, #tpu.memory_space<hbm>>
        %dma_start3A_341 = arith.constant 0 : i32
        %dma_start3A_342 = arith.constant 0 : i32
        %dma_start3A_343 = tpu.memref_slice %dma_start3A_340[%dma_start3A_341, %dma_start3A_342] : memref<10000x64xf32, #tpu.memory_space<hbm>> -> memref<10000x64xf32, #tpu.memory_space<hbm>>
        tpu.enqueue_indirect_dma source(%dma_start3A_343 : memref<10000x64xf32, #tpu.memory_space<hbm>>) target(%dma_start3A_333 : memref<125x64xf32, #tpu.memory_space<vmem>>) offsets(%dma_start3A_336 : memref<125xi32, #tpu.memory_space<vmem>>) semaphore(%arg10 : memref<!tpu.dma_semaphore, #tpu.memory_space<semaphore_mem>>)
      } else {
      }
      %mul3A_251 = arith.constant 5 : i32
      %mul3A_252 = arith.muli %scan3A_142, %mul3A_251 : i32
      %add3A_253 = arith.constant 3 : i32
      %add3A_254 = arith.addi %mul3A_252, %add3A_253 : i32
      %dma_wait3A_255 = arith.constant 3 : i32
      %dma_wait3A_256 = arith.constant 0 : i32
      %dma_wait3A_257 = arith.constant 0 : i32
      %dma_wait3A_258 = tpu.memref_slice %arg8[%dma_wait3A_255, %dma_wait3A_256, %dma_wait3A_257] : memref<5x125x64xf32, #tpu.memory_space<vmem>> -> memref<1x125x64xf32, #tpu.memory_space<vmem>>
      %dma_wait3A_259 = tpu.memref_squeeze %dma_wait3A_258 : memref<1x125x64xf32, #tpu.memory_space<vmem>> -> memref<125x64xf32, #tpu.memory_space<vmem>>
      %dma_wait3A_260 = arith.constant 0 : i32
      %dma_wait3A_261 = tpu.memref_slice %arg6[%add3A_254, %dma_wait3A_260] : memref<160x125xi32, #tpu.memory_space<vmem>> -> memref<1x125xi32, #tpu.memory_space<vmem>>
      %dma_wait3A_262 = tpu.memref_squeeze %dma_wait3A_261 : memref<1x125xi32, #tpu.memory_space<vmem>> -> memref<125xi32, #tpu.memory_space<vmem>>
      %dma_wait3A_263 = arith.constant 0 : i32
      %dma_wait3A_264 = arith.constant 0 : i32
      %dma_wait3A_265 = tpu.memref_slice %arg2[%arg0, %dma_wait3A_263, %dma_wait3A_264] : memref<2x10000x64xf32, #tpu.memory_space<hbm>> -> memref<1x10000x64xf32, #tpu.memory_space<hbm>>
      %dma_wait3A_266 = tpu.memref_squeeze %dma_wait3A_265 : memref<1x10000x64xf32, #tpu.memory_space<hbm>> -> memref<10000x64xf32, #tpu.memory_space<hbm>>
      %dma_wait3A_267 = arith.constant 0 : i32
      %dma_wait3A_268 = arith.constant 0 : i32
      %dma_wait3A_269 = tpu.memref_slice %dma_wait3A_266[%dma_wait3A_267, %dma_wait3A_268] : memref<10000x64xf32, #tpu.memory_space<hbm>> -> memref<10000x64xf32, #tpu.memory_space<hbm>>
      tpu.wait_indirect_dma semaphore(%arg13 : memref<!tpu.dma_semaphore, #tpu.memory_space<semaphore_mem>>) src(%dma_wait3A_269 : memref<10000x64xf32, #tpu.memory_space<hbm>>) dst(%dma_wait3A_259 : memref<125x64xf32, #tpu.memory_space<vmem>>)
      %dma_start3A_270 = arith.constant 3 : i32
      %dma_start3A_271 = arith.constant 0 : i32
      %dma_start3A_272 = arith.constant 0 : i32
      %dma_start3A_273 = tpu.memref_slice %arg8[%dma_start3A_270, %dma_start3A_271, %dma_start3A_272] : memref<5x125x64xf32, #tpu.memory_space<vmem>> -> memref<1x125x64xf32, #tpu.memory_space<vmem>>
      %dma_start3A_274 = tpu.memref_squeeze %dma_start3A_273 : memref<1x125x64xf32, #tpu.memory_space<vmem>> -> memref<125x64xf32, #tpu.memory_space<vmem>>
      %dma_start3A_275 = arith.constant 0 : i32
      %dma_start3A_276 = tpu.memref_slice %arg7[%add3A_254, %dma_start3A_275] : memref<160x125xi32, #tpu.memory_space<vmem>> -> memref<1x125xi32, #tpu.memory_space<vmem>>
      %dma_start3A_277 = tpu.memref_squeeze %dma_start3A_276 : memref<1x125xi32, #tpu.memory_space<vmem>> -> memref<125xi32, #tpu.memory_space<vmem>>
      %dma_start3A_278 = arith.constant 0 : i32
      %dma_start3A_279 = arith.constant 0 : i32
      %dma_start3A_280 = tpu.memref_slice %arg20[%dma_start3A_278, %dma_start3A_279] : memref<10000x64xf32, #tpu.memory_space<vmem_shared>> -> memref<10000x64xf32, #tpu.memory_space<vmem_shared>>
      tpu.enqueue_indirect_dma source(%dma_start3A_274 : memref<125x64xf32, #tpu.memory_space<vmem>>) target(%dma_start3A_280 : memref<10000x64xf32, #tpu.memory_space<vmem_shared>>) offsets(%dma_start3A_277 : memref<125xi32, #tpu.memory_space<vmem>>) semaphore(%arg18 : memref<!tpu.dma_semaphore, #tpu.memory_space<semaphore_mem>>) {add = true}
      %add3A_281 = arith.constant 3 : i32
      %add3A_282 = arith.addi %add3A_254, %add3A_281 : i32
      %lt3A_283 = arith.constant 160 : i32
      %lt3A_284 = arith.cmpi slt, %add3A_282, %lt3A_283 : i32
      %convert_element_type3A_285 = arith.extui %lt3A_284 : i1 to i32
      %cond3A_286 = arith.constant 0 : i32
      %cond3A_287 = arith.cmpi ne, %convert_element_type3A_285, %cond3A_286 : i32
      scf.if %cond3A_287 {
        %ge3A = arith.constant 5 : i32
        %ge3A_325 = arith.cmpi sge, %add3A_282, %ge3A : i32
        %convert_element_type3A_326 = arith.extui %ge3A_325 : i1 to i32
        %cond3A_327 = arith.constant 0 : i32
        %cond3A_328 = arith.cmpi ne, %convert_element_type3A_326, %cond3A_327 : i32
        scf.if %cond3A_328 {
          %dma_wait3A_344 = arith.constant 1 : i32
          %dma_wait3A_345 = arith.constant 0 : i32
          %dma_wait3A_346 = arith.constant 0 : i32
          %dma_wait3A_347 = tpu.memref_slice %arg8[%dma_wait3A_344, %dma_wait3A_345, %dma_wait3A_346] : memref<5x125x64xf32, #tpu.memory_space<vmem>> -> memref<1x125x64xf32, #tpu.memory_space<vmem>>
          %dma_wait3A_348 = tpu.memref_squeeze %dma_wait3A_347 : memref<1x125x64xf32, #tpu.memory_space<vmem>> -> memref<125x64xf32, #tpu.memory_space<vmem>>
          %dma_wait3A_349 = arith.constant 0 : i32
          %dma_wait3A_350 = tpu.memref_slice %arg7[%add3A_282, %dma_wait3A_349] : memref<160x125xi32, #tpu.memory_space<vmem>> -> memref<1x125xi32, #tpu.memory_space<vmem>>
          %dma_wait3A_351 = tpu.memref_squeeze %dma_wait3A_350 : memref<1x125xi32, #tpu.memory_space<vmem>> -> memref<125xi32, #tpu.memory_space<vmem>>
          %dma_wait3A_352 = arith.constant 0 : i32
          %dma_wait3A_353 = arith.constant 0 : i32
          %dma_wait3A_354 = tpu.memref_slice %arg20[%dma_wait3A_352, %dma_wait3A_353] : memref<10000x64xf32, #tpu.memory_space<vmem_shared>> -> memref<10000x64xf32, #tpu.memory_space<vmem_shared>>
          tpu.wait_indirect_dma semaphore(%arg16 : memref<!tpu.dma_semaphore, #tpu.memory_space<semaphore_mem>>) src(%dma_wait3A_348 : memref<125x64xf32, #tpu.memory_space<vmem>>) dst(%dma_wait3A_354 : memref<10000x64xf32, #tpu.memory_space<vmem_shared>>)
        } else {
        }
        %dma_start3A_329 = arith.constant 1 : i32
        %dma_start3A_330 = arith.constant 0 : i32
        %dma_start3A_331 = arith.constant 0 : i32
        %dma_start3A_332 = tpu.memref_slice %arg8[%dma_start3A_329, %dma_start3A_330, %dma_start3A_331] : memref<5x125x64xf32, #tpu.memory_space<vmem>> -> memref<1x125x64xf32, #tpu.memory_space<vmem>>
        %dma_start3A_333 = tpu.memref_squeeze %dma_start3A_332 : memref<1x125x64xf32, #tpu.memory_space<vmem>> -> memref<125x64xf32, #tpu.memory_space<vmem>>
        %dma_start3A_334 = arith.constant 0 : i32
        %dma_start3A_335 = tpu.memref_slice %arg6[%add3A_282, %dma_start3A_334] : memref<160x125xi32, #tpu.memory_space<vmem>> -> memref<1x125xi32, #tpu.memory_space<vmem>>
        %dma_start3A_336 = tpu.memref_squeeze %dma_start3A_335 : memref<1x125xi32, #tpu.memory_space<vmem>> -> memref<125xi32, #tpu.memory_space<vmem>>
        %dma_start3A_337 = arith.constant 0 : i32
        %dma_start3A_338 = arith.constant 0 : i32
        %dma_start3A_339 = tpu.memref_slice %arg2[%arg0, %dma_start3A_337, %dma_start3A_338] : memref<2x10000x64xf32, #tpu.memory_space<hbm>> -> memref<1x10000x64xf32, #tpu.memory_space<hbm>>
        %dma_start3A_340 = tpu.memref_squeeze %dma_start3A_339 : memref<1x10000x64xf32, #tpu.memory_space<hbm>> -> memref<10000x64xf32, #tpu.memory_space<hbm>>
        %dma_start3A_341 = arith.constant 0 : i32
        %dma_start3A_342 = arith.constant 0 : i32
        %dma_start3A_343 = tpu.memref_slice %dma_start3A_340[%dma_start3A_341, %dma_start3A_342] : memref<10000x64xf32, #tpu.memory_space<hbm>> -> memref<10000x64xf32, #tpu.memory_space<hbm>>
        tpu.enqueue_indirect_dma source(%dma_start3A_343 : memref<10000x64xf32, #tpu.memory_space<hbm>>) target(%dma_start3A_333 : memref<125x64xf32, #tpu.memory_space<vmem>>) offsets(%dma_start3A_336 : memref<125xi32, #tpu.memory_space<vmem>>) semaphore(%arg11 : memref<!tpu.dma_semaphore, #tpu.memory_space<semaphore_mem>>)
      } else {
      }
      %mul3A_288 = arith.constant 5 : i32
      %mul3A_289 = arith.muli %scan3A_142, %mul3A_288 : i32
      %add3A_290 = arith.constant 4 : i32
      %add3A_291 = arith.addi %mul3A_289, %add3A_290 : i32
      %dma_wait3A_292 = arith.constant 4 : i32
      %dma_wait3A_293 = arith.constant 0 : i32
      %dma_wait3A_294 = arith.constant 0 : i32
      %dma_wait3A_295 = tpu.memref_slice %arg8[%dma_wait3A_292, %dma_wait3A_293, %dma_wait3A_294] : memref<5x125x64xf32, #tpu.memory_space<vmem>> -> memref<1x125x64xf32, #tpu.memory_space<vmem>>
      %dma_wait3A_296 = tpu.memref_squeeze %dma_wait3A_295 : memref<1x125x64xf32, #tpu.memory_space<vmem>> -> memref<125x64xf32, #tpu.memory_space<vmem>>
      %dma_wait3A_297 = arith.constant 0 : i32
      %dma_wait3A_298 = tpu.memref_slice %arg6[%add3A_291, %dma_wait3A_297] : memref<160x125xi32, #tpu.memory_space<vmem>> -> memref<1x125xi32, #tpu.memory_space<vmem>>
      %dma_wait3A_299 = tpu.memref_squeeze %dma_wait3A_298 : memref<1x125xi32, #tpu.memory_space<vmem>> -> memref<125xi32, #tpu.memory_space<vmem>>
      %dma_wait3A_300 = arith.constant 0 : i32
      %dma_wait3A_301 = arith.constant 0 : i32
      %dma_wait3A_302 = tpu.memref_slice %arg2[%arg0, %dma_wait3A_300, %dma_wait3A_301] : memref<2x10000x64xf32, #tpu.memory_space<hbm>> -> memref<1x10000x64xf32, #tpu.memory_space<hbm>>
      %dma_wait3A_303 = tpu.memref_squeeze %dma_wait3A_302 : memref<1x10000x64xf32, #tpu.memory_space<hbm>> -> memref<10000x64xf32, #tpu.memory_space<hbm>>
      %dma_wait3A_304 = arith.constant 0 : i32
      %dma_wait3A_305 = arith.constant 0 : i32
      %dma_wait3A_306 = tpu.memref_slice %dma_wait3A_303[%dma_wait3A_304, %dma_wait3A_305] : memref<10000x64xf32, #tpu.memory_space<hbm>> -> memref<10000x64xf32, #tpu.memory_space<hbm>>
      tpu.wait_indirect_dma semaphore(%arg14 : memref<!tpu.dma_semaphore, #tpu.memory_space<semaphore_mem>>) src(%dma_wait3A_306 : memref<10000x64xf32, #tpu.memory_space<hbm>>) dst(%dma_wait3A_296 : memref<125x64xf32, #tpu.memory_space<vmem>>)
      %dma_start3A_307 = arith.constant 4 : i32
      %dma_start3A_308 = arith.constant 0 : i32
      %dma_start3A_309 = arith.constant 0 : i32
      %dma_start3A_310 = tpu.memref_slice %arg8[%dma_start3A_307, %dma_start3A_308, %dma_start3A_309] : memref<5x125x64xf32, #tpu.memory_space<vmem>> -> memref<1x125x64xf32, #tpu.memory_space<vmem>>
      %dma_start3A_311 = tpu.memref_squeeze %dma_start3A_310 : memref<1x125x64xf32, #tpu.memory_space<vmem>> -> memref<125x64xf32, #tpu.memory_space<vmem>>
      %dma_start3A_312 = arith.constant 0 : i32
      %dma_start3A_313 = tpu.memref_slice %arg7[%add3A_291, %dma_start3A_312] : memref<160x125xi32, #tpu.memory_space<vmem>> -> memref<1x125xi32, #tpu.memory_space<vmem>>
      %dma_start3A_314 = tpu.memref_squeeze %dma_start3A_313 : memref<1x125xi32, #tpu.memory_space<vmem>> -> memref<125xi32, #tpu.memory_space<vmem>>
      %dma_start3A_315 = arith.constant 0 : i32
      %dma_start3A_316 = arith.constant 0 : i32
      %dma_start3A_317 = tpu.memref_slice %arg20[%dma_start3A_315, %dma_start3A_316] : memref<10000x64xf32, #tpu.memory_space<vmem_shared>> -> memref<10000x64xf32, #tpu.memory_space<vmem_shared>>
      tpu.enqueue_indirect_dma source(%dma_start3A_311 : memref<125x64xf32, #tpu.memory_space<vmem>>) target(%dma_start3A_317 : memref<10000x64xf32, #tpu.memory_space<vmem_shared>>) offsets(%dma_start3A_314 : memref<125xi32, #tpu.memory_space<vmem>>) semaphore(%arg19 : memref<!tpu.dma_semaphore, #tpu.memory_space<semaphore_mem>>) {add = true}
      %add3A_318 = arith.constant 3 : i32
      %add3A_319 = arith.addi %add3A_291, %add3A_318 : i32
      %lt3A_320 = arith.constant 160 : i32
      %lt3A_321 = arith.cmpi slt, %add3A_319, %lt3A_320 : i32
      %convert_element_type3A_322 = arith.extui %lt3A_321 : i1 to i32
      %cond3A_323 = arith.constant 0 : i32
      %cond3A_324 = arith.cmpi ne, %convert_element_type3A_322, %cond3A_323 : i32
      scf.if %cond3A_324 {
        %ge3A = arith.constant 5 : i32
        %ge3A_325 = arith.cmpi sge, %add3A_319, %ge3A : i32
        %convert_element_type3A_326 = arith.extui %ge3A_325 : i1 to i32
        %cond3A_327 = arith.constant 0 : i32
        %cond3A_328 = arith.cmpi ne, %convert_element_type3A_326, %cond3A_327 : i32
        scf.if %cond3A_328 {
          %dma_wait3A_344 = arith.constant 2 : i32
          %dma_wait3A_345 = arith.constant 0 : i32
          %dma_wait3A_346 = arith.constant 0 : i32
          %dma_wait3A_347 = tpu.memref_slice %arg8[%dma_wait3A_344, %dma_wait3A_345, %dma_wait3A_346] : memref<5x125x64xf32, #tpu.memory_space<vmem>> -> memref<1x125x64xf32, #tpu.memory_space<vmem>>
          %dma_wait3A_348 = tpu.memref_squeeze %dma_wait3A_347 : memref<1x125x64xf32, #tpu.memory_space<vmem>> -> memref<125x64xf32, #tpu.memory_space<vmem>>
          %dma_wait3A_349 = arith.constant 0 : i32
          %dma_wait3A_350 = tpu.memref_slice %arg7[%add3A_319, %dma_wait3A_349] : memref<160x125xi32, #tpu.memory_space<vmem>> -> memref<1x125xi32, #tpu.memory_space<vmem>>
          %dma_wait3A_351 = tpu.memref_squeeze %dma_wait3A_350 : memref<1x125xi32, #tpu.memory_space<vmem>> -> memref<125xi32, #tpu.memory_space<vmem>>
          %dma_wait3A_352 = arith.constant 0 : i32
          %dma_wait3A_353 = arith.constant 0 : i32
          %dma_wait3A_354 = tpu.memref_slice %arg20[%dma_wait3A_352, %dma_wait3A_353] : memref<10000x64xf32, #tpu.memory_space<vmem_shared>> -> memref<10000x64xf32, #tpu.memory_space<vmem_shared>>
          tpu.wait_indirect_dma semaphore(%arg17 : memref<!tpu.dma_semaphore, #tpu.memory_space<semaphore_mem>>) src(%dma_wait3A_348 : memref<125x64xf32, #tpu.memory_space<vmem>>) dst(%dma_wait3A_354 : memref<10000x64xf32, #tpu.memory_space<vmem_shared>>)
        } else {
        }
        %dma_start3A_329 = arith.constant 2 : i32
        %dma_start3A_330 = arith.constant 0 : i32
        %dma_start3A_331 = arith.constant 0 : i32
        %dma_start3A_332 = tpu.memref_slice %arg8[%dma_start3A_329, %dma_start3A_330, %dma_start3A_331] : memref<5x125x64xf32, #tpu.memory_space<vmem>> -> memref<1x125x64xf32, #tpu.memory_space<vmem>>
        %dma_start3A_333 = tpu.memref_squeeze %dma_start3A_332 : memref<1x125x64xf32, #tpu.memory_space<vmem>> -> memref<125x64xf32, #tpu.memory_space<vmem>>
        %dma_start3A_334 = arith.constant 0 : i32
        %dma_start3A_335 = tpu.memref_slice %arg6[%add3A_319, %dma_start3A_334] : memref<160x125xi32, #tpu.memory_space<vmem>> -> memref<1x125xi32, #tpu.memory_space<vmem>>
        %dma_start3A_336 = tpu.memref_squeeze %dma_start3A_335 : memref<1x125xi32, #tpu.memory_space<vmem>> -> memref<125xi32, #tpu.memory_space<vmem>>
        %dma_start3A_337 = arith.constant 0 : i32
        %dma_start3A_338 = arith.constant 0 : i32
        %dma_start3A_339 = tpu.memref_slice %arg2[%arg0, %dma_start3A_337, %dma_start3A_338] : memref<2x10000x64xf32, #tpu.memory_space<hbm>> -> memref<1x10000x64xf32, #tpu.memory_space<hbm>>
        %dma_start3A_340 = tpu.memref_squeeze %dma_start3A_339 : memref<1x10000x64xf32, #tpu.memory_space<hbm>> -> memref<10000x64xf32, #tpu.memory_space<hbm>>
        %dma_start3A_341 = arith.constant 0 : i32
        %dma_start3A_342 = arith.constant 0 : i32
        %dma_start3A_343 = tpu.memref_slice %dma_start3A_340[%dma_start3A_341, %dma_start3A_342] : memref<10000x64xf32, #tpu.memory_space<hbm>> -> memref<10000x64xf32, #tpu.memory_space<hbm>>
        tpu.enqueue_indirect_dma source(%dma_start3A_343 : memref<10000x64xf32, #tpu.memory_space<hbm>>) target(%dma_start3A_333 : memref<125x64xf32, #tpu.memory_space<vmem>>) offsets(%dma_start3A_336 : memref<125xi32, #tpu.memory_space<vmem>>) semaphore(%arg12 : memref<!tpu.dma_semaphore, #tpu.memory_space<semaphore_mem>>)
      } else {
      }
    }
    %scan3A_75 = arith.constant 32 : i32
    %dma_wait3A = arith.constant 0 : i32
    %dma_wait3A_76 = arith.constant 0 : i32
    %dma_wait3A_77 = arith.constant 0 : i32
    %dma_wait3A_78 = arith.constant 0 : i32
    %dma_wait3A_79 = tpu.memref_slice %arg8[%dma_wait3A, %dma_wait3A_77, %dma_wait3A_78] : memref<5x125x64xf32, #tpu.memory_space<vmem>> -> memref<1x125x64xf32, #tpu.memory_space<vmem>>
    %dma_wait3A_80 = tpu.memref_squeeze %dma_wait3A_79 : memref<1x125x64xf32, #tpu.memory_space<vmem>> -> memref<125x64xf32, #tpu.memory_space<vmem>>
    %dma_wait3A_81 = arith.constant 0 : i32
    %dma_wait3A_82 = tpu.memref_slice %arg7[%dma_wait3A_76, %dma_wait3A_81] : memref<160x125xi32, #tpu.memory_space<vmem>> -> memref<1x125xi32, #tpu.memory_space<vmem>>
    %dma_wait3A_83 = tpu.memref_squeeze %dma_wait3A_82 : memref<1x125xi32, #tpu.memory_space<vmem>> -> memref<125xi32, #tpu.memory_space<vmem>>
    %dma_wait3A_84 = arith.constant 0 : i32
    %dma_wait3A_85 = arith.constant 0 : i32
    %dma_wait3A_86 = tpu.memref_slice %arg20[%dma_wait3A_84, %dma_wait3A_85] : memref<10000x64xf32, #tpu.memory_space<vmem_shared>> -> memref<10000x64xf32, #tpu.memory_space<vmem_shared>>
    tpu.wait_indirect_dma semaphore(%arg15 : memref<!tpu.dma_semaphore, #tpu.memory_space<semaphore_mem>>) src(%dma_wait3A_80 : memref<125x64xf32, #tpu.memory_space<vmem>>) dst(%dma_wait3A_86 : memref<10000x64xf32, #tpu.memory_space<vmem_shared>>)
    %dma_wait3A_87 = arith.constant 1 : i32
    %dma_wait3A_88 = arith.constant 0 : i32
    %dma_wait3A_89 = arith.constant 0 : i32
    %dma_wait3A_90 = arith.constant 0 : i32
    %dma_wait3A_91 = tpu.memref_slice %arg8[%dma_wait3A_87, %dma_wait3A_89, %dma_wait3A_90] : memref<5x125x64xf32, #tpu.memory_space<vmem>> -> memref<1x125x64xf32, #tpu.memory_space<vmem>>
    %dma_wait3A_92 = tpu.memref_squeeze %dma_wait3A_91 : memref<1x125x64xf32, #tpu.memory_space<vmem>> -> memref<125x64xf32, #tpu.memory_space<vmem>>
    %dma_wait3A_93 = arith.constant 0 : i32
    %dma_wait3A_94 = tpu.memref_slice %arg7[%dma_wait3A_88, %dma_wait3A_93] : memref<160x125xi32, #tpu.memory_space<vmem>> -> memref<1x125xi32, #tpu.memory_space<vmem>>
    %dma_wait3A_95 = tpu.memref_squeeze %dma_wait3A_94 : memref<1x125xi32, #tpu.memory_space<vmem>> -> memref<125xi32, #tpu.memory_space<vmem>>
    %dma_wait3A_96 = arith.constant 0 : i32
    %dma_wait3A_97 = arith.constant 0 : i32
    %dma_wait3A_98 = tpu.memref_slice %arg20[%dma_wait3A_96, %dma_wait3A_97] : memref<10000x64xf32, #tpu.memory_space<vmem_shared>> -> memref<10000x64xf32, #tpu.memory_space<vmem_shared>>
    tpu.wait_indirect_dma semaphore(%arg16 : memref<!tpu.dma_semaphore, #tpu.memory_space<semaphore_mem>>) src(%dma_wait3A_92 : memref<125x64xf32, #tpu.memory_space<vmem>>) dst(%dma_wait3A_98 : memref<10000x64xf32, #tpu.memory_space<vmem_shared>>)
    %dma_wait3A_99 = arith.constant 2 : i32
    %dma_wait3A_100 = arith.constant 0 : i32
    %dma_wait3A_101 = arith.constant 0 : i32
    %dma_wait3A_102 = arith.constant 0 : i32
    %dma_wait3A_103 = tpu.memref_slice %arg8[%dma_wait3A_99, %dma_wait3A_101, %dma_wait3A_102] : memref<5x125x64xf32, #tpu.memory_space<vmem>> -> memref<1x125x64xf32, #tpu.memory_space<vmem>>
    %dma_wait3A_104 = tpu.memref_squeeze %dma_wait3A_103 : memref<1x125x64xf32, #tpu.memory_space<vmem>> -> memref<125x64xf32, #tpu.memory_space<vmem>>
    %dma_wait3A_105 = arith.constant 0 : i32
    %dma_wait3A_106 = tpu.memref_slice %arg7[%dma_wait3A_100, %dma_wait3A_105] : memref<160x125xi32, #tpu.memory_space<vmem>> -> memref<1x125xi32, #tpu.memory_space<vmem>>
    %dma_wait3A_107 = tpu.memref_squeeze %dma_wait3A_106 : memref<1x125xi32, #tpu.memory_space<vmem>> -> memref<125xi32, #tpu.memory_space<vmem>>
    %dma_wait3A_108 = arith.constant 0 : i32
    %dma_wait3A_109 = arith.constant 0 : i32
    %dma_wait3A_110 = tpu.memref_slice %arg20[%dma_wait3A_108, %dma_wait3A_109] : memref<10000x64xf32, #tpu.memory_space<vmem_shared>> -> memref<10000x64xf32, #tpu.memory_space<vmem_shared>>
    tpu.wait_indirect_dma semaphore(%arg17 : memref<!tpu.dma_semaphore, #tpu.memory_space<semaphore_mem>>) src(%dma_wait3A_104 : memref<125x64xf32, #tpu.memory_space<vmem>>) dst(%dma_wait3A_110 : memref<10000x64xf32, #tpu.memory_space<vmem_shared>>)
    %dma_wait3A_111 = arith.constant 3 : i32
    %dma_wait3A_112 = arith.constant 0 : i32
    %dma_wait3A_113 = arith.constant 0 : i32
    %dma_wait3A_114 = arith.constant 0 : i32
    %dma_wait3A_115 = tpu.memref_slice %arg8[%dma_wait3A_111, %dma_wait3A_113, %dma_wait3A_114] : memref<5x125x64xf32, #tpu.memory_space<vmem>> -> memref<1x125x64xf32, #tpu.memory_space<vmem>>
    %dma_wait3A_116 = tpu.memref_squeeze %dma_wait3A_115 : memref<1x125x64xf32, #tpu.memory_space<vmem>> -> memref<125x64xf32, #tpu.memory_space<vmem>>
    %dma_wait3A_117 = arith.constant 0 : i32
    %dma_wait3A_118 = tpu.memref_slice %arg7[%dma_wait3A_112, %dma_wait3A_117] : memref<160x125xi32, #tpu.memory_space<vmem>> -> memref<1x125xi32, #tpu.memory_space<vmem>>
    %dma_wait3A_119 = tpu.memref_squeeze %dma_wait3A_118 : memref<1x125xi32, #tpu.memory_space<vmem>> -> memref<125xi32, #tpu.memory_space<vmem>>
    %dma_wait3A_120 = arith.constant 0 : i32
    %dma_wait3A_121 = arith.constant 0 : i32
    %dma_wait3A_122 = tpu.memref_slice %arg20[%dma_wait3A_120, %dma_wait3A_121] : memref<10000x64xf32, #tpu.memory_space<vmem_shared>> -> memref<10000x64xf32, #tpu.memory_space<vmem_shared>>
    tpu.wait_indirect_dma semaphore(%arg18 : memref<!tpu.dma_semaphore, #tpu.memory_space<semaphore_mem>>) src(%dma_wait3A_116 : memref<125x64xf32, #tpu.memory_space<vmem>>) dst(%dma_wait3A_122 : memref<10000x64xf32, #tpu.memory_space<vmem_shared>>)
    %dma_wait3A_123 = arith.constant 4 : i32
    %dma_wait3A_124 = arith.constant 0 : i32
    %dma_wait3A_125 = arith.constant 0 : i32
    %dma_wait3A_126 = arith.constant 0 : i32
    %dma_wait3A_127 = tpu.memref_slice %arg8[%dma_wait3A_123, %dma_wait3A_125, %dma_wait3A_126] : memref<5x125x64xf32, #tpu.memory_space<vmem>> -> memref<1x125x64xf32, #tpu.memory_space<vmem>>
    %dma_wait3A_128 = tpu.memref_squeeze %dma_wait3A_127 : memref<1x125x64xf32, #tpu.memory_space<vmem>> -> memref<125x64xf32, #tpu.memory_space<vmem>>
    %dma_wait3A_129 = arith.constant 0 : i32
    %dma_wait3A_130 = tpu.memref_slice %arg7[%dma_wait3A_124, %dma_wait3A_129] : memref<160x125xi32, #tpu.memory_space<vmem>> -> memref<1x125xi32, #tpu.memory_space<vmem>>
    %dma_wait3A_131 = tpu.memref_squeeze %dma_wait3A_130 : memref<1x125xi32, #tpu.memory_space<vmem>> -> memref<125xi32, #tpu.memory_space<vmem>>
    %dma_wait3A_132 = arith.constant 0 : i32
    %dma_wait3A_133 = arith.constant 0 : i32
    %dma_wait3A_134 = tpu.memref_slice %arg20[%dma_wait3A_132, %dma_wait3A_133] : memref<10000x64xf32, #tpu.memory_space<vmem_shared>> -> memref<10000x64xf32, #tpu.memory_space<vmem_shared>>
    tpu.wait_indirect_dma semaphore(%arg19 : memref<!tpu.dma_semaphore, #tpu.memory_space<semaphore_mem>>) src(%dma_wait3A_128 : memref<125x64xf32, #tpu.memory_space<vmem>>) dst(%dma_wait3A_134 : memref<10000x64xf32, #tpu.memory_space<vmem_shared>>)
    %barrier3A_135 = arith.constant 0 : index
    tpu.barrier barrier_id(%barrier3A_135)
    %mul3A_136 = arith.constant 625 : i32
    %mul3A_137 = arith.muli %arg1, %mul3A_136 : i32
    %mul3A_138 = arith.constant 625 : i32
    %mul3A_139 = arith.muli %arg1, %mul3A_138 : i32
    %mul3A_140 = arith.constant 64 : i32
    %mul3A_141 = arith.muli %arg0, %mul3A_140 : i32
    "tpu.region"() ({
      %run_scoped3A = tpu.sem_alloc : memref<!tpu.dma_semaphore, #tpu.memory_space<semaphore_mem>>
      %dma_start3A_142 = tpu.memref_slice %arg5[%mul3A_139, %mul3A_141] : memref<10000x128xf32, #tpu.memory_space<hbm>> -> memref<625x64xf32, #tpu.memory_space<hbm>>
      %dma_start3A_143 = arith.constant 0 : i32
      %dma_start3A_144 = tpu.memref_slice %arg20[%mul3A_137, %dma_start3A_143] : memref<10000x64xf32, #tpu.memory_space<vmem_shared>> -> memref<625x64xf32, #tpu.memory_space<vmem_shared>>
      tpu.enqueue_dma source(%dma_start3A_144 : memref<625x64xf32, #tpu.memory_space<vmem_shared>>) target(%dma_start3A_142 : memref<625x64xf32, #tpu.memory_space<hbm>>) target_semaphore(%run_scoped3A : memref<!tpu.dma_semaphore, #tpu.memory_space<semaphore_mem>>)
      %dma_wait3A_145 = tpu.memref_slice %arg5[%mul3A_139, %mul3A_141] : memref<10000x128xf32, #tpu.memory_space<hbm>> -> memref<625x64xf32, #tpu.memory_space<hbm>>
      %dma_wait3A_146 = arith.constant 0 : i32
      %dma_wait3A_147 = tpu.memref_slice %arg20[%mul3A_137, %dma_wait3A_146] : memref<10000x64xf32, #tpu.memory_space<vmem_shared>> -> memref<625x64xf32, #tpu.memory_space<vmem_shared>>
      tpu.wait_dma2 semaphore(%run_scoped3A : memref<!tpu.dma_semaphore, #tpu.memory_space<semaphore_mem>>) src(%dma_wait3A_147 : memref<625x64xf32, #tpu.memory_space<vmem_shared>>) dst(%dma_wait3A_145 : memref<625x64xf32, #tpu.memory_space<hbm>>)
      tpu.yield
    }) : () -> ()
    return
  }
}

module attributes {stable_mosaic.version = 14 : i64} {
  func.func @_prep_body(%arg0: i32, %arg1: memref<1000x16xf32, #tpu.memory_space<vmem>>, %arg2: memref<1000x128xf32, #tpu.memory_space<vmem>>, %arg3: memref<2x1000x64xf32, #tpu.memory_space<vmem>>) attributes {dimension_semantics = [#tpu.dimension_semantics<arbitrary>], iteration_bounds = array<i64: 10>, scalar_prefetch = 0 : i64, scratch_operands = 0 : i64, tpu.core_type = #tpu.core_type<tc>, window_params = [{transform_indices = @transform_0, window_bounds = array<i64: 1000, 16>}, {transform_indices = @transform_1, window_bounds = array<i64: 1000, 128>}, {transform_indices = @transform_2, window_bounds = array<i64: 2, 1000, 64>}]} {
    %get3A = arith.constant 0 : index
    %get3A_0 = arith.constant 0 : index
    %get3A_1 = vector.load %arg2[%get3A, %get3A_0] : memref<1000x128xf32, #tpu.memory_space<vmem>>, vector<1000x128xf32>
    %get3A_2 = arith.constant 0 : index
    %get3A_3 = arith.constant 0 : index
    %get3A_4 = vector.load %arg1[%get3A_2, %get3A_3] : memref<1000x16xf32, #tpu.memory_space<vmem>>, vector<1000x16xf32>
    %reduce_sum3A = arith.constant dense<0.000000e+00> : vector<1000xf32>
    %reduce_sum3A_5 = vector.multi_reduction <add>, %get3A_4, %reduce_sum3A [1] : vector<1000x16xf32> to vector<1000xf32>
    %mul3A = arith.constant 6.250000e-02 : f32
    %mul3A_6 = vector.broadcast %mul3A : f32 to vector<1000xf32>
    %mul3A_7 = arith.mulf %reduce_sum3A_5, %mul3A_6 : vector<1000xf32>
    %add3A = arith.constant 1.000000e+00 : f32
    %add3A_8 = vector.broadcast %add3A : f32 to vector<1000xf32>
    %add3A_9 = arith.addf %mul3A_7, %add3A_8 : vector<1000xf32>
    %rsqrt3A = math.rsqrt %add3A_9 : vector<1000xf32>
    %broadcast_in_dim3A = vector.shape_cast %rsqrt3A : vector<1000xf32> to vector<1000x1xf32>
    %mul3A_10 = vector.broadcast %broadcast_in_dim3A : vector<1000x1xf32> to vector<1000x128xf32>
    %mul3A_11 = arith.mulf %get3A_1, %mul3A_10 : vector<1000x128xf32>
    %slice3A = vector.extract_strided_slice %mul3A_11 {offsets = [0, 0], sizes = [1000, 64], strides = [1, 1]} : vector<1000x128xf32> to vector<1000x64xf32>
    %swap3A = arith.constant 0 : index
    %swap3A_12 = arith.constant 0 : index
    %swap3A_13 = arith.constant 0 : index
    %swap3A_14 = vector.load %arg3[%swap3A, %swap3A_12, %swap3A_13] : memref<2x1000x64xf32, #tpu.memory_space<vmem>>, vector<1x1000x64xf32>
    %swap3A_15 = vector.shape_cast %swap3A_14 : vector<1x1000x64xf32> to vector<1000x64xf32>
    %swap3A_16 = vector.shape_cast %slice3A : vector<1000x64xf32> to vector<1x1000x64xf32>
    tpu.vector_store %arg3[%swap3A, %swap3A_12, %swap3A_13], %swap3A_16 {strides = array<i32>} : memref<2x1000x64xf32, #tpu.memory_space<vmem>>, vector<1x1000x64xf32>,
    %slice3A_17 = vector.extract_strided_slice %mul3A_11 {offsets = [0, 64], sizes = [1000, 64], strides = [1, 1]} : vector<1000x128xf32> to vector<1000x64xf32>
    %swap3A_18 = arith.constant 1 : index
    %swap3A_19 = arith.constant 0 : index
    %swap3A_20 = arith.constant 0 : index
    %swap3A_21 = vector.load %arg3[%swap3A_18, %swap3A_19, %swap3A_20] : memref<2x1000x64xf32, #tpu.memory_space<vmem>>, vector<1x1000x64xf32>
    %swap3A_22 = vector.shape_cast %swap3A_21 : vector<1x1000x64xf32> to vector<1000x64xf32>
    %swap3A_23 = vector.shape_cast %slice3A_17 : vector<1000x64xf32> to vector<1x1000x64xf32>
    tpu.vector_store %arg3[%swap3A_18, %swap3A_19, %swap3A_20], %swap3A_23 {strides = array<i32>} : memref<2x1000x64xf32, #tpu.memory_space<vmem>>, vector<1x1000x64xf32>,
    return
  }
  func.func @transform_0(%arg0: i32) -> (i32, i32) {
    %c0_i32 = arith.constant 0 : i32
    %c0_i32_0 = arith.constant 0 : i32
    return %arg0, %c0_i32 : i32, i32
  }
  func.func @transform_1(%arg0: i32) -> (i32, i32) {
    %c0_i32 = arith.constant 0 : i32
    %c0_i32_0 = arith.constant 0 : i32
    return %arg0, %c0_i32 : i32, i32
  }
  func.func @transform_2(%arg0: i32) -> (i32, i32, i32) {
    %c0_i32 = arith.constant 0 : i32
    %c0_i32_0 = arith.constant 0 : i32
    %c0_i32_1 = arith.constant 0 : i32
    return %c0_i32, %arg0, %c0_i32_0 : i32, i32, i32
  }
}

module attributes {stable_mosaic.version = 14 : i64} {
  func.func @_mid_body(%arg0: i32, %arg1: memref<1000x16xf32, #tpu.memory_space<vmem>>, %arg2: memref<1000x128xf32, #tpu.memory_space<vmem>>, %arg3: memref<1000x128xf32, #tpu.memory_space<vmem>>, %arg4: memref<128x256xf32, #tpu.memory_space<vmem>>, %arg5: memref<1x256xf32, #tpu.memory_space<vmem>>, %arg6: memref<256x64xf32, #tpu.memory_space<vmem>>, %arg7: memref<1000x64xf32, #tpu.memory_space<vmem>>, %arg8: memref<2x1000x32xf32, #tpu.memory_space<vmem>>) attributes {dimension_semantics = [#tpu.dimension_semantics<arbitrary>], iteration_bounds = array<i64: 10>, scalar_prefetch = 0 : i64, scratch_operands = 0 : i64, tpu.core_type = #tpu.core_type<tc>, window_params = [{transform_indices = @transform_0, window_bounds = array<i64: 1000, 16>}, {transform_indices = @transform_1, window_bounds = array<i64: 1000, 128>}, {transform_indices = @transform_2, window_bounds = array<i64: 1000, 128>}, {pipeline_mode = #tpu.pipeline_mode<synchronous>, transform_indices = @transform_3, window_bounds = array<i64: 128, 256>}, {pipeline_mode = #tpu.pipeline_mode<synchronous>, transform_indices = @transform_4, window_bounds = array<i64: 1, 256>}, {pipeline_mode = #tpu.pipeline_mode<synchronous>, transform_indices = @transform_5, window_bounds = array<i64: 256, 64>}, {transform_indices = @transform_6, window_bounds = array<i64: 1000, 64>}, {transform_indices = @transform_7, window_bounds = array<i64: 2, 1000, 32>}]} {
    %get3A = arith.constant 0 : index
    %get3A_0 = arith.constant 0 : index
    %get3A_1 = vector.load %arg1[%get3A, %get3A_0] : memref<1000x16xf32, #tpu.memory_space<vmem>>, vector<1000x16xf32>
    %reduce_sum3A = arith.constant dense<0.000000e+00> : vector<1000xf32>
    %reduce_sum3A_2 = vector.multi_reduction <add>, %get3A_1, %reduce_sum3A [1] : vector<1000x16xf32> to vector<1000xf32>
    %mul3A = arith.constant 6.250000e-02 : f32
    %mul3A_3 = vector.broadcast %mul3A : f32 to vector<1000xf32>
    %mul3A_4 = arith.mulf %reduce_sum3A_2, %mul3A_3 : vector<1000xf32>
    %add3A = arith.constant 1.000000e+00 : f32
    %add3A_5 = vector.broadcast %add3A : f32 to vector<1000xf32>
    %add3A_6 = arith.addf %mul3A_4, %add3A_5 : vector<1000xf32>
    %rsqrt3A = math.rsqrt %add3A_6 : vector<1000xf32>
    %broadcast_in_dim3A = vector.shape_cast %rsqrt3A : vector<1000xf32> to vector<1000x1xf32>
    %mul3A_7 = arith.mulf %broadcast_in_dim3A, %broadcast_in_dim3A : vector<1000x1xf32>
    %get3A_8 = arith.constant 0 : index
    %get3A_9 = arith.constant 0 : index
    %get3A_10 = vector.load %arg2[%get3A_8, %get3A_9] : memref<1000x128xf32, #tpu.memory_space<vmem>>, vector<1000x128xf32>
    %slice3A = vector.extract_strided_slice %get3A_10 {offsets = [0, 0], sizes = [1000, 64], strides = [1, 1]} : vector<1000x128xf32> to vector<1000x64xf32>
    %mul3A_11 = vector.broadcast %broadcast_in_dim3A : vector<1000x1xf32> to vector<1000x64xf32>
    %mul3A_12 = arith.mulf %mul3A_11, %slice3A : vector<1000x64xf32>
    %get3A_13 = arith.constant 0 : index
    %get3A_14 = arith.constant 0 : index
    %get3A_15 = vector.load %arg3[%get3A_13, %get3A_14] : memref<1000x128xf32, #tpu.memory_space<vmem>>, vector<1000x64xf32>
    %mul3A_16 = vector.broadcast %mul3A_7 : vector<1000x1xf32> to vector<1000x64xf32>
    %mul3A_17 = arith.mulf %mul3A_16, %get3A_15 : vector<1000x64xf32>
    %add3A_18 = arith.addf %mul3A_12, %mul3A_17 : vector<1000x64xf32>
    %slice3A_19 = vector.extract_strided_slice %get3A_10 {offsets = [0, 64], sizes = [1000, 64], strides = [1, 1]} : vector<1000x128xf32> to vector<1000x64xf32>
    %mul3A_20 = vector.broadcast %broadcast_in_dim3A : vector<1000x1xf32> to vector<1000x64xf32>
    %mul3A_21 = arith.mulf %mul3A_20, %slice3A_19 : vector<1000x64xf32>
    %get3A_22 = arith.constant 0 : index
    %get3A_23 = arith.constant 64 : index
    %get3A_24 = vector.load %arg3[%get3A_22, %get3A_23] : memref<1000x128xf32, #tpu.memory_space<vmem>>, vector<1000x64xf32>
    %mul3A_25 = vector.broadcast %mul3A_7 : vector<1000x1xf32> to vector<1000x64xf32>
    %mul3A_26 = arith.mulf %mul3A_25, %get3A_24 : vector<1000x64xf32>
    %add3A_27 = arith.addf %mul3A_21, %mul3A_26 : vector<1000x64xf32>
    %get3A_28 = arith.constant 0 : index
    %get3A_29 = arith.constant 0 : index
    %get3A_30 = vector.load %arg4[%get3A_28, %get3A_29] : memref<128x256xf32, #tpu.memory_space<vmem>>, vector<64x256xf32>
    %dot_general3A = arith.constant dense<0.000000e+00> : vector<1000x256xf32>
    %dot_general3A_31 = tpu.matmul %add3A_18, %get3A_30, %dot_general3A {dimension_numbers = #tpu.dot_dimension_numbers<[1], [0], [0], [1], [0, 0, 1, 1], [], []>, transpose_lhs_hint = false} : vector<1000x64xf32>, vector<64x256xf32>, vector<1000x256xf32> -> vector<1000x256xf32>
    %get3A_32 = arith.constant 64 : index
    %get3A_33 = arith.constant 0 : index
    %get3A_34 = vector.load %arg4[%get3A_32, %get3A_33] : memref<128x256xf32, #tpu.memory_space<vmem>>, vector<64x256xf32>
    %dot_general3A_35 = arith.constant dense<0.000000e+00> : vector<1000x256xf32>
    %dot_general3A_36 = tpu.matmul %add3A_27, %get3A_34, %dot_general3A_35 {dimension_numbers = #tpu.dot_dimension_numbers<[1], [0], [0], [1], [0, 0, 1, 1], [], []>, transpose_lhs_hint = false} : vector<1000x64xf32>, vector<64x256xf32>, vector<1000x256xf32> -> vector<1000x256xf32>
    %add3A_37 = arith.addf %dot_general3A_31, %dot_general3A_36 : vector<1000x256xf32>
    %get3A_38 = arith.constant 0 : index
    %get3A_39 = arith.constant 0 : index
    %get3A_40 = vector.load %arg5[%get3A_38, %get3A_39] : memref<1x256xf32, #tpu.memory_space<vmem>>, vector<1x256xf32>
    %add3A_41 = vector.broadcast %get3A_40 : vector<1x256xf32> to vector<1000x256xf32>
    %add3A_42 = arith.addf %add3A_37, %add3A_41 : vector<1000x256xf32>
    %max3A = arith.constant 0.000000e+00 : f32
    %max3A_43 = vector.broadcast %max3A : f32 to vector<1000x256xf32>
    %max3A_44 = arith.maximumf %add3A_42, %max3A_43 : vector<1000x256xf32>
    %get3A_45 = arith.constant 0 : index
    %get3A_46 = arith.constant 0 : index
    %get3A_47 = vector.load %arg6[%get3A_45, %get3A_46] : memref<256x64xf32, #tpu.memory_space<vmem>>, vector<256x64xf32>
    %dot_general3A_48 = arith.constant dense<0.000000e+00> : vector<1000x64xf32>
    %dot_general3A_49 = tpu.matmul %max3A_44, %get3A_47, %dot_general3A_48 {dimension_numbers = #tpu.dot_dimension_numbers<[1], [0], [0], [1], [0, 0, 1, 1], [], []>, transpose_lhs_hint = false} : vector<1000x256xf32>, vector<256x64xf32>, vector<1000x64xf32> -> vector<1000x64xf32>
    %swap3A = arith.constant 0 : index
    %swap3A_50 = arith.constant 0 : index
    %swap3A_51 = vector.load %arg7[%swap3A, %swap3A_50] : memref<1000x64xf32, #tpu.memory_space<vmem>>, vector<1000x64xf32>
    tpu.vector_store %arg7[%swap3A, %swap3A_50], %dot_general3A_49 {strides = array<i32>} : memref<1000x64xf32, #tpu.memory_space<vmem>>, vector<1000x64xf32>,
    %mul3A_52 = vector.broadcast %broadcast_in_dim3A : vector<1000x1xf32> to vector<1000x64xf32>
    %mul3A_53 = arith.mulf %mul3A_52, %dot_general3A_49 : vector<1000x64xf32>
    %slice3A_54 = vector.extract_strided_slice %mul3A_53 {offsets = [0, 0], sizes = [1000, 32], strides = [1, 1]} : vector<1000x64xf32> to vector<1000x32xf32>
    %swap3A_55 = arith.constant 0 : index
    %swap3A_56 = arith.constant 0 : index
    %swap3A_57 = arith.constant 0 : index
    %swap3A_58 = vector.load %arg8[%swap3A_55, %swap3A_56, %swap3A_57] : memref<2x1000x32xf32, #tpu.memory_space<vmem>>, vector<1x1000x32xf32>
    %swap3A_59 = vector.shape_cast %swap3A_58 : vector<1x1000x32xf32> to vector<1000x32xf32>
    %swap3A_60 = vector.shape_cast %slice3A_54 : vector<1000x32xf32> to vector<1x1000x32xf32>
    tpu.vector_store %arg8[%swap3A_55, %swap3A_56, %swap3A_57], %swap3A_60 {strides = array<i32>} : memref<2x1000x32xf32, #tpu.memory_space<vmem>>, vector<1x1000x32xf32>,
    %slice3A_61 = vector.extract_strided_slice %mul3A_53 {offsets = [0, 32], sizes = [1000, 32], strides = [1, 1]} : vector<1000x64xf32> to vector<1000x32xf32>
    %swap3A_62 = arith.constant 1 : index
    %swap3A_63 = arith.constant 0 : index
    %swap3A_64 = arith.constant 0 : index
    %swap3A_65 = vector.load %arg8[%swap3A_62, %swap3A_63, %swap3A_64] : memref<2x1000x32xf32, #tpu.memory_space<vmem>>, vector<1x1000x32xf32>
    %swap3A_66 = vector.shape_cast %swap3A_65 : vector<1x1000x32xf32> to vector<1000x32xf32>
    %swap3A_67 = vector.shape_cast %slice3A_61 : vector<1000x32xf32> to vector<1x1000x32xf32>
    tpu.vector_store %arg8[%swap3A_62, %swap3A_63, %swap3A_64], %swap3A_67 {strides = array<i32>} : memref<2x1000x32xf32, #tpu.memory_space<vmem>>, vector<1x1000x32xf32>,
    return
  }
  func.func @transform_0(%arg0: i32) -> (i32, i32) {
    %c0_i32 = arith.constant 0 : i32
    %c0_i32_0 = arith.constant 0 : i32
    return %arg0, %c0_i32 : i32, i32
  }
  func.func @transform_1(%arg0: i32) -> (i32, i32) {
    %c0_i32 = arith.constant 0 : i32
    %c0_i32_0 = arith.constant 0 : i32
    return %arg0, %c0_i32 : i32, i32
  }
  func.func @transform_2(%arg0: i32) -> (i32, i32) {
    %c0_i32 = arith.constant 0 : i32
    %c0_i32_0 = arith.constant 0 : i32
    return %arg0, %c0_i32 : i32, i32
  }
  func.func @transform_3(%arg0: i32) -> (i32, i32) {
    %c0_i32 = arith.constant 0 : i32
    %c0_i32_0 = arith.constant 0 : i32
    %c0_i32_1 = arith.constant 0 : i32
    return %c0_i32, %c0_i32_0 : i32, i32
  }
  func.func @transform_4(%arg0: i32) -> (i32, i32) {
    %c0_i32 = arith.constant 0 : i32
    %c0_i32_0 = arith.constant 0 : i32
    %c0_i32_1 = arith.constant 0 : i32
    return %c0_i32, %c0_i32_0 : i32, i32
  }
  func.func @transform_5(%arg0: i32) -> (i32, i32) {
    %c0_i32 = arith.constant 0 : i32
    %c0_i32_0 = arith.constant 0 : i32
    %c0_i32_1 = arith.constant 0 : i32
    return %c0_i32, %c0_i32_0 : i32, i32
  }
  func.func @transform_6(%arg0: i32) -> (i32, i32) {
    %c0_i32 = arith.constant 0 : i32
    %c0_i32_0 = arith.constant 0 : i32
    return %arg0, %c0_i32 : i32, i32
  }
  func.func @transform_7(%arg0: i32) -> (i32, i32, i32) {
    %c0_i32 = arith.constant 0 : i32
    %c0_i32_0 = arith.constant 0 : i32
    %c0_i32_1 = arith.constant 0 : i32
    return %c0_i32, %arg0, %c0_i32_0 : i32, i32, i32
  }
}

module attributes {stable_mosaic.version = 14 : i64} {
  func.func @_final_body(%arg0: i32, %arg1: memref<1000x16xf32, #tpu.memory_space<vmem>>, %arg2: memref<1000x128xf32, #tpu.memory_space<vmem>>, %arg3: memref<1000x64xf32, #tpu.memory_space<vmem>>, %arg4: memref<1x64xf32, #tpu.memory_space<vmem>>, %arg5: memref<1000x64xf32, #tpu.memory_space<vmem>>) attributes {dimension_semantics = [#tpu.dimension_semantics<arbitrary>], iteration_bounds = array<i64: 10>, scalar_prefetch = 0 : i64, scratch_operands = 0 : i64, tpu.core_type = #tpu.core_type<tc>, window_params = [{transform_indices = @transform_0, window_bounds = array<i64: 1000, 16>}, {transform_indices = @transform_1, window_bounds = array<i64: 1000, 128>}, {transform_indices = @transform_2, window_bounds = array<i64: 1000, 64>}, {pipeline_mode = #tpu.pipeline_mode<synchronous>, transform_indices = @transform_3, window_bounds = array<i64: 1, 64>}, {transform_indices = @transform_4, window_bounds = array<i64: 1000, 64>}]} {
    %get3A = arith.constant 0 : index
    %get3A_0 = arith.constant 0 : index
    %get3A_1 = vector.load %arg1[%get3A, %get3A_0] : memref<1000x16xf32, #tpu.memory_space<vmem>>, vector<1000x16xf32>
    %reduce_sum3A = arith.constant dense<0.000000e+00> : vector<1000xf32>
    %reduce_sum3A_2 = vector.multi_reduction <add>, %get3A_1, %reduce_sum3A [1] : vector<1000x16xf32> to vector<1000xf32>
    %mul3A = arith.constant 6.250000e-02 : f32
    %mul3A_3 = vector.broadcast %mul3A : f32 to vector<1000xf32>
    %mul3A_4 = arith.mulf %reduce_sum3A_2, %mul3A_3 : vector<1000xf32>
    %add3A = arith.constant 1.000000e+00 : f32
    %add3A_5 = vector.broadcast %add3A : f32 to vector<1000xf32>
    %add3A_6 = arith.addf %mul3A_4, %add3A_5 : vector<1000xf32>
    %rsqrt3A = math.rsqrt %add3A_6 : vector<1000xf32>
    %broadcast_in_dim3A = vector.shape_cast %rsqrt3A : vector<1000xf32> to vector<1000x1xf32>
    %get3A_7 = arith.constant 0 : index
    %get3A_8 = arith.constant 0 : index
    %get3A_9 = vector.load %arg2[%get3A_7, %get3A_8] : memref<1000x128xf32, #tpu.memory_space<vmem>>, vector<1000x64xf32>
    %mul3A_10 = vector.broadcast %broadcast_in_dim3A : vector<1000x1xf32> to vector<1000x64xf32>
    %mul3A_11 = arith.mulf %mul3A_10, %get3A_9 : vector<1000x64xf32>
    %mul3A_12 = arith.mulf %broadcast_in_dim3A, %broadcast_in_dim3A : vector<1000x1xf32>
    %get3A_13 = arith.constant 0 : index
    %get3A_14 = arith.constant 0 : index
    %get3A_15 = vector.load %arg3[%get3A_13, %get3A_14] : memref<1000x64xf32, #tpu.memory_space<vmem>>, vector<1000x64xf32>
    %mul3A_16 = vector.broadcast %mul3A_12 : vector<1000x1xf32> to vector<1000x64xf32>
    %mul3A_17 = arith.mulf %mul3A_16, %get3A_15 : vector<1000x64xf32>
    %add3A_18 = arith.addf %mul3A_11, %mul3A_17 : vector<1000x64xf32>
    %get3A_19 = arith.constant 0 : index
    %get3A_20 = arith.constant 0 : index
    %get3A_21 = vector.load %arg4[%get3A_19, %get3A_20] : memref<1x64xf32, #tpu.memory_space<vmem>>, vector<1x64xf32>
    %add3A_22 = vector.broadcast %get3A_21 : vector<1x64xf32> to vector<1000x64xf32>
    %add3A_23 = arith.addf %add3A_18, %add3A_22 : vector<1000x64xf32>
    %reduce_max3A = arith.constant dense<0xFF800000> : vector<1000xf32>
    %reduce_max3A_24 = vector.multi_reduction <maximumf>, %add3A_23, %reduce_max3A [1] : vector<1000x64xf32> to vector<1000xf32>
    %broadcast_in_dim3A_25 = vector.shape_cast %reduce_max3A_24 : vector<1000xf32> to vector<1000x1xf32>
    %sub3A = vector.broadcast %broadcast_in_dim3A_25 : vector<1000x1xf32> to vector<1000x64xf32>
    %sub3A_26 = arith.subf %add3A_23, %sub3A : vector<1000x64xf32>
    %exp3A = math.exp %sub3A_26 : vector<1000x64xf32>
    %reduce_sum3A_27 = arith.constant dense<0.000000e+00> : vector<1000xf32>
    %reduce_sum3A_28 = vector.multi_reduction <add>, %exp3A, %reduce_sum3A_27 [1] : vector<1000x64xf32> to vector<1000xf32>
    %broadcast_in_dim3A_29 = vector.shape_cast %reduce_sum3A_28 : vector<1000xf32> to vector<1000x1xf32>
    %log3A = math.log %broadcast_in_dim3A_29 : vector<1000x1xf32>
    %add3A_30 = arith.addf %log3A, %broadcast_in_dim3A_25 : vector<1000x1xf32>
    %sub3A_31 = vector.broadcast %add3A_30 : vector<1000x1xf32> to vector<1000x64xf32>
    %sub3A_32 = arith.subf %add3A_23, %sub3A_31 : vector<1000x64xf32>
    %swap3A = arith.constant 0 : index
    %swap3A_33 = arith.constant 0 : index
    %swap3A_34 = vector.load %arg5[%swap3A, %swap3A_33] : memref<1000x64xf32, #tpu.memory_space<vmem>>, vector<1000x64xf32>
    tpu.vector_store %arg5[%swap3A, %swap3A_33], %sub3A_32 {strides = array<i32>} : memref<1000x64xf32, #tpu.memory_space<vmem>>, vector<1000x64xf32>,
    return
  }
  func.func @transform_0(%arg0: i32) -> (i32, i32) {
    %c0_i32 = arith.constant 0 : i32
    %c0_i32_0 = arith.constant 0 : i32
    return %arg0, %c0_i32 : i32, i32
  }
  func.func @transform_1(%arg0: i32) -> (i32, i32) {
    %c0_i32 = arith.constant 0 : i32
    %c0_i32_0 = arith.constant 0 : i32
    return %arg0, %c0_i32 : i32, i32
  }
  func.func @transform_2(%arg0: i32) -> (i32, i32) {
    %c0_i32 = arith.constant 0 : i32
    %c0_i32_0 = arith.constant 0 : i32
    return %arg0, %c0_i32 : i32, i32
  }
  func.func @transform_3(%arg0: i32) -> (i32, i32) {
    %c0_i32 = arith.constant 0 : i32
    %c0_i32_0 = arith.constant 0 : i32
    %c0_i32_1 = arith.constant 0 : i32
    return %c0_i32, %c0_i32_0 : i32, i32
  }
  func.func @transform_4(%arg0: i32) -> (i32, i32) {
    %c0_i32 = arith.constant 0 : i32
    %c0_i32_0 = arith.constant 0 : i32
    return %arg0, %c0_i32 : i32, i32
  }
}

</mosaic_0001>

<sc_bundles>
// kernel: kernel.11.cloned.1.call-start
scs
__scs_entry_jumppad:
0x0: {  	(pc) =	sbr.rel $0x88, $3  }
0x1: {  	(tag) =	ssettag $0x0;
	lr =	simm.s32 $0x1  }
0x2: {  	[smem:$0x3F9B] =	sst lr;
	_ =	strace $0xD0000000  }
0x3: {  	_ = 	snop  }
0x4: {  	_ = 	snop  }
0x5: {  	_ = 	snop  }
0x6: {  	_ = 	snop  }
0x7: {  	_ = 	snop  }
__scs_overlays_trampoline_lowered:
0x8: {  	[smem:$0x3FAA] =	sst s0  }
0x9: {  	[smem:$0x3FAB] =	sst s1  }
0xa: {  	[smem:$0x3FAC] =	sst s2  }
0xb: {  	[smem:$0x3FAD] =	sst s3  }
0xc: {  	[smem:$0x3FAE] =	sst s4  }
0xd: {  	[smem:$0x3FAF] =	sst s5  }
0xe: {  	[smem:$0x3FB0] =	sst s6  }
0xf: {  	[smem:$0x3FB1] =	sst s7  }
0x10: {  	[smem:$0x3FB2] =	sst s8  }
0x11: {  	[smem:$0x3FB3] =	sst s9;
	s0 =	simm.s32 @!p0 $0x0  }
0x12: {  	s1 =	sld [smem:$0x3F99];
	s0 =	simm.s32 @p0 $0x1  }
0x13: {  	[smem:$0x3FB4] =	sst s0;
	s0 =	simm.s32 @!p1 $0x0  }
0x14: {  	s2 =	sld [smem:$0x3F98];
	s0 =	simm.s32 @p1 $0x1  }
0x15: {  	[smem:$0x3FB5] =	sst s0;
	s0 =	simm.s32 @!p2 $0x0  }
0x16: {  	s3 =	sld [smem:$0x3FDB];
	s0 =	simm.s32 @p2 $0x1  }
0x17: {  	s4 =	simm.s32 $0x1BF5;
	[smem:$0x3FB7] =	sst s0  }
0x18: {  	s0 =	sld [smem:$0x3F9A];
	_ =	swait.ge [sflag:s4], $0x0  }
0x19: {  	s7 =	sld [smem:$0x3F9B]  }
0x1a: {  	s8 =	sadd.s32 $0xFFFFE003, lr  }
0x1b: {  	s9 =	sadd.s32 $0xFFFFFEF7, lr;
	s5 =	simm.s32 $0xFFFFFFFF;
	p2 =	slt.u32 s8, $0xFFFFF086  }
0x1c: {  	p1 =	slt.u32 s9, $0xF7A;
	s5 =	simm.s32 @!p2 $0x0  }
0x1d: {  	s5 =	simm.s32 @p1 $0x1;
	p0 =	seq.s32 s7, s2  }
0x1e: {  	s7 =	smul.u32 @!p0 $0xF7A, s2;
	p2 =	seq.s32 @!p0 s5, $0x0  }
0x1f: {  	s9 =	smul.u32 $0xF7A, s1;
	s8 =	simm.s32 @!p0 $0x1BF5;
	p2 =	por !p2, p0  }
0x20: {  	[sflag:s8] =	ssyncset.s32 @!p0 $0xFFFFF086;
	s6 =	sadd.s32 @!p0 s3, s7;
	s7 =	simm.s32 @!p0 $0x108  }
0x21: {  	s3 =	sadd.s32 s3, s9;
	s6 =	sadd.s32 @!p0 $0x88, s6;
	s7 =	simm.s32 @p2 $0x1082  }
0x22: {  	[simem:s7], [sflag:s8] =	dma.local @!p0 [hbm:s6], $0xF7A  }
0x23: {  	s9 =	sor.u32 $0xD0000000, s2;
	s6 =	simm.s32 $0x108;
	_ =	swait.ge @!p0 [sflag:s8], $0x0  }
0x24: {  	s3 =	sadd.s32 $0x88, s3;
	s6 =	simm.s32 @!p1 $0x1082;
	[sflag:s4] =	ssyncset.s32 $0xFFFFF086  }
0x25: {  	[simem:s6], [sflag:s4] =	dma.local [hbm:s3], $0xF7A  }
0x26: {  	[smem:$0x3F9B] =	sst s1;
	(tag) =	ssettag s2;
	_ =	strace s9  }
0x27: {  	s1 =	sld [smem:$0x3FAB]  }
0x28: {  	s2 =	sld [smem:$0x3FAC]  }
0x29: {  	s4 =	sld [smem:$0x3FAE]  }
0x2a: {  	p0 =	seq.s32 s5, $0x0;
	s5 =	sld [smem:$0x3FAF]  }
0x2b: {  	s6 =	sld [smem:$0x3FB0]  }
0x2c: {  	s7 =	sld [smem:$0x3FB1]  }
0x2d: {  	s3 =	simm.s32 $0x108;
	s8 =	sld [smem:$0x3FB2]  }
0x2e: {  	s3 =	simm.s32 @!p0 $0x1082;
	s9 =	sld [smem:$0x3FB3]  }
0x2f: {  	lr =	sadd.s32 s0, s3;
	s0 =	sld [smem:$0x3FAA]  }
0x30: {  	s3 =	sld [smem:$0x3FAD]  }
0x31: {  	[smem:$0x3FB6] =	sst s10  }
0x32: {  	s10 =	sld [smem:$0x3FB4];
	_ =	sdelay $0x3  }
0x33: {  	p0 =	seq.s32 s10, $0x1;
	s10 =	sld [smem:$0x3FB6];
	_ =	sdelay $0x3  }
0x34: {  	[smem:$0x3FB6] =	sst s10  }
0x35: {  	s10 =	sld [smem:$0x3FB5];
	_ =	sdelay $0x3  }
0x36: {  	p1 =	seq.s32 s10, $0x1;
	s10 =	sld [smem:$0x3FB6];
	_ =	sdelay $0x3  }
0x37: {  	[smem:$0x3FB6] =	sst s10  }
0x38: {  	s10 =	sld [smem:$0x3FB7]  }
0x39: {  	_ = 	snop;
	(pc) =	sbr.ind lr, $3  }
0x3a: {  	_ = 	snop  }
0x3b: {  	_ = 	snop  }
0x3c: {  	p2 =	seq.s32 s10, $0x1;
	s10 =	sld [smem:$0x3FB6]  }
0x3d: {  	_ =	shalt  }
0x3e: {  	_ =	shalt  }
0x3f: {  	_ =	shalt  }
0x40: {  	_ =	shalt  }
0x41: {  	_ =	shalt  }
0x42: {  	_ =	shalt  }
0x43: {  	_ =	shalt  }
0x44: {  	_ =	shalt  }
0x45: {  	_ =	shalt  }
0x46: {  	_ =	shalt  }
0x47: {  	_ =	shalt  }
0x48: {  	_ =	shalt  }
0x49: {  	_ =	shalt  }
0x4a: {  	_ =	shalt  }
0x4b: {  	_ =	shalt  }
0x4c: {  	_ =	shalt  }
0x4d: {  	_ =	shalt  }
0x4e: {  	_ =	shalt  }
0x4f: {  	_ =	shalt  }
0x50: {  	_ =	shalt  }
0x51: {  	_ =	shalt  }
0x52: {  	_ =	shalt  }
0x53: {  	_ =	shalt  }
0x54: {  	_ =	shalt  }
0x55: {  	_ =	shalt  }
0x56: {  	_ =	shalt  }
0x57: {  	_ =	shalt  }
0x58: {  	_ =	shalt  }
0x59: {  	_ =	shalt  }
0x5a: {  	_ =	shalt  }
0x5b: {  	_ =	shalt  }
0x5c: {  	_ =	shalt  }
0x5d: {  	_ =	shalt  }
0x5e: {  	_ =	shalt  }
0x5f: {  	_ =	shalt  }
0x60: {  	_ =	shalt  }
0x61: {  	_ =	shalt  }
0x62: {  	_ =	shalt  }
0x63: {  	_ =	shalt  }
0x64: {  	_ =	shalt  }
0x65: {  	_ =	shalt  }
0x66: {  	_ =	shalt  }
0x67: {  	_ =	shalt  }
0x68: {  	_ =	shalt  }
0x69: {  	_ =	shalt  }
0x6a: {  	_ =	shalt  }
0x6b: {  	_ =	shalt  }
0x6c: {  	_ =	shalt  }
0x6d: {  	_ =	shalt  }
0x6e: {  	_ =	shalt  }
0x6f: {  	_ =	shalt  }
0x70: {  	_ =	shalt  }
0x71: {  	_ =	shalt  }
0x72: {  	_ =	shalt  }
0x73: {  	_ =	shalt  }
0x74: {  	_ =	shalt  }
0x75: {  	_ =	shalt  }
0x76: {  	_ =	shalt  }
0x77: {  	_ =	shalt  }
0x78: {  	_ =	shalt  }
0x79: {  	_ =	shalt  }
0x7a: {  	_ =	shalt  }
0x7b: {  	_ =	shalt  }
0x7c: {  	_ =	shalt  }
0x7d: {  	_ =	shalt  }
0x7e: {  	_ =	shalt  }
0x7f: {  	_ =	shalt  }
0x80: {  	_ =	shalt  }
0x81: {  	_ =	shalt  }
0x82: {  	_ =	shalt  }
0x83: {  	_ =	shalt  }
0x84: {  	_ =	shalt  }
0x85: {  	_ =	shalt  }
0x86: {  	_ =	shalt  }
0x87: {  	_ =	shalt  }
.Lfunc_end0:
.L_simem_size_0:
called_computation.1_lowered:
.L_overlay_start_0:
0x88: {  	s2 =	sld [smem:$0x3FD9]  }
0x89: {  	s3 =	sld [smem:$0x3FFE];
	_ =	sdelay $0x1  }
0x8a: {  	s1 =	srdreg.scid  }
0x8b: {  	s0 =	sand.u32 $0x1, s1  }
0x8c: {  	s16 =	sshll.u32 s0, $0xA;
	s2 =	sadd.s32 s3, s2  }
0x8d: {  	s2 =	sadd.s32 s2, s16  }
0x8e: {  	[smem:$0x3FC2] =	sst s2  }
0x8f: {  	_ = 	snop  }
0x90: {  	(tm) =	ssettm $0x1  }
0x91: {  	s17 =	sld [smem:$0x3FFB];
	_ =	sdelay $0x3  }
0x92: {  	_ =	strace s17  }
0x93: {  	s2 =	sld [smem:$0x3FFC];
	_ =	sdelay $0x3  }
0x94: {  	_ =	strace s2  }
0x95: {  	s2 =	sld [smem:$0x3FFD];
	_ =	sdelay $0x3  }
0x96: {  	_ =	strace s2  }
0x97: {  	_ =	strace $0x8FFFFFFF  }
0x98: {  	s18 =	sld [smem:$0x3FDB];
	_ =	sdelay $0x1  }
0x99: {  	s19 =	simm.s32 $_scs_section_size  }
0x9a: {  	s4 =	simm.s32 $_size__tile_overlayer_lowered;
	s5 =	simm.s32 $_tile_overlayer_lowered  }
0x9b: {  	s22 =	simm.s32 $0x1BFF;
	s21 =	sshll.u32 s5, $0x1;
	s2 =	sadd.s32 s19, s18  }
0x9c: {  	s6 =	simm.s32 $0x0;
	s20 =	sshll.u32 s4, $0x1;
	s4 =	sadd.s32 s21, s2  }
0x9d: {  	[timem:s6], [sflag:s22] =	dma.local [hbm:s4], s20  }
0x9e: {  	_ =	swait.ge [sflag:s22], s20  }
0x9f: {  	s3 =	ssub.s32 $0x0, s20;
	[sflag:s22] =	ssyncset.done $0x0  }
0xa0: {  	[sflag:s22] =	ssyncadd.s32 s3;
	_ =	sdelay $0x1  }
0xa1: {  	s23 =	simm.s32 $0x1B8B  }
0xa2: {  	_ =	swait.ge [sflag:s23], $0x1  }
0xa3: {  	[sflag:s23] =	ssyncset.done $0x0  }
0xa4: {  	s25 =	simm.s32 $0x1B8E;
	s24 =	sld [smem:$0x3FFE];
	[sflag:s23] =	ssyncadd.s32 $0xFFFFFFFF  }
0xa5: {  	s26 =	simm.s32 $execute0_lowered;
	[smem:$0x3FD2] =	sst s25  }
0xa6: {  	s4 =	sshll.u32 s26, $0x1;
	_ =	strace $0x80000049;
	[dreg:$0x1] =	wrdreg $0xFFFFFFFF  }
0xa7: {  	s28 =	simm.s32 $_size_execute0_lowered;
	s2 =	sadd.s32 s2, s4;
	[dreg:$0x0] =	wrdreg $0x0  }
0xa8: {  	s4 =	sshll.u32 s28, $0x1;
	[dreg:$0x2] =	wrdreg s2  }
0xa9: {  	[dreg:$0x3] =	wrdreg s4  }
0xaa: {  	[dreg:$0x4] =	wrdreg $0xC0  }
0xab: {  	_ =	task [dreg:s6], $0x5FFFF  }
0xac: {  	[dreg:$0x1] =	wrdreg $0xFFFFFFFF  }
0xad: {  	[dreg:$0x0] =	wrdreg $0x60  }
0xae: {  	[dreg:$0x2] =	wrdreg s24  }
0xaf: {  	[dreg:$0x3] =	wrdreg $0x15B800  }
0xb0: {  	[dreg:$0x4] =	wrdreg $0x9  }
0xb1: {  	_ =	task.clear_ibuf [dreg:s6], $0x5FFFF;
	_ =	strace $0x90000049  }
0xb2: {  	s29 =	simm.s32 $0x9;
	_ =	strace $0x8000004B  }
0xb3: {  	_ =	swait.ge [sflag:s29], $0x1  }
0xb4: {  	[sflag:s29] =	ssyncadd.s32 $0xFFFFFFFF  }
0xb5: {  	_ =	strace $0x9000004B  }
0xb6: {  	_ =	sfence  }
0xb7: {  	s30 =	sld [smem:$0x0];
	_ =	sdelay $0x2  }
0xb8: {  	s31 =	sshll.u32 s1, $0xD;
	s1 =	sshrl.u32 s1, $0x2  }
0xb9: {  	s3 =	sand.u32 $0x4000, s31;
	s1 =	sadd.s32 s1, s30  }
0xba: {  	s0 =	sor.u32 s3, s0;
	s1 =	sshll.u32 s1, $0x11  }
0xbb: {  	s0 =	sor.u32 s1, s0  }
0xbc: {  	s0 =	sadd.s32 $0x8F2B, s0  }
0xbd: {  	[sflag:s0] =	ssyncadd.remote.s32 $0x1  }
0xbe: {  	_ =	sfence.sel $0xFFFF  }
0xbf: {  	[dreg:$0x0] =	wrdreg $0xFFFFFFFF;
	(pc) =	sbr.abs _section_cstart, $3  }
0xc0: {  	[dreg:$0x1] =	wrdreg $0xFFFFFFFF  }
0xc1: {  	_ =	task.clear_ibuf [dreg:s6], $0x2FFFF;
	_ =	strace $0x9FFFFFFF  }
0xc2: {  	(tm) =	ssettm $0x7FFFFFFF  }
0xc3: {  	_ =	shalt  }
tec
execute0_lowered:
.L_overlay_start_1:
0x0: {  	(tag) =	ssettag $0x1  }
0x1: {  	s0 =	rddreg [dreg:$0x0];
	s1 =	srdreg.scid  }
0x2: {  	s2 =	rddreg [dreg:$0x1];
	s7 =	stileid.u32  }
0x3: {  	s3 =	simm.s32 $0x0;
	s14 =	simm.s32 $0x13C40;
	s15 =	simm.s32 $0xB  }
0x4: {  	s16 =	simm.s32 $0x5000;
	s17 =	simm.s32 $0x7D;
	s18 =	simm.s32 $0xA000  }
0x5: {  	s30 =	simm.s32 $0x11D00;
	s31 =	simm.s32 $0x3;
	s5 =	smul.u32 $0xA00, s7  }
0x6: {  	s28 =	simm.s32 $0x7;
	s19 =	simm.s32 $0x9;
	s6 =	smul.u32 $0x13880, s7  }
0x7: {  	s1 =	sand.u32 $0x1, s1;
	[smem:$0x7FF] =	sst s3;
	s7 =	smul.u32 $0x27100, s7  }
0x8: {  	s29 =	simm.s32 $0xA;
	s4 =	smul.u32 $0x13880, s1;
	_ =	strace $0x8000004A  }
0x9: {  	s20 =	sshll.u32 s1, $0x6;
	s1 =	ssub.s32 $0x2, s1;
	s5 =	sadd.s32 s5, s0  }
0xa: {  	s21 =	sshrl.u32 s7, $0x2;
	s8 =	sshrl.u32 s1, $0x1;
	s11 =	sadd.s32 s4, s0  }
0xb: {  	s4 =	sor.u32 s20, s6;
	s1 =	ssub.s32 s1, s8;
	s26 =	sadd.s32 $0xBA00, s5  }
0xc: {  	s5 =	sadd.s32 $0x1A00, s5;
	s20 =	simm.s32 $0xBF40;
	[dreg:$0x7] =	wrdreg s26  }
0xd: {  	s22 =	sshrl.u32 s4, $0x3;
	s4 =	sadd.s32 s21, s2;
	[dreg:$0x8] =	wrdreg s5  }
0xe: {  	s11 =	sadd.s32 $0x15A00, s11;
	s13 =	smax.u32 s1, $0x1;
	s26 =	simm.s32 $0x2  }
0xf: {  	s1 =	simm.s32 $0x6;
	s21 =	simm.s32 $0x4;
	s6 =	sadd.s32 $0x1F40, s4  }
.Ltmp0:
0x10: {  	s23 =	sadd.s32 $0x3E80, s4;
	[dreg:$0x3] =	wrdreg s6;
	(pc) =	sbr.rel .LBB2_1-.Ltmp0, $4  }
0x11: {  	s0 =	sadd.s32 s22, s0;
	s24 =	sadd.s32 $0x5DC0, s4;
	[dreg:$0x4] =	wrdreg s23  }
0x12: {  	s25 =	sadd.s32 $0x7D00, s4;
	s22 =	simm.s32 $0xDE80;
	[dreg:$0x5] =	wrdreg s24  }
0x13: {  	[dreg:$0x6] =	wrdreg s25;
	s12 =	sadd.s32 $0x3CC00, s0;
	s23 =	simm.s32 $0x1  }
0x14: {  	v0 =	vimm.f32 $0.0e+00;
	s25 =	simm.s32 $0xFDC0;
	s0 =	simm.s32 $0x5;
	s24 =	simm.s32 $0x8  }
.LBB2_6:
0x15: {  	_ =	swait.ge [sflag:s1], $0x1F40  }
0x16: {  	[sflag:s1] =	ssyncset.done $0x0  }
0x17: {  	[sflag:s1] =	ssyncadd.s32 $0xFFFFE0C0  }
0x18: {  	_ =	swait.ge [sflag:s28], $0x1F40  }
0x19: {  	[sflag:s28] =	ssyncset.done $0x0  }
0x1a: {  	[sflag:s28] =	ssyncadd.s32 $0xFFFFE0C0  }
0x1b: {  	_ =	swait.ge [sflag:s24], $0x1F40  }
0x1c: {  	[sflag:s24] =	ssyncset.done $0x0  }
0x1d: {  	[sflag:s24] =	ssyncadd.s32 $0xFFFFE0C0  }
0x1e: {  	_ =	swait.ge [sflag:s19], $0x1F40  }
0x1f: {  	[sflag:s19] =	ssyncset.done $0x0  }
0x20: {  	[sflag:s19] =	ssyncadd.s32 $0xFFFFE0C0  }
0x21: {  	s5 =	stileid.u32;
	s6 =	sshrl.u32 s4, $0x3;
	_ =	swait.ge [sflag:s29], $0x1F40  }
0x22: {  	s7 =	simm.s32 $0x10;
	s3 =	sadd.s32 $0x1, s3;
	[sflag:s29] =	ssyncset.done $0x0  }
0x23: {  	s5 =	sshll.u32 s5, $0x6;
	p0 =	sne.s32 s3, s13;
	[sflag:s29] =	ssyncadd.s32 $0xFFFFE0C0  }
.Ltmp1:
0x24: {  	s5 =	sor.u32 $0x1C0B, s5;
	[bflag:$0x0] =	sbarrier.arrive $0xFFFF;
	(pc) =	sbr.rel @!p0 .LBB2_7-.Ltmp1, $4  }
0x25: {  	[hbm:s12@s7], [sflag:s5] =	dma.strided [spmem:s6@s24], $0x1388, s23, $0x8   }
0x26: {  	_ =	swait.ge [sflag:s15], $0x1388  }
0x27: {  	[sflag:s15] =	ssyncset.done $0x0  }
0x28: {  	[sflag:s15] =	ssyncadd.s32 $0xFFFFEC78  }
.LBB2_1:
0x29: {  	s6 =	simm.s32 $0x100;
	s5 =	simm.s32 $0x0  }
.LBB2_2:
0x2a: {  	p0 =	sne.s32 s6, $0x7C00;
	[tilespmem:s5+$0x13C70] =	vst v0;
	s7 =	smov.u32 s6;
	s6 =	sadd.s32 $0x100, s6  }
.Ltmp2:
0x2b: {  	[tilespmem:s5+$0x13C60] =	vst v0;
	(pc) =	sbr.rel @p0 .LBB2_2-.Ltmp2, $3  }
0x2c: {  	[tilespmem:s5+$0x13C40] =	vst v0  }
0x2d: {  	[tilespmem:s5+$0x13C50] =	vst v0;
	_ =	sdelay $0x1  }
0x2e: {  	s5 =	sshra.s32 s7, $0x2  }
0x2f: {  	[tilespmem:s5+$0x13C70] =	vst v0  }
0x30: {  	[tilespmem:s5+$0x13C60] =	vst v0  }
0x31: {  	[tilespmem:s5+$0x13C40] =	vst v0  }
0x32: {  	[tilespmem:s5+$0x13C50] =	vst v0  }
0x33: {  	[spmem:s4] =	stream.linear.scatter [tilespmem:s14], [sflag:$0xB], $0x1F40, $0x38;
	[tilespmem:$0x1F7C0] =	vst v63  }
0x34: {  	_ =	swait.ge [sflag:s15], $0x1F40  }
0x35: {  	[sflag:s15] =	ssyncset.done $0x0  }
0x36: {  	s8 =	rddreg [dreg:$0x3];
	[sflag:s15] =	ssyncadd.s32 $0xFFFFE0C0  }
0x37: {  	[spmem:s8] =	stream.linear.scatter [tilespmem:s14], [sflag:$0xB], $0x1F40, $0x38;
	[tilespmem:$0x1F7C0] =	vst v63  }
0x38: {  	_ =	swait.ge [sflag:s15], $0x1F40  }
0x39: {  	[sflag:s15] =	ssyncset.done $0x0  }
0x3a: {  	s9 =	rddreg [dreg:$0x4];
	[sflag:s15] =	ssyncadd.s32 $0xFFFFE0C0  }
0x3b: {  	[spmem:s9] =	stream.linear.scatter [tilespmem:s14], [sflag:$0xB], $0x1F40, $0x38;
	[tilespmem:$0x1F7C0] =	vst v63  }
0x3c: {  	_ =	swait.ge [sflag:s15], $0x1F40  }
0x3d: {  	[sflag:s15] =	ssyncset.done $0x0  }
0x3e: {  	s10 =	rddreg [dreg:$0x5];
	[sflag:s15] =	ssyncadd.s32 $0xFFFFE0C0  }
0x3f: {  	[spmem:s10] =	stream.linear.scatter [tilespmem:s14], [sflag:$0xB], $0x1F40, $0x38;
	[tilespmem:$0x1F7C0] =	vst v63  }
0x40: {  	_ =	swait.ge [sflag:s15], $0x1F40  }
0x41: {  	[sflag:s15] =	ssyncset.done $0x0  }
0x42: {  	s6 =	rddreg [dreg:$0x6];
	[sflag:s15] =	ssyncadd.s32 $0xFFFFE0C0  }
0x43: {  	[spmem:s6] =	stream.linear.scatter [tilespmem:s14], [sflag:$0xB], $0x1F40, $0x38;
	[tilespmem:$0x1F7C0] =	vst v63  }
0x44: {  	_ =	swait.ge [sflag:s15], $0x1F40  }
0x45: {  	[sflag:s15] =	ssyncset.done $0x0  }
0x46: {  	s5 =	simm.s32 $0x0;
	s6 =	rddreg [dreg:$0x7];
	[sflag:s15] =	ssyncadd.s32 $0xFFFFE0C0  }
0x47: {  	[tilespmem:s5], [sflag:$0xB] =	stream.linear.gather [hbm4b:s6+s5], $0x5000, $0x38;
	[tilespmem:$0x1F7C0] =	vst v63  }
0x48: {  	_ =	swait.ge [sflag:s15], $0x5000  }
0x49: {  	[sflag:s15] =	ssyncset.done $0x0  }
0x4a: {  	s7 =	rddreg [dreg:$0x8];
	[sflag:s15] =	ssyncadd.s32 $0xFFFFB000  }
0x4b: {  	[tilespmem:s16], [sflag:$0xB] =	stream.linear.gather [hbm4b:s7+s5], $0x5000, $0x38;
	[tilespmem:$0x1F7C0] =	vst v63  }
0x4c: {  	_ =	swait.ge [sflag:s15], $0x5000  }
0x4d: {  	[sflag:s15] =	ssyncset.done $0x0  }
0x4e: {  	[sflag:s15] =	ssyncadd.s32 $0xFFFFB000  }
0x4f: {  	[bflag:$0x0] =	sbarrier.arrive $0xFFFF  }
0x50: {  	[tilespmem:s18], [sflag:$0x1] =	stream.indirect.gather [hbm4b:s11+s17], $0x40, s5, s17, $0xb8;
	[tilespmem:$0x1F7C0] =	vst v63  }
0x51: {  	s8 =	simm.s32 $0x80  }
0x52: {  	[tilespmem:s20], [sflag:$0x2] =	stream.indirect.gather [hbm4b:s11+s17], $0x40, s8, s17, $0xb8;
	[tilespmem:$0x1F7C0] =	vst v63  }
0x53: {  	s9 =	simm.s32 $0x100  }
0x54: {  	[tilespmem:s22], [sflag:$0x3] =	stream.indirect.gather [hbm4b:s11+s17], $0x40, s9, s17, $0xb8;
	[tilespmem:$0x1F7C0] =	vst v63  }
0x55: {  	_ =	swait.ge [sflag:s23], $0x1F40  }
0x56: {  	[sflag:s23] =	ssyncset.done $0x0  }
0x57: {  	[sflag:s23] =	ssyncadd.s32 $0xFFFFE0C0  }
0x58: {  	[spmem:s2] =	stream.indirect.scatter.add.f32 [tilespmem:s18], [sflag:$0x6], $0x40, s16, s17, $0xb8;
	[tilespmem:$0x1F7C0] =	vst v63  }
0x59: {  	s10 =	simm.s32 $0x180  }
0x5a: {  	[tilespmem:s25], [sflag:$0x4] =	stream.indirect.gather [hbm4b:s11+s17], $0x40, s10, s17, $0xb8;
	[tilespmem:$0x1F7C0] =	vst v63  }
0x5b: {  	_ =	swait.ge [sflag:s26], $0x1F40  }
0x5c: {  	[sflag:s26] =	ssyncset.done $0x0  }
0x5d: {  	s7 =	simm.s32 $0x5080;
	[sflag:s26] =	ssyncadd.s32 $0xFFFFE0C0  }
0x5e: {  	[spmem:s2] =	stream.indirect.scatter.add.f32 [tilespmem:s20], [sflag:$0x7], $0x40, s7, s17, $0xb8;
	[tilespmem:$0x1F7C0] =	vst v63  }
0x5f: {  	s8 =	simm.s32 $0x200  }
0x60: {  	[tilespmem:s30], [sflag:$0x5] =	stream.indirect.gather [hbm4b:s11+s17], $0x40, s8, s17, $0xb8;
	[tilespmem:$0x1F7C0] =	vst v63  }
0x61: {  	_ =	swait.ge [sflag:s31], $0x1F40  }
0x62: {  	[sflag:s31] =	ssyncset.done $0x0  }
0x63: {  	s9 =	simm.s32 $0x5100;
	[sflag:s31] =	ssyncadd.s32 $0xFFFFE0C0  }
0x64: {  	[spmem:s2] =	stream.indirect.scatter.add.f32 [tilespmem:s22], [sflag:$0x8], $0x40, s9, s17, $0xb8;
	[tilespmem:$0x1F7C0] =	vst v63  }
0x65: {  	_ =	swait.ge [sflag:s1], $0x1F40  }
0x66: {  	[sflag:s1] =	ssyncset.done $0x0  }
0x67: {  	s10 =	simm.s32 $0x280;
	[sflag:s1] =	ssyncadd.s32 $0xFFFFE0C0  }
0x68: {  	[tilespmem:s18], [sflag:$0x1] =	stream.indirect.gather [hbm4b:s11+s17], $0x40, s10, s17, $0xb8;
	[tilespmem:$0x1F7C0] =	vst v63  }
0x69: {  	_ =	swait.ge [sflag:s21], $0x1F40  }
0x6a: {  	[sflag:s21] =	ssyncset.done $0x0  }
0x6b: {  	s7 =	simm.s32 $0x5180;
	[sflag:s21] =	ssyncadd.s32 $0xFFFFE0C0  }
0x6c: {  	[spmem:s2] =	stream.indirect.scatter.add.f32 [tilespmem:s25], [sflag:$0x9], $0x40, s7, s17, $0xb8;
	[tilespmem:$0x1F7C0] =	vst v63  }
0x6d: {  	_ =	swait.ge [sflag:s28], $0x1F40  }
0x6e: {  	[sflag:s28] =	ssyncset.done $0x0  }
0x6f: {  	s8 =	simm.s32 $0x300;
	[sflag:s28] =	ssyncadd.s32 $0xFFFFE0C0  }
0x70: {  	[tilespmem:s20], [sflag:$0x2] =	stream.indirect.gather [hbm4b:s11+s17], $0x40, s8, s17, $0xb8;
	[tilespmem:$0x1F7C0] =	vst v63  }
0x71: {  	_ =	swait.ge [sflag:s0], $0x1F40  }
0x72: {  	[sflag:s0] =	ssyncset.done $0x0  }
0x73: {  	s9 =	simm.s32 $0x5200;
	[sflag:s0] =	ssyncadd.s32 $0xFFFFE0C0  }
0x74: {  	[spmem:s2] =	stream.indirect.scatter.add.f32 [tilespmem:s30], [sflag:$0xA], $0x40, s9, s17, $0xb8;
	[tilespmem:$0x1F7C0] =	vst v63  }
0x75: {  	_ =	swait.ge [sflag:s24], $0x1F40  }
0x76: {  	[sflag:s24] =	ssyncset.done $0x0  }
0x77: {  	s10 =	simm.s32 $0x380;
	[sflag:s24] =	ssyncadd.s32 $0xFFFFE0C0  }
0x78: {  	[tilespmem:s22], [sflag:$0x3] =	stream.indirect.gather [hbm4b:s11+s17], $0x40, s10, s17, $0xb8;
	[tilespmem:$0x1F7C0] =	vst v63  }
.LBB2_4:
0x79: {  	_ =	swait.ge [sflag:s23], $0x1F40  }
0x7a: {  	s6 =	sshra.s32 s5, $0x2;
	[sflag:s23] =	ssyncset.done $0x0  }
0x7b: {  	s7 =	sadd.s32 $0x5280, s6;
	[sflag:s23] =	ssyncadd.s32 $0xFFFFE0C0  }
0x7c: {  	[spmem:s2] =	stream.indirect.scatter.add.f32 [tilespmem:s18], [sflag:$0x6], $0x40, s7, s17, $0xb8;
	[tilespmem:$0x1F7C0] =	vst v63  }
0x7d: {  	_ =	swait.ge [sflag:s19], $0x1F40  }
0x7e: {  	[sflag:s19] =	ssyncset.done $0x0  }
0x7f: {  	s9 =	sadd.s32 $0x400, s6;
	[sflag:s19] =	ssyncadd.s32 $0xFFFFE0C0  }
0x80: {  	[tilespmem:s25], [sflag:$0x4] =	stream.indirect.gather [hbm4b:s11+s17], $0x40, s9, s17, $0xb8;
	[tilespmem:$0x1F7C0] =	vst v63  }
0x81: {  	_ =	swait.ge [sflag:s26], $0x1F40  }
0x82: {  	[sflag:s26] =	ssyncset.done $0x0  }
0x83: {  	s10 =	sadd.s32 $0x5300, s6;
	[sflag:s26] =	ssyncadd.s32 $0xFFFFE0C0  }
0x84: {  	[spmem:s2] =	stream.indirect.scatter.add.f32 [tilespmem:s20], [sflag:$0x7], $0x40, s10, s17, $0xb8;
	[tilespmem:$0x1F7C0] =	vst v63  }
0x85: {  	_ =	swait.ge [sflag:s29], $0x1F40  }
0x86: {  	[sflag:s29] =	ssyncset.done $0x0  }
0x87: {  	s8 =	sadd.s32 $0x480, s6;
	[sflag:s29] =	ssyncadd.s32 $0xFFFFE0C0  }
0x88: {  	[tilespmem:s30], [sflag:$0x5] =	stream.indirect.gather [hbm4b:s11+s17], $0x40, s8, s17, $0xb8;
	[tilespmem:$0x1F7C0] =	vst v63  }
0x89: {  	_ =	swait.ge [sflag:s31], $0x1F40  }
0x8a: {  	p0 =	seq.s32 s5, $0x12C00;
	[sflag:s31] =	ssyncset.done $0x0  }
0x8b: {  	s7 =	simm.s32 @p0 $0x4;
	s9 =	sadd.s32 $0x5380, s6;
	[sflag:s31] =	ssyncadd.s32 $0xFFFFE0C0  }
0x8c: {  	[spmem:s2] =	stream.indirect.scatter.add.f32 [tilespmem:s22], [sflag:$0x8], $0x40, s9, s17, $0xb8;
	[tilespmem:$0x1F7C0] =	vst v63  }
0x8d: {  	_ =	swait.ge @p0 [sflag:s7], $0x1F40  }
0x8e: {  	[sflag:s7] =	ssyncset.done @p0 $0x0  }
0x8f: {  	[sflag:s7] =	ssyncadd.s32 @p0 $0xFFFFE0C0;
	s7 =	sshra.s32 @p0 s5, $0x2  }
0x90: {  	s8 =	simm.s32 @p0 $0x7D;
	s9 =	simm.s32 @p0 $0xFDC0;
	s7 =	sadd.s32 @p0 $0x5400, s7  }
0x91: {  	[spmem:s2] =	stream.indirect.scatter.add.f32 @p0 [tilespmem:s9], [sflag:$0x9], $0x40, s7, s8, $0xb8;
	[tilespmem:$0x1F7C0] =	vst v63  }
0x92: {  	s7 =	simm.s32 @!p0 $0x6  }
0x93: {  	_ =	swait.ge @!p0 [sflag:s7], $0x1F40  }
0x94: {  	[sflag:s7] =	ssyncset.done @!p0 $0x0  }
0x95: {  	[sflag:s7] =	ssyncadd.s32 @!p0 $0xFFFFE0C0;
	s7 =	sshra.s32 @!p0 s5, $0x2  }
0x96: {  	s10 =	simm.s32 @!p0 $0xA000;
	s9 =	simm.s32 @!p0 $0x7D;
	s8 =	sadd.s32 @!p0 $0x500, s7  }
0x97: {  	[tilespmem:s10], [sflag:$0x1] =	stream.indirect.gather @!p0 [hbm4b:s11+s9], $0x40, s8, s9, $0xb8;
	[tilespmem:$0x1F7C0] =	vst v63  }
0x98: {  	s8 =	simm.s32 @!p0 $0x4  }
0x99: {  	_ =	swait.ge @!p0 [sflag:s8], $0x1F40  }
0x9a: {  	[sflag:s8] =	ssyncset.done @!p0 $0x0  }
0x9b: {  	s10 =	simm.s32 @!p0 $0xFDC0;
	[sflag:s8] =	ssyncadd.s32 @!p0 $0xFFFFE0C0;
	s8 =	sadd.s32 @!p0 $0x5400, s7  }
0x9c: {  	[spmem:s2] =	stream.indirect.scatter.add.f32 @!p0 [tilespmem:s10], [sflag:$0x9], $0x40, s8, s9, $0xb8;
	[tilespmem:$0x1F7C0] =	vst v63  }
0x9d: {  	s8 =	simm.s32 @!p0 $0x7  }
0x9e: {  	_ =	swait.ge @!p0 [sflag:s8], $0x1F40  }
0x9f: {  	[sflag:s8] =	ssyncset.done @!p0 $0x0  }
0xa0: {  	s7 =	sadd.s32 @!p0 $0x580, s7;
	[sflag:s8] =	ssyncadd.s32 @!p0 $0xFFFFE0C0;
	s8 =	simm.s32 @!p0 $0xBF40  }
0xa1: {  	[tilespmem:s8], [sflag:$0x2] =	stream.indirect.gather @!p0 [hbm4b:s11+s9], $0x40, s7, s9, $0xb8;
	[tilespmem:$0x1F7C0] =	vst v63  }
.Ltmp3:
0xa2: {  	_ = 	snop;
	(pc) =	sbr.rel @p0 .LBB2_6-.Ltmp3, $4  }
0xa3: {  	_ =	swait.ge [sflag:s0], $0x1F40  }
0xa4: {  	[sflag:s0] =	ssyncset.done $0x0  }
0xa5: {  	s10 =	sadd.s32 $0x5480, s6;
	[sflag:s0] =	ssyncadd.s32 $0xFFFFE0C0  }
0xa6: {  	[spmem:s2] =	stream.indirect.scatter.add.f32 [tilespmem:s30], [sflag:$0xA], $0x40, s10, s17, $0xb8;
	[tilespmem:$0x1F7C0] =	vst v63  }
.Ltmp4:
0xa7: {  	(pc) =	sbr.rel .LBB2_4-.Ltmp4, $4  }
0xa8: {  	_ =	swait.ge [sflag:s24], $0x1F40  }
0xa9: {  	[sflag:s24] =	ssyncset.done $0x0  }
0xaa: {  	s6 =	sadd.s32 $0x600, s6;
	s5 =	sadd.s32 $0xA00, s5;
	[sflag:s24] =	ssyncadd.s32 $0xFFFFE0C0  }
0xab: {  	[tilespmem:s22], [sflag:$0x3] =	stream.indirect.gather [hbm4b:s11+s17], $0x40, s6, s17, $0xb8;
	[tilespmem:$0x1F7C0] =	vst v63  }
.LBB2_7:
0xac: {  	_ =	sfence.sel $0x180000  }
0xad: {  	[bflag:$0x0] =	sbarrier.arrive $0xFFFF  }
0xae: {  	_ =	strace $0x9000004A  }
0xaf: {  	s0 =	stileid.u32;
	[bflag:$0x2] =	sbarrier.arrive $0xFFFF  }
0xb0: {  	p0 =	sne.s32 s0, $0x0;
	s0 =	rddreg [dreg:$0x2]  }
0xb1: {  	s0 =	sadd.s32 @!p0 $0x100000, s0  }
0xb2: {  	[sflag:s0] =	ssyncadd.tile.s32 @!p0 $0x1;
	_ =	shalt  }
.Lfunc_end2:
_tile_overlayer_lowered:
.L_overlay_start_2:
0xb3: {  	(tag) =	ssettag $0x2  }
0xb4: {  	s0 =	rddreg [dreg:$0x0];
	s2 =	stileid.u32  }
0xb5: {  	s1 =	rddreg [dreg:$0x1];
	p0 =	sne.s32 s2, $0x0  }
0xb6: {  	s3 =	rddreg [dreg:$0x2];
	[bflag:$0x3] =	sbarrier.arrive $0xFFFF;
	s2 =	simm.s32 @!p0 $0x1C0B  }
0xb7: {  	[timem:s3], [sflag:s2] =	dma.local @!p0 [hbm:s0], s1  }
0xb8: {  	s0 =	simm.s32 @!p0 $0xB  }
0xb9: {  	_ =	swait.ge @!p0 [sflag:s0], s1  }
0xba: {  	s1 =	ssub.s32 @!p0 $0x0, s1;
	[sflag:s0] =	ssyncset.done @!p0 $0x0  }
0xbb: {  	[sflag:s0] =	ssyncadd.s32 @!p0 s1  }
0xbc: {  	[bflag:$0x3] =	sbarrier.arrive $0xFFFF  }
0xbd: {  	_ =	shalt  }

// kernel: kernel.14.cloned.1.call-start
scs
__scs_entry_jumppad:
0x0: {  	(pc) =	sbr.rel $0x88, $3  }
0x1: {  	(tag) =	ssettag $0x0;
	lr =	simm.s32 $0x1  }
0x2: {  	[smem:$0x3F9B] =	sst lr;
	_ =	strace $0xD0000000  }
0x3: {  	_ = 	snop  }
0x4: {  	_ = 	snop  }
0x5: {  	_ = 	snop  }
0x6: {  	_ = 	snop  }
0x7: {  	_ = 	snop  }
__scs_overlays_trampoline_lowered:
0x8: {  	[smem:$0x3FAA] =	sst s0  }
0x9: {  	[smem:$0x3FAB] =	sst s1  }
0xa: {  	[smem:$0x3FAC] =	sst s2  }
0xb: {  	[smem:$0x3FAD] =	sst s3  }
0xc: {  	[smem:$0x3FAE] =	sst s4  }
0xd: {  	[smem:$0x3FAF] =	sst s5  }
0xe: {  	[smem:$0x3FB0] =	sst s6  }
0xf: {  	[smem:$0x3FB1] =	sst s7  }
0x10: {  	[smem:$0x3FB2] =	sst s8  }
0x11: {  	[smem:$0x3FB3] =	sst s9;
	s0 =	simm.s32 @!p0 $0x0  }
0x12: {  	s1 =	sld [smem:$0x3F99];
	s0 =	simm.s32 @p0 $0x1  }
0x13: {  	[smem:$0x3FB4] =	sst s0;
	s0 =	simm.s32 @!p1 $0x0  }
0x14: {  	s2 =	sld [smem:$0x3F98];
	s0 =	simm.s32 @p1 $0x1  }
0x15: {  	[smem:$0x3FB5] =	sst s0;
	s0 =	simm.s32 @!p2 $0x0  }
0x16: {  	s3 =	sld [smem:$0x3FDB];
	s0 =	simm.s32 @p2 $0x1  }
0x17: {  	s4 =	simm.s32 $0x1BF5;
	[smem:$0x3FB7] =	sst s0  }
0x18: {  	s0 =	sld [smem:$0x3F9A];
	_ =	swait.ge [sflag:s4], $0x0  }
0x19: {  	s7 =	sld [smem:$0x3F9B]  }
0x1a: {  	s8 =	sadd.s32 $0xFFFFE003, lr  }
0x1b: {  	s9 =	sadd.s32 $0xFFFFFEF7, lr;
	s5 =	simm.s32 $0xFFFFFFFF;
	p2 =	slt.u32 s8, $0xFFFFF086  }
0x1c: {  	p1 =	slt.u32 s9, $0xF7A;
	s5 =	simm.s32 @!p2 $0x0  }
0x1d: {  	s5 =	simm.s32 @p1 $0x1;
	p0 =	seq.s32 s7, s2  }
0x1e: {  	s7 =	smul.u32 @!p0 $0xF7A, s2;
	p2 =	seq.s32 @!p0 s5, $0x0  }
0x1f: {  	s9 =	smul.u32 $0xF7A, s1;
	s8 =	simm.s32 @!p0 $0x1BF5;
	p2 =	por !p2, p0  }
0x20: {  	[sflag:s8] =	ssyncset.s32 @!p0 $0xFFFFF086;
	s6 =	sadd.s32 @!p0 s3, s7;
	s7 =	simm.s32 @!p0 $0x108  }
0x21: {  	s3 =	sadd.s32 s3, s9;
	s6 =	sadd.s32 @!p0 $0x88, s6;
	s7 =	simm.s32 @p2 $0x1082  }
0x22: {  	[simem:s7], [sflag:s8] =	dma.local @!p0 [hbm:s6], $0xF7A  }
0x23: {  	s9 =	sor.u32 $0xD0000000, s2;
	s6 =	simm.s32 $0x108;
	_ =	swait.ge @!p0 [sflag:s8], $0x0  }
0x24: {  	s3 =	sadd.s32 $0x88, s3;
	s6 =	simm.s32 @!p1 $0x1082;
	[sflag:s4] =	ssyncset.s32 $0xFFFFF086  }
0x25: {  	[simem:s6], [sflag:s4] =	dma.local [hbm:s3], $0xF7A  }
0x26: {  	[smem:$0x3F9B] =	sst s1;
	(tag) =	ssettag s2;
	_ =	strace s9  }
0x27: {  	s1 =	sld [smem:$0x3FAB]  }
0x28: {  	s2 =	sld [smem:$0x3FAC]  }
0x29: {  	s4 =	sld [smem:$0x3FAE]  }
0x2a: {  	p0 =	seq.s32 s5, $0x0;
	s5 =	sld [smem:$0x3FAF]  }
0x2b: {  	s6 =	sld [smem:$0x3FB0]  }
0x2c: {  	s7 =	sld [smem:$0x3FB1]  }
0x2d: {  	s3 =	simm.s32 $0x108;
	s8 =	sld [smem:$0x3FB2]  }
0x2e: {  	s3 =	simm.s32 @!p0 $0x1082;
	s9 =	sld [smem:$0x3FB3]  }
0x2f: {  	lr =	sadd.s32 s0, s3;
	s0 =	sld [smem:$0x3FAA]  }
0x30: {  	s3 =	sld [smem:$0x3FAD]  }
0x31: {  	[smem:$0x3FB6] =	sst s10  }
0x32: {  	s10 =	sld [smem:$0x3FB4];
	_ =	sdelay $0x3  }
0x33: {  	p0 =	seq.s32 s10, $0x1;
	s10 =	sld [smem:$0x3FB6];
	_ =	sdelay $0x3  }
0x34: {  	[smem:$0x3FB6] =	sst s10  }
0x35: {  	s10 =	sld [smem:$0x3FB5];
	_ =	sdelay $0x3  }
0x36: {  	p1 =	seq.s32 s10, $0x1;
	s10 =	sld [smem:$0x3FB6];
	_ =	sdelay $0x3  }
0x37: {  	[smem:$0x3FB6] =	sst s10  }
0x38: {  	s10 =	sld [smem:$0x3FB7]  }
0x39: {  	_ = 	snop;
	(pc) =	sbr.ind lr, $3  }
0x3a: {  	_ = 	snop  }
0x3b: {  	_ = 	snop  }
0x3c: {  	p2 =	seq.s32 s10, $0x1;
	s10 =	sld [smem:$0x3FB6]  }
0x3d: {  	_ =	shalt  }
0x3e: {  	_ =	shalt  }
0x3f: {  	_ =	shalt  }
0x40: {  	_ =	shalt  }
0x41: {  	_ =	shalt  }
0x42: {  	_ =	shalt  }
0x43: {  	_ =	shalt  }
0x44: {  	_ =	shalt  }
0x45: {  	_ =	shalt  }
0x46: {  	_ =	shalt  }
0x47: {  	_ =	shalt  }
0x48: {  	_ =	shalt  }
0x49: {  	_ =	shalt  }
0x4a: {  	_ =	shalt  }
0x4b: {  	_ =	shalt  }
0x4c: {  	_ =	shalt  }
0x4d: {  	_ =	shalt  }
0x4e: {  	_ =	shalt  }
0x4f: {  	_ =	shalt  }
0x50: {  	_ =	shalt  }
0x51: {  	_ =	shalt  }
0x52: {  	_ =	shalt  }
0x53: {  	_ =	shalt  }
0x54: {  	_ =	shalt  }
0x55: {  	_ =	shalt  }
0x56: {  	_ =	shalt  }
0x57: {  	_ =	shalt  }
0x58: {  	_ =	shalt  }
0x59: {  	_ =	shalt  }
0x5a: {  	_ =	shalt  }
0x5b: {  	_ =	shalt  }
0x5c: {  	_ =	shalt  }
0x5d: {  	_ =	shalt  }
0x5e: {  	_ =	shalt  }
0x5f: {  	_ =	shalt  }
0x60: {  	_ =	shalt  }
0x61: {  	_ =	shalt  }
0x62: {  	_ =	shalt  }
0x63: {  	_ =	shalt  }
0x64: {  	_ =	shalt  }
0x65: {  	_ =	shalt  }
0x66: {  	_ =	shalt  }
0x67: {  	_ =	shalt  }
0x68: {  	_ =	shalt  }
0x69: {  	_ =	shalt  }
0x6a: {  	_ =	shalt  }
0x6b: {  	_ =	shalt  }
0x6c: {  	_ =	shalt  }
0x6d: {  	_ =	shalt  }
0x6e: {  	_ =	shalt  }
0x6f: {  	_ =	shalt  }
0x70: {  	_ =	shalt  }
0x71: {  	_ =	shalt  }
0x72: {  	_ =	shalt  }
0x73: {  	_ =	shalt  }
0x74: {  	_ =	shalt  }
0x75: {  	_ =	shalt  }
0x76: {  	_ =	shalt  }
0x77: {  	_ =	shalt  }
0x78: {  	_ =	shalt  }
0x79: {  	_ =	shalt  }
0x7a: {  	_ =	shalt  }
0x7b: {  	_ =	shalt  }
0x7c: {  	_ =	shalt  }
0x7d: {  	_ =	shalt  }
0x7e: {  	_ =	shalt  }
0x7f: {  	_ =	shalt  }
0x80: {  	_ =	shalt  }
0x81: {  	_ =	shalt  }
0x82: {  	_ =	shalt  }
0x83: {  	_ =	shalt  }
0x84: {  	_ =	shalt  }
0x85: {  	_ =	shalt  }
0x86: {  	_ =	shalt  }
0x87: {  	_ =	shalt  }
.Lfunc_end0:
.L_simem_size_0:
called_computation.2_lowered:
.L_overlay_start_0:
0x88: {  	s2 =	sld [smem:$0x3FD9]  }
0x89: {  	s3 =	sld [smem:$0x3FFE];
	_ =	sdelay $0x1  }
0x8a: {  	s1 =	srdreg.scid  }
0x8b: {  	s0 =	sand.u32 $0x1, s1  }
0x8c: {  	s17 =	sshll.u32 s0, $0xA;
	s2 =	sadd.s32 s3, s2  }
0x8d: {  	s2 =	sadd.s32 s2, s17  }
0x8e: {  	[smem:$0x3FC2] =	sst s2  }
0x8f: {  	_ = 	snop  }
0x90: {  	s2 =	sld [smem:$0x3FD0];
	(tm) =	ssettm $0x1  }
0x91: {  	s18 =	sld [smem:$0x3FFB];
	_ =	sdelay $0x3  }
0x92: {  	_ =	strace s18  }
0x93: {  	s3 =	sld [smem:$0x3FFC];
	_ =	sdelay $0x3  }
0x94: {  	_ =	strace s3  }
0x95: {  	s3 =	sld [smem:$0x3FFD];
	_ =	sdelay $0x3  }
0x96: {  	_ =	strace s3  }
0x97: {  	_ =	strace $0x8FFFFFFF  }
0x98: {  	s19 =	sld [smem:$0x3FDB];
	_ =	sdelay $0x1  }
0x99: {  	s4 =	simm.s32 $_scs_section_size  }
0x9a: {  	s5 =	simm.s32 $_size__tile_overlayer_lowered;
	s6 =	simm.s32 $_tile_overlayer_lowered  }
0x9b: {  	s22 =	simm.s32 $0x1BFF;
	s21 =	sshll.u32 s6, $0x1;
	s3 =	sadd.s32 s4, s19  }
0x9c: {  	s7 =	simm.s32 $0x0;
	s20 =	sshll.u32 s5, $0x1;
	s5 =	sadd.s32 s21, s3  }
0x9d: {  	[timem:s7], [sflag:s22] =	dma.local [hbm:s5], s20  }
0x9e: {  	_ =	swait.ge [sflag:s22], s20  }
0x9f: {  	s4 =	ssub.s32 $0x0, s20;
	[sflag:s22] =	ssyncset.done $0x0  }
0xa0: {  	[sflag:s22] =	ssyncadd.s32 s4;
	_ =	sdelay $0x1  }
0xa1: {  	s23 =	simm.s32 $0x1B8B  }
0xa2: {  	_ =	swait.ge [sflag:s23], $0x1  }
0xa3: {  	[sflag:s23] =	ssyncset.done $0x0  }
0xa4: {  	s25 =	simm.s32 $0x1B8E;
	s24 =	sld [smem:$0x3FFE];
	[sflag:s23] =	ssyncadd.s32 $0xFFFFFFFF  }
0xa5: {  	s26 =	simm.s32 $execute0_lowered;
	[smem:$0x3FD2] =	sst s25  }
0xa6: {  	s5 =	sshll.u32 s26, $0x1;
	_ =	strace $0x8000004C;
	[dreg:$0x1] =	wrdreg $0xFFFFFFFF  }
0xa7: {  	s28 =	simm.s32 $_size_execute0_lowered;
	s3 =	sadd.s32 s3, s5;
	[dreg:$0x0] =	wrdreg $0x0  }
0xa8: {  	s5 =	sshll.u32 s28, $0x1;
	[dreg:$0x2] =	wrdreg s3  }
0xa9: {  	[dreg:$0x3] =	wrdreg s5  }
0xaa: {  	[dreg:$0x4] =	wrdreg $0xC0  }
0xab: {  	_ =	task [dreg:s7], $0x5FFFF  }
0xac: {  	[dreg:$0x1] =	wrdreg $0xFFFFFFFF  }
0xad: {  	[dreg:$0x0] =	wrdreg $0x60  }
0xae: {  	[dreg:$0x2] =	wrdreg s2  }
0xaf: {  	[dreg:$0x3] =	wrdreg s24  }
0xb0: {  	[dreg:$0x4] =	wrdreg $0x14BE00  }
0xb1: {  	[dreg:$0x5] =	wrdreg $0x9  }
0xb2: {  	_ =	task.clear_ibuf [dreg:s7], $0x6FFFF;
	_ =	strace $0x9000004C  }
0xb3: {  	s29 =	simm.s32 $0x9;
	_ =	strace $0x8000004E  }
0xb4: {  	_ =	swait.ge [sflag:s29], $0x1  }
0xb5: {  	[sflag:s29] =	ssyncadd.s32 $0xFFFFFFFF  }
0xb6: {  	_ =	strace $0x9000004E  }
0xb7: {  	_ =	sfence  }
0xb8: {  	s30 =	sld [smem:$0x0];
	_ =	sdelay $0x2  }
0xb9: {  	s31 =	sshll.u32 s1, $0xD;
	s1 =	sshrl.u32 s1, $0x2  }
0xba: {  	s3 =	sand.u32 $0x4000, s31;
	s1 =	sadd.s32 s1, s30  }
0xbb: {  	s0 =	sor.u32 s3, s0;
	s1 =	sshll.u32 s1, $0x11  }
0xbc: {  	s0 =	sor.u32 s1, s0  }
0xbd: {  	s0 =	sadd.s32 $0x8F2B, s0  }
0xbe: {  	[sflag:s0] =	ssyncadd.remote.s32 $0x1  }
0xbf: {  	_ =	sfence.sel $0xFFFF  }
0xc0: {  	[dreg:$0x0] =	wrdreg $0xFFFFFFFF;
	(pc) =	sbr.abs _section_cstart, $3  }
0xc1: {  	[dreg:$0x1] =	wrdreg $0xFFFFFFFF  }
0xc2: {  	_ =	task.clear_ibuf [dreg:s7], $0x2FFFF;
	_ =	strace $0x9FFFFFFF  }
0xc3: {  	(tm) =	ssettm $0x7FFFFFFF  }
tec
execute0_lowered:
.L_overlay_start_1:
0x0: {  	(tag) =	ssettag $0x1  }
0x1: {  	s0 =	rddreg [dreg:$0x0]  }
0x2: {  	s1 =	rddreg [dreg:$0x1]  }
0x3: {  	s2 =	rddreg [dreg:$0x2];
	s3 =	stileid.u32;
	s13 =	simm.s32 $0x0  }
0x4: {  	s5 =	srdreg.scid;
	s15 =	simm.s32 $0x15;
	s28 =	simm.s32 $0x1  }
0x5: {  	s29 =	simm.s32 $0xEE20;
	s30 =	simm.s32 $0x2;
	s31 =	simm.s32 $0xFDC0  }
0x6: {  	s16 =	simm.s32 $0x4;
	s12 =	simm.s32 $0xF;
	s4 =	smul.u32 $0xA00, s3  }
0x7: {  	[smem:$0x7FF] =	sst s13;
	s5 =	sand.u32 $0x1, s5;
	s6 =	smul.u32 $0x13880, s3  }
0x8: {  	_ =	strace $0x8000004D;
	s17 =	sshll.u32 s5, $0x5;
	s8 =	ssub.s32 $0x2, s5  }
0x9: {  	s5 =	smul.u32 $0x9C40, s5;
	s7 =	sadd.s32 s4, s1;
	s4 =	sor.u32 s17, s6  }
0xa: {  	s6 =	sshrl.u32 s6, $0x2;
	s10 =	sshrl.u32 s8, $0x1;
	s17 =	simm.s32 $0x7D  }
0xb: {  	s9 =	sshrl.u32 s4, $0x3;
	s14 =	sadd.s32 s6, s2;
	s18 =	ssub.s32 s8, s10  }
0xc: {  	s23 =	sadd.s32 $0xBA00, s7;
	s24 =	sadd.s32 $0x1A00, s7;
	s11 =	sadd.s32 s0, s5  }
0xd: {  	s0 =	simm.s32 $0x3;
	s5 =	simm.s32 $0x8;
	[dreg:$0xa] =	wrdreg s23  }
0xe: {  	s6 =	simm.s32 $0xA;
	s1 =	sadd.s32 s9, s1;
	[dreg:$0xb] =	wrdreg s24  }
0xf: {  	s19 =	sadd.s32 $0xFA0, s14;
	s20 =	sadd.s32 $0x1F40, s14;
	[dreg:$0x5] =	wrdreg s14  }
0x10: {  	s21 =	sadd.s32 $0x2EE0, s14;
	s22 =	sadd.s32 $0x3E80, s14;
	[dreg:$0x6] =	wrdreg s19  }
0x11: {  	s26 =	smax.u32 s18, $0x1;
	s18 =	simm.s32 $0xA000;
	[dreg:$0x7] =	wrdreg s20  }
.Ltmp0:
0x12: {  	s24 =	simm.s32 $0xCEE0;
	[dreg:$0x8] =	wrdreg s21;
	(pc) =	sbr.rel .LBB2_1-.Ltmp0, $4  }
0x13: {  	s23 =	simm.s32 $0x12CA0;
	[dreg:$0x9] =	wrdreg s22;
	s25 =	sadd.s32 $0x15A00, s1  }
0x14: {  	[dreg:$0xd] =	wrdreg s26;
	s20 =	simm.s32 $0xAFA0;
	s22 =	simm.s32 $0xBF40  }
0x15: {  	s26 =	simm.s32 $0xDE80;
	s1 =	simm.s32 $0x10D60;
	s19 =	simm.s32 $0x11D00  }
0x16: {  	v0 =	vimm.f32 $0.0e+00;
	s21 =	simm.s32 $0x5;
	[dreg:$0xc] =	wrdreg s25;
	s25 =	simm.s32 $0x6  }
.LBB2_6:
0x17: {  	s3 =	simm.s32 $0xB  }
0x18: {  	_ =	swait.ge [sflag:s3], $0xFA0  }
0x19: {  	[sflag:s3] =	ssyncset.done $0x0  }
0x1a: {  	s8 =	simm.s32 $0xC;
	[sflag:s3] =	ssyncadd.s32 $0xFFFFF060  }
0x1b: {  	_ =	swait.ge [sflag:s8], $0xFA0  }
0x1c: {  	[sflag:s8] =	ssyncset.done $0x0  }
0x1d: {  	s9 =	simm.s32 $0xD;
	[sflag:s8] =	ssyncadd.s32 $0xFFFFF060  }
0x1e: {  	_ =	swait.ge [sflag:s9], $0xFA0  }
0x1f: {  	[sflag:s9] =	ssyncset.done $0x0  }
0x20: {  	s10 =	simm.s32 $0xE;
	[sflag:s9] =	ssyncadd.s32 $0xFFFFF060  }
0x21: {  	_ =	swait.ge [sflag:s10], $0xFA0  }
0x22: {  	[sflag:s10] =	ssyncset.done $0x0  }
0x23: {  	[sflag:s10] =	ssyncadd.s32 $0xFFFFF060  }
0x24: {  	_ =	swait.ge [sflag:s12], $0xFA0  }
0x25: {  	[sflag:s12] =	ssyncset.done $0x0  }
0x26: {  	s8 =	simm.s32 $0x10;
	[sflag:s12] =	ssyncadd.s32 $0xFFFFF060  }
0x27: {  	_ =	swait.ge [sflag:s8], $0xFA0  }
0x28: {  	[sflag:s8] =	ssyncset.done $0x0  }
0x29: {  	s13 =	simm.s32 $0x11;
	[sflag:s8] =	ssyncadd.s32 $0xFFFFF060  }
0x2a: {  	_ =	swait.ge [sflag:s13], $0xFA0  }
0x2b: {  	[sflag:s13] =	ssyncset.done $0x0  }
0x2c: {  	s14 =	simm.s32 $0x12;
	[sflag:s13] =	ssyncadd.s32 $0xFFFFF060  }
0x2d: {  	_ =	swait.ge [sflag:s14], $0xFA0  }
0x2e: {  	[sflag:s14] =	ssyncset.done $0x0  }
0x2f: {  	s4 =	simm.s32 $0x13;
	[sflag:s14] =	ssyncadd.s32 $0xFFFFF060  }
0x30: {  	_ =	swait.ge [sflag:s4], $0xFA0  }
0x31: {  	[sflag:s4] =	ssyncset.done $0x0  }
0x32: {  	s7 =	simm.s32 $0x14;
	[sflag:s4] =	ssyncadd.s32 $0xFFFFF060  }
0x33: {  	_ =	swait.ge [sflag:s7], $0xFA0  }
0x34: {  	[sflag:s7] =	ssyncset.done $0x0  }
0x35: {  	[sflag:s7] =	ssyncadd.s32 $0xFFFFF060  }
0x36: {  	s9 =	stileid.u32;
	[bflag:$0x0] =	sbarrier.arrive $0xFFFF  }
0x37: {  	s3 =	sshll.u32 s9, $0x6;
	s14 =	rddreg [dreg:$0x5]  }
0x38: {  	s3 =	sor.u32 $0x1C15, s3;
	s7 =	rddreg [dreg:$0xc];
	s4 =	sshrl.u32 s14, $0x3  }
0x39: {  	[hbm:s7@s8], [sflag:s3] =	dma.strided [spmem:s4@s16], $0x9C4, s28, $0x4   }
0x3a: {  	_ =	swait.ge [sflag:s15], $0x9C4  }
0x3b: {  	s13 =	rddreg [dreg:$0x4]  }
0x3c: {  	s10 =	rddreg [dreg:$0xd];
	s13 =	sadd.s32 $0x1, s13  }
0x3d: {  	p0 =	sne.s32 s13, s10  }
.Ltmp1:
0x3e: {  	_ = 	snop;
	(pc) =	sbr.rel @!p0 .LBB2_7-.Ltmp1, $3  }
0x3f: {  	_ =	sdelay $0x1  }
0x40: {  	[sflag:s15] =	ssyncset.done $0x0  }
0x41: {  	[sflag:s15] =	ssyncadd.s32 $0xFFFFF63C  }
.LBB2_1:
0x42: {  	[dreg:$0x4] =	wrdreg s13;
	s7 =	simm.s32 $0x80;
	s8 =	simm.s32 $0x0  }
.LBB2_2:
0x43: {  	p0 =	sne.s32 s7, $0x3E00;
	[tilespmem:s8+$0x13C40] =	vst v0;
	s9 =	smov.u32 s7;
	s7 =	sadd.s32 $0x80, s7  }
.Ltmp2:
0x44: {  	[tilespmem:s8+$0x13C50] =	vst v0;
	(pc) =	sbr.rel @p0 .LBB2_2-.Ltmp2, $2  }
0x45: {  	_ =	sdelay $0x2  }
0x46: {  	s8 =	sshra.s32 s9, $0x2  }
0x47: {  	[tilespmem:s8+$0x13C40] =	vst v0  }
0x48: {  	[tilespmem:s8+$0x13C50] =	vst v0;
	s4 =	simm.s32 $0x13C40  }
0x49: {  	[spmem:s14] =	stream.linear.scatter [tilespmem:s4], [sflag:$0x15], $0xFA0, $0x38;
	[tilespmem:$0x19A00] =	vst v63  }
0x4a: {  	_ =	swait.ge [sflag:s15], $0xFA0  }
0x4b: {  	[sflag:s15] =	ssyncset.done $0x0  }
0x4c: {  	s3 =	rddreg [dreg:$0x6];
	[sflag:s15] =	ssyncadd.s32 $0xFFFFF060  }
0x4d: {  	[spmem:s3] =	stream.linear.scatter [tilespmem:s4], [sflag:$0x15], $0xFA0, $0x38;
	[tilespmem:$0x19A00] =	vst v63  }
0x4e: {  	_ =	swait.ge [sflag:s15], $0xFA0  }
0x4f: {  	[sflag:s15] =	ssyncset.done $0x0  }
0x50: {  	s9 =	rddreg [dreg:$0x7];
	[sflag:s15] =	ssyncadd.s32 $0xFFFFF060  }
0x51: {  	[spmem:s9] =	stream.linear.scatter [tilespmem:s4], [sflag:$0x15], $0xFA0, $0x38;
	[tilespmem:$0x19A00] =	vst v63  }
0x52: {  	_ =	swait.ge [sflag:s15], $0xFA0  }
0x53: {  	[sflag:s15] =	ssyncset.done $0x0  }
0x54: {  	s10 =	rddreg [dreg:$0x8];
	[sflag:s15] =	ssyncadd.s32 $0xFFFFF060  }
0x55: {  	[spmem:s10] =	stream.linear.scatter [tilespmem:s4], [sflag:$0x15], $0xFA0, $0x38;
	[tilespmem:$0x19A00] =	vst v63  }
0x56: {  	_ =	swait.ge [sflag:s15], $0xFA0  }
0x57: {  	[sflag:s15] =	ssyncset.done $0x0  }
0x58: {  	s13 =	rddreg [dreg:$0x9];
	[sflag:s15] =	ssyncadd.s32 $0xFFFFF060  }
0x59: {  	[spmem:s13] =	stream.linear.scatter [tilespmem:s4], [sflag:$0x15], $0xFA0, $0x38;
	[tilespmem:$0x19A00] =	vst v63  }
0x5a: {  	_ =	swait.ge [sflag:s15], $0xFA0  }
0x5b: {  	[sflag:s15] =	ssyncset.done $0x0  }
0x5c: {  	s7 =	simm.s32 $0x0;
	s14 =	rddreg [dreg:$0xa];
	[sflag:s15] =	ssyncadd.s32 $0xFFFFF060  }
0x5d: {  	[tilespmem:s7], [sflag:$0x15] =	stream.linear.gather [hbm4b:s14+s7], $0x5000, $0x38;
	[tilespmem:$0x19A00] =	vst v63  }
0x5e: {  	_ =	swait.ge [sflag:s15], $0x5000  }
0x5f: {  	[sflag:s15] =	ssyncset.done $0x0  }
0x60: {  	s8 =	simm.s32 $0x5000;
	s4 =	rddreg [dreg:$0xb];
	[sflag:s15] =	ssyncadd.s32 $0xFFFFB000  }
0x61: {  	[tilespmem:s8], [sflag:$0x15] =	stream.linear.gather [hbm4b:s4+s7], $0x5000, $0x38;
	[tilespmem:$0x19A00] =	vst v63  }
0x62: {  	_ =	swait.ge [sflag:s15], $0x5000  }
0x63: {  	[sflag:s15] =	ssyncset.done $0x0  }
0x64: {  	[sflag:s15] =	ssyncadd.s32 $0xFFFFB000  }
0x65: {  	[bflag:$0x0] =	sbarrier.arrive $0xFFFF  }
0x66: {  	[tilespmem:s18], [sflag:$0x1] =	stream.indirect.gather [hbm4b:s11+s17], $0x20, s7, s17, $0xb8;
	[tilespmem:$0x19A00] =	vst v63  }
0x67: {  	s9 =	simm.s32 $0x80  }
0x68: {  	[tilespmem:s20], [sflag:$0x2] =	stream.indirect.gather [hbm4b:s11+s17], $0x20, s9, s17, $0xb8;
	[tilespmem:$0x19A00] =	vst v63  }
0x69: {  	s10 =	simm.s32 $0x100  }
0x6a: {  	[tilespmem:s22], [sflag:$0x3] =	stream.indirect.gather [hbm4b:s11+s17], $0x20, s10, s17, $0xb8;
	[tilespmem:$0x19A00] =	vst v63  }
0x6b: {  	s13 =	simm.s32 $0x180  }
0x6c: {  	[tilespmem:s24], [sflag:$0x4] =	stream.indirect.gather [hbm4b:s11+s17], $0x20, s13, s17, $0xb8;
	[tilespmem:$0x19A00] =	vst v63  }
0x6d: {  	s14 =	simm.s32 $0x200  }
0x6e: {  	[tilespmem:s26], [sflag:$0x5] =	stream.indirect.gather [hbm4b:s11+s17], $0x20, s14, s17, $0xb8;
	[tilespmem:$0x19A00] =	vst v63  }
.LBB2_4:
0x6f: {  	_ =	swait.ge [sflag:s28], $0xFA0  }
0x70: {  	s8 =	sshra.s32 s7, $0x2;
	[sflag:s28] =	ssyncset.done $0x0  }
0x71: {  	p0 =	seq.s32 s7, $0x0;
	s9 =	sadd.s32 $0x5000, s8;
	[sflag:s28] =	ssyncadd.s32 $0xFFFFF060  }
0x72: {  	[spmem:s2] =	stream.indirect.scatter.add.f32 [tilespmem:s18], [sflag:$0xB], $0x20, s9, s17, $0xb8;
	[tilespmem:$0x19A00] =	vst v63  }
0x73: {  	s9 =	simm.s32 @!p0 $0x10  }
0x74: {  	_ =	swait.ge @!p0 [sflag:s9], $0xFA0  }
0x75: {  	[sflag:s9] =	ssyncset.done @!p0 $0x0  }
0x76: {  	s13 =	sadd.s32 $0x280, s8;
	[sflag:s9] =	ssyncadd.s32 @!p0 $0xFFFFF060  }
0x77: {  	[tilespmem:s29], [sflag:$0x6] =	stream.indirect.gather [hbm4b:s11+s17], $0x20, s13, s17, $0xb8;
	[tilespmem:$0x19A00] =	vst v63  }
0x78: {  	_ =	swait.ge [sflag:s30], $0xFA0  }
0x79: {  	[sflag:s30] =	ssyncset.done $0x0  }
0x7a: {  	s14 =	sadd.s32 $0x5080, s8;
	s9 =	simm.s32 @!p0 $0x11;
	[sflag:s30] =	ssyncadd.s32 $0xFFFFF060  }
0x7b: {  	[spmem:s2] =	stream.indirect.scatter.add.f32 [tilespmem:s20], [sflag:$0xC], $0x20, s14, s17, $0xb8;
	[tilespmem:$0x19A00] =	vst v63  }
0x7c: {  	_ =	swait.ge @!p0 [sflag:s9], $0xFA0  }
0x7d: {  	[sflag:s9] =	ssyncset.done @!p0 $0x0  }
0x7e: {  	s3 =	sadd.s32 $0x300, s8;
	[sflag:s9] =	ssyncadd.s32 @!p0 $0xFFFFF060  }
0x7f: {  	[tilespmem:s31], [sflag:$0x7] =	stream.indirect.gather [hbm4b:s11+s17], $0x20, s3, s17, $0xb8;
	[tilespmem:$0x19A00] =	vst v63  }
0x80: {  	_ =	swait.ge [sflag:s0], $0xFA0  }
0x81: {  	[sflag:s0] =	ssyncset.done $0x0  }
0x82: {  	s4 =	sadd.s32 $0x5100, s8;
	s9 =	simm.s32 @!p0 $0x12;
	[sflag:s0] =	ssyncadd.s32 $0xFFFFF060  }
0x83: {  	[spmem:s2] =	stream.indirect.scatter.add.f32 [tilespmem:s22], [sflag:$0xD], $0x20, s4, s17, $0xb8;
	[tilespmem:$0x19A00] =	vst v63  }
0x84: {  	_ =	swait.ge @!p0 [sflag:s9], $0xFA0  }
0x85: {  	[sflag:s9] =	ssyncset.done @!p0 $0x0  }
0x86: {  	s10 =	sadd.s32 $0x380, s8;
	[sflag:s9] =	ssyncadd.s32 @!p0 $0xFFFFF060  }
0x87: {  	[tilespmem:s1], [sflag:$0x8] =	stream.indirect.gather [hbm4b:s11+s17], $0x20, s10, s17, $0xb8;
	[tilespmem:$0x19A00] =	vst v63  }
0x88: {  	_ =	swait.ge [sflag:s16], $0xFA0  }
0x89: {  	[sflag:s16] =	ssyncset.done $0x0  }
0x8a: {  	s13 =	sadd.s32 $0x5180, s8;
	s9 =	simm.s32 @!p0 $0x13;
	[sflag:s16] =	ssyncadd.s32 $0xFFFFF060  }
0x8b: {  	[spmem:s2] =	stream.indirect.scatter.add.f32 [tilespmem:s24], [sflag:$0xE], $0x20, s13, s17, $0xb8;
	[tilespmem:$0x19A00] =	vst v63  }
0x8c: {  	_ =	swait.ge @!p0 [sflag:s9], $0xFA0  }
0x8d: {  	[sflag:s9] =	ssyncset.done @!p0 $0x0  }
0x8e: {  	s14 =	sadd.s32 $0x400, s8;
	[sflag:s9] =	ssyncadd.s32 @!p0 $0xFFFFF060  }
0x8f: {  	[tilespmem:s19], [sflag:$0x9] =	stream.indirect.gather [hbm4b:s11+s17], $0x20, s14, s17, $0xb8;
	[tilespmem:$0x19A00] =	vst v63  }
0x90: {  	_ =	swait.ge [sflag:s21], $0xFA0  }
0x91: {  	[sflag:s21] =	ssyncset.done $0x0  }
0x92: {  	s3 =	sadd.s32 $0x5200, s8;
	s9 =	simm.s32 @!p0 $0x14;
	[sflag:s21] =	ssyncadd.s32 $0xFFFFF060  }
0x93: {  	[spmem:s2] =	stream.indirect.scatter.add.f32 [tilespmem:s26], [sflag:$0xF], $0x20, s3, s17, $0xb8;
	[tilespmem:$0x19A00] =	vst v63  }
0x94: {  	_ =	swait.ge @!p0 [sflag:s9], $0xFA0  }
0x95: {  	[sflag:s9] =	ssyncset.done @!p0 $0x0  }
0x96: {  	s4 =	sadd.s32 $0x480, s8;
	[sflag:s9] =	ssyncadd.s32 @!p0 $0xFFFFF060  }
0x97: {  	[tilespmem:s23], [sflag:$0xA] =	stream.indirect.gather [hbm4b:s11+s17], $0x20, s4, s17, $0xb8;
	[tilespmem:$0x19A00] =	vst v63  }
0x98: {  	_ =	swait.ge [sflag:s25], $0xFA0  }
0x99: {  	p0 =	seq.s32 s7, $0x12C00;
	[sflag:s25] =	ssyncset.done $0x0  }
0x9a: {  	s10 =	sadd.s32 $0x5280, s8;
	s9 =	simm.s32 @p0 $0x7;
	[sflag:s25] =	ssyncadd.s32 $0xFFFFF060  }
0x9b: {  	[spmem:s2] =	stream.indirect.scatter.add.f32 [tilespmem:s29], [sflag:$0x10], $0x20, s10, s17, $0xb8;
	[tilespmem:$0x19A00] =	vst v63  }
0x9c: {  	_ =	swait.ge @p0 [sflag:s9], $0xFA0  }
0x9d: {  	[sflag:s9] =	ssyncset.done @p0 $0x0  }
0x9e: {  	[sflag:s9] =	ssyncadd.s32 @p0 $0xFFFFF060;
	s9 =	sshra.s32 @p0 s7, $0x2  }
0x9f: {  	s4 =	simm.s32 @p0 $0x7D;
	s13 =	simm.s32 @p0 $0xFDC0;
	s10 =	sadd.s32 @p0 $0x5300, s9  }
0xa0: {  	[spmem:s2] =	stream.indirect.scatter.add.f32 @p0 [tilespmem:s13], [sflag:$0x11], $0x20, s10, s4, $0xb8;
	[tilespmem:$0x19A00] =	vst v63  }
0xa1: {  	s10 =	simm.s32 @!p0 $0xB  }
0xa2: {  	_ =	swait.ge @!p0 [sflag:s10], $0xFA0  }
0xa3: {  	[sflag:s10] =	ssyncset.done @!p0 $0x0  }
0xa4: {  	[sflag:s10] =	ssyncadd.s32 @!p0 $0xFFFFF060;
	s10 =	sshra.s32 @!p0 s7, $0x2  }
0xa5: {  	s14 =	simm.s32 @!p0 $0x7D;
	s3 =	simm.s32 @!p0 $0xA000;
	s13 =	sadd.s32 @!p0 $0x500, s10  }
0xa6: {  	[tilespmem:s3], [sflag:$0x1] =	stream.indirect.gather @!p0 [hbm4b:s11+s14], $0x20, s13, s14, $0xb8;
	[tilespmem:$0x19A00] =	vst v63  }
0xa7: {  	s3 =	simm.s32 @!p0 $0x7  }
0xa8: {  	_ =	swait.ge @!p0 [sflag:s3], $0xFA0  }
0xa9: {  	[sflag:s3] =	ssyncset.done @!p0 $0x0  }
0xaa: {  	s13 =	simm.s32 @!p0 $0xFDC0;
	[sflag:s3] =	ssyncadd.s32 @!p0 $0xFFFFF060;
	s3 =	sadd.s32 @!p0 $0x5300, s10  }
0xab: {  	[spmem:s2] =	stream.indirect.scatter.add.f32 @!p0 [tilespmem:s13], [sflag:$0x11], $0x20, s3, s14, $0xb8;
	[tilespmem:$0x19A00] =	vst v63  }
0xac: {  	s3 =	simm.s32 @!p0 $0xC  }
0xad: {  	_ =	swait.ge @!p0 [sflag:s3], $0xFA0  }
0xae: {  	[sflag:s3] =	ssyncset.done @!p0 $0x0  }
0xaf: {  	s13 =	simm.s32 @!p0 $0xAFA0;
	[sflag:s3] =	ssyncadd.s32 @!p0 $0xFFFFF060;
	s3 =	sadd.s32 @!p0 $0x580, s10  }
0xb0: {  	[tilespmem:s13], [sflag:$0x2] =	stream.indirect.gather @!p0 [hbm4b:s11+s14], $0x20, s3, s14, $0xb8;
	[tilespmem:$0x19A00] =	vst v63  }
0xb1: {  	_ =	swait.ge [sflag:s5], $0xFA0  }
0xb2: {  	[sflag:s5] =	ssyncset.done $0x0  }
0xb3: {  	s13 =	sadd.s32 $0x5380, s8;
	s3 =	simm.s32 @p0 $0x9;
	[sflag:s5] =	ssyncadd.s32 $0xFFFFF060  }
0xb4: {  	[spmem:s2] =	stream.indirect.scatter.add.f32 [tilespmem:s1], [sflag:$0x12], $0x20, s13, s17, $0xb8;
	[tilespmem:$0x19A00] =	vst v63  }
0xb5: {  	_ =	swait.ge @p0 [sflag:s3], $0xFA0  }
0xb6: {  	[sflag:s3] =	ssyncset.done @p0 $0x0  }
0xb7: {  	[sflag:s3] =	ssyncadd.s32 @p0 $0xFFFFF060;
	s3 =	sadd.s32 @p0 $0x5400, s9;
	s9 =	simm.s32 @p0 $0x11D00  }
0xb8: {  	[spmem:s2] =	stream.indirect.scatter.add.f32 @p0 [tilespmem:s9], [sflag:$0x13], $0x20, s3, s4, $0xb8;
	[tilespmem:$0x19A00] =	vst v63  }
0xb9: {  	s3 =	simm.s32 @!p0 $0xD  }
0xba: {  	_ =	swait.ge @!p0 [sflag:s3], $0xFA0  }
0xbb: {  	[sflag:s3] =	ssyncset.done @!p0 $0x0  }
0xbc: {  	s4 =	simm.s32 @!p0 $0xBF40;
	[sflag:s3] =	ssyncadd.s32 @!p0 $0xFFFFF060;
	s3 =	sadd.s32 @!p0 $0x600, s10  }
0xbd: {  	[tilespmem:s4], [sflag:$0x3] =	stream.indirect.gather @!p0 [hbm4b:s11+s14], $0x20, s3, s14, $0xb8;
	[tilespmem:$0x19A00] =	vst v63  }
0xbe: {  	s3 =	simm.s32 @!p0 $0x9  }
0xbf: {  	_ =	swait.ge @!p0 [sflag:s3], $0xFA0  }
0xc0: {  	[sflag:s3] =	ssyncset.done @!p0 $0x0  }
0xc1: {  	s4 =	simm.s32 @!p0 $0x11D00;
	[sflag:s3] =	ssyncadd.s32 @!p0 $0xFFFFF060;
	s3 =	sadd.s32 @!p0 $0x5400, s10  }
0xc2: {  	[spmem:s2] =	stream.indirect.scatter.add.f32 @!p0 [tilespmem:s4], [sflag:$0x13], $0x20, s3, s14, $0xb8;
	[tilespmem:$0x19A00] =	vst v63  }
0xc3: {  	s3 =	simm.s32 @!p0 $0xE  }
0xc4: {  	_ =	swait.ge @!p0 [sflag:s3], $0xFA0  }
0xc5: {  	[sflag:s3] =	ssyncset.done @!p0 $0x0  }
0xc6: {  	s4 =	simm.s32 @!p0 $0xCEE0;
	[sflag:s3] =	ssyncadd.s32 @!p0 $0xFFFFF060;
	s3 =	sadd.s32 @!p0 $0x680, s10  }
0xc7: {  	[tilespmem:s4], [sflag:$0x4] =	stream.indirect.gather @!p0 [hbm4b:s11+s14], $0x20, s3, s14, $0xb8;
	[tilespmem:$0x19A00] =	vst v63  }
.Ltmp3:
0xc8: {  	_ = 	snop;
	(pc) =	sbr.rel @p0 .LBB2_6-.Ltmp3, $4  }
0xc9: {  	_ =	swait.ge [sflag:s6], $0xFA0  }
0xca: {  	[sflag:s6] =	ssyncset.done $0x0  }
0xcb: {  	s14 =	sadd.s32 $0x5480, s8;
	[sflag:s6] =	ssyncadd.s32 $0xFFFFF060  }
0xcc: {  	[spmem:s2] =	stream.indirect.scatter.add.f32 [tilespmem:s23], [sflag:$0x14], $0x20, s14, s17, $0xb8;
	[tilespmem:$0x19A00] =	vst v63  }
.Ltmp4:
0xcd: {  	(pc) =	sbr.rel .LBB2_4-.Ltmp4, $4  }
0xce: {  	_ =	swait.ge [sflag:s12], $0xFA0  }
0xcf: {  	[sflag:s12] =	ssyncset.done $0x0  }
0xd0: {  	s3 =	sadd.s32 $0x700, s8;
	s7 =	sadd.s32 $0x1400, s7;
	[sflag:s12] =	ssyncadd.s32 $0xFFFFF060  }
0xd1: {  	[tilespmem:s26], [sflag:$0x5] =	stream.indirect.gather [hbm4b:s11+s17], $0x20, s3, s17, $0xb8;
	[tilespmem:$0x19A00] =	vst v63  }
.LBB2_7:
0xd2: {  	_ =	sfence.sel $0x180000  }
0xd3: {  	[bflag:$0x0] =	sbarrier.arrive $0xFFFF  }
0xd4: {  	_ =	strace $0x9000004D  }
0xd5: {  	s0 =	stileid.u32;
	[bflag:$0x2] =	sbarrier.arrive $0xFFFF  }
0xd6: {  	p0 =	sne.s32 s0, $0x0;
	s0 =	rddreg [dreg:$0x3]  }
0xd7: {  	s0 =	sadd.s32 @!p0 $0x100000, s0  }
0xd8: {  	[sflag:s0] =	ssyncadd.tile.s32 @!p0 $0x1;
	_ =	shalt  }
.Lfunc_end2:
_tile_overlayer_lowered:
.L_overlay_start_2:
0xd9: {  	(tag) =	ssettag $0x2  }
0xda: {  	s0 =	rddreg [dreg:$0x0];
	s2 =	stileid.u32  }
0xdb: {  	s1 =	rddreg [dreg:$0x1];
	p0 =	sne.s32 s2, $0x0  }
0xdc: {  	s3 =	rddreg [dreg:$0x2];
	[bflag:$0x3] =	sbarrier.arrive $0xFFFF;
	s2 =	simm.s32 @!p0 $0x1C15  }
0xdd: {  	[timem:s3], [sflag:s2] =	dma.local @!p0 [hbm:s0], s1  }
0xde: {  	s0 =	simm.s32 @!p0 $0x15  }
0xdf: {  	_ =	swait.ge @!p0 [sflag:s0], s1  }
0xe0: {  	s1 =	ssub.s32 @!p0 $0x0, s1;
	[sflag:s0] =	ssyncset.done @!p0 $0x0  }
0xe1: {  	[sflag:s0] =	ssyncadd.s32 @!p0 s1  }
0xe2: {  	[bflag:$0x3] =	sbarrier.arrive $0xFFFF  }
0xe3: {  	_ =	shalt  }

// kernel: kernel.8.cloned.1.call-start
scs
__scs_entry_jumppad:
0x0: {  	(pc) =	sbr.rel $0x88, $3  }
0x1: {  	(tag) =	ssettag $0x0;
	lr =	simm.s32 $0x1  }
0x2: {  	[smem:$0x3F9B] =	sst lr;
	_ =	strace $0xD0000000  }
0x3: {  	_ = 	snop  }
0x4: {  	_ = 	snop  }
0x5: {  	_ = 	snop  }
0x6: {  	_ = 	snop  }
0x7: {  	_ = 	snop  }
__scs_overlays_trampoline_lowered:
0x8: {  	[smem:$0x3FAA] =	sst s0  }
0x9: {  	[smem:$0x3FAB] =	sst s1  }
0xa: {  	[smem:$0x3FAC] =	sst s2  }
0xb: {  	[smem:$0x3FAD] =	sst s3  }
0xc: {  	[smem:$0x3FAE] =	sst s4  }
0xd: {  	[smem:$0x3FAF] =	sst s5  }
0xe: {  	[smem:$0x3FB0] =	sst s6  }
0xf: {  	[smem:$0x3FB1] =	sst s7  }
0x10: {  	[smem:$0x3FB2] =	sst s8  }
0x11: {  	[smem:$0x3FB3] =	sst s9;
	s0 =	simm.s32 @!p0 $0x0  }
0x12: {  	s1 =	sld [smem:$0x3F99];
	s0 =	simm.s32 @p0 $0x1  }
0x13: {  	[smem:$0x3FB4] =	sst s0;
	s0 =	simm.s32 @!p1 $0x0  }
0x14: {  	s2 =	sld [smem:$0x3F98];
	s0 =	simm.s32 @p1 $0x1  }
0x15: {  	[smem:$0x3FB5] =	sst s0;
	s0 =	simm.s32 @!p2 $0x0  }
0x16: {  	s3 =	sld [smem:$0x3FDB];
	s0 =	simm.s32 @p2 $0x1  }
0x17: {  	s4 =	simm.s32 $0x1BF5;
	[smem:$0x3FB7] =	sst s0  }
0x18: {  	s0 =	sld [smem:$0x3F9A];
	_ =	swait.ge [sflag:s4], $0x0  }
0x19: {  	s7 =	sld [smem:$0x3F9B]  }
0x1a: {  	s8 =	sadd.s32 $0xFFFFE003, lr  }
0x1b: {  	s9 =	sadd.s32 $0xFFFFFEF7, lr;
	s5 =	simm.s32 $0xFFFFFFFF;
	p2 =	slt.u32 s8, $0xFFFFF086  }
0x1c: {  	p1 =	slt.u32 s9, $0xF7A;
	s5 =	simm.s32 @!p2 $0x0  }
0x1d: {  	s5 =	simm.s32 @p1 $0x1;
	p0 =	seq.s32 s7, s2  }
0x1e: {  	s7 =	smul.u32 @!p0 $0xF7A, s2;
	p2 =	seq.s32 @!p0 s5, $0x0  }
0x1f: {  	s9 =	smul.u32 $0xF7A, s1;
	s8 =	simm.s32 @!p0 $0x1BF5;
	p2 =	por !p2, p0  }
0x20: {  	[sflag:s8] =	ssyncset.s32 @!p0 $0xFFFFF086;
	s6 =	sadd.s32 @!p0 s3, s7;
	s7 =	simm.s32 @!p0 $0x108  }
0x21: {  	s3 =	sadd.s32 s3, s9;
	s6 =	sadd.s32 @!p0 $0x88, s6;
	s7 =	simm.s32 @p2 $0x1082  }
0x22: {  	[simem:s7], [sflag:s8] =	dma.local @!p0 [hbm:s6], $0xF7A  }
0x23: {  	s9 =	sor.u32 $0xD0000000, s2;
	s6 =	simm.s32 $0x108;
	_ =	swait.ge @!p0 [sflag:s8], $0x0  }
0x24: {  	s3 =	sadd.s32 $0x88, s3;
	s6 =	simm.s32 @!p1 $0x1082;
	[sflag:s4] =	ssyncset.s32 $0xFFFFF086  }
0x25: {  	[simem:s6], [sflag:s4] =	dma.local [hbm:s3], $0xF7A  }
0x26: {  	[smem:$0x3F9B] =	sst s1;
	(tag) =	ssettag s2;
	_ =	strace s9  }
0x27: {  	s1 =	sld [smem:$0x3FAB]  }
0x28: {  	s2 =	sld [smem:$0x3FAC]  }
0x29: {  	s4 =	sld [smem:$0x3FAE]  }
0x2a: {  	p0 =	seq.s32 s5, $0x0;
	s5 =	sld [smem:$0x3FAF]  }
0x2b: {  	s6 =	sld [smem:$0x3FB0]  }
0x2c: {  	s7 =	sld [smem:$0x3FB1]  }
0x2d: {  	s3 =	simm.s32 $0x108;
	s8 =	sld [smem:$0x3FB2]  }
0x2e: {  	s3 =	simm.s32 @!p0 $0x1082;
	s9 =	sld [smem:$0x3FB3]  }
0x2f: {  	lr =	sadd.s32 s0, s3;
	s0 =	sld [smem:$0x3FAA]  }
0x30: {  	s3 =	sld [smem:$0x3FAD]  }
0x31: {  	[smem:$0x3FB6] =	sst s10  }
0x32: {  	s10 =	sld [smem:$0x3FB4];
	_ =	sdelay $0x3  }
0x33: {  	p0 =	seq.s32 s10, $0x1;
	s10 =	sld [smem:$0x3FB6];
	_ =	sdelay $0x3  }
0x34: {  	[smem:$0x3FB6] =	sst s10  }
0x35: {  	s10 =	sld [smem:$0x3FB5];
	_ =	sdelay $0x3  }
0x36: {  	p1 =	seq.s32 s10, $0x1;
	s10 =	sld [smem:$0x3FB6];
	_ =	sdelay $0x3  }
0x37: {  	[smem:$0x3FB6] =	sst s10  }
0x38: {  	s10 =	sld [smem:$0x3FB7]  }
0x39: {  	_ = 	snop;
	(pc) =	sbr.ind lr, $3  }
0x3a: {  	_ = 	snop  }
0x3b: {  	_ = 	snop  }
0x3c: {  	p2 =	seq.s32 s10, $0x1;
	s10 =	sld [smem:$0x3FB6]  }
0x3d: {  	_ =	shalt  }
0x3e: {  	_ =	shalt  }
0x3f: {  	_ =	shalt  }
0x40: {  	_ =	shalt  }
0x41: {  	_ =	shalt  }
0x42: {  	_ =	shalt  }
0x43: {  	_ =	shalt  }
0x44: {  	_ =	shalt  }
0x45: {  	_ =	shalt  }
0x46: {  	_ =	shalt  }
0x47: {  	_ =	shalt  }
0x48: {  	_ =	shalt  }
0x49: {  	_ =	shalt  }
0x4a: {  	_ =	shalt  }
0x4b: {  	_ =	shalt  }
0x4c: {  	_ =	shalt  }
0x4d: {  	_ =	shalt  }
0x4e: {  	_ =	shalt  }
0x4f: {  	_ =	shalt  }
0x50: {  	_ =	shalt  }
0x51: {  	_ =	shalt  }
0x52: {  	_ =	shalt  }
0x53: {  	_ =	shalt  }
0x54: {  	_ =	shalt  }
0x55: {  	_ =	shalt  }
0x56: {  	_ =	shalt  }
0x57: {  	_ =	shalt  }
0x58: {  	_ =	shalt  }
0x59: {  	_ =	shalt  }
0x5a: {  	_ =	shalt  }
0x5b: {  	_ =	shalt  }
0x5c: {  	_ =	shalt  }
0x5d: {  	_ =	shalt  }
0x5e: {  	_ =	shalt  }
0x5f: {  	_ =	shalt  }
0x60: {  	_ =	shalt  }
0x61: {  	_ =	shalt  }
0x62: {  	_ =	shalt  }
0x63: {  	_ =	shalt  }
0x64: {  	_ =	shalt  }
0x65: {  	_ =	shalt  }
0x66: {  	_ =	shalt  }
0x67: {  	_ =	shalt  }
0x68: {  	_ =	shalt  }
0x69: {  	_ =	shalt  }
0x6a: {  	_ =	shalt  }
0x6b: {  	_ =	shalt  }
0x6c: {  	_ =	shalt  }
0x6d: {  	_ =	shalt  }
0x6e: {  	_ =	shalt  }
0x6f: {  	_ =	shalt  }
0x70: {  	_ =	shalt  }
0x71: {  	_ =	shalt  }
0x72: {  	_ =	shalt  }
0x73: {  	_ =	shalt  }
0x74: {  	_ =	shalt  }
0x75: {  	_ =	shalt  }
0x76: {  	_ =	shalt  }
0x77: {  	_ =	shalt  }
0x78: {  	_ =	shalt  }
0x79: {  	_ =	shalt  }
0x7a: {  	_ =	shalt  }
0x7b: {  	_ =	shalt  }
0x7c: {  	_ =	shalt  }
0x7d: {  	_ =	shalt  }
0x7e: {  	_ =	shalt  }
0x7f: {  	_ =	shalt  }
0x80: {  	_ =	shalt  }
0x81: {  	_ =	shalt  }
0x82: {  	_ =	shalt  }
0x83: {  	_ =	shalt  }
0x84: {  	_ =	shalt  }
0x85: {  	_ =	shalt  }
0x86: {  	_ =	shalt  }
0x87: {  	_ =	shalt  }
.Lfunc_end0:
.L_simem_size_0:
called_computation_lowered:
.L_overlay_start_0:
0x88: {  	s0 =	sld [smem:$0x3FD9]  }
0x89: {  	s1 =	sld [smem:$0x3FFE];
	_ =	sdelay $0x3  }
0x8a: {  	s0 =	sadd.s32 s1, s0  }
0x8b: {  	[smem:$0x3FC2] =	sst s0  }
0x8c: {  	_ = 	snop  }
0x8d: {  	s0 =	sld [smem:$0x3FD0];
	(tm) =	ssettm $0x1  }
0x8e: {  	s16 =	sld [smem:$0x3FFB];
	_ =	sdelay $0x3  }
0x8f: {  	_ =	strace s16  }
0x90: {  	s1 =	sld [smem:$0x3FFC];
	_ =	sdelay $0x3  }
0x91: {  	_ =	strace s1  }
0x92: {  	s1 =	sld [smem:$0x3FFD];
	_ =	sdelay $0x3  }
0x93: {  	_ =	strace s1  }
0x94: {  	_ =	strace $0x8FFFFFFF  }
0x95: {  	s17 =	sld [smem:$0x3FDB];
	_ =	sdelay $0x1  }
0x96: {  	s2 =	simm.s32 $_scs_section_size  }
0x97: {  	s3 =	simm.s32 $_size__tile_overlayer_lowered;
	s4 =	simm.s32 $_tile_overlayer_lowered  }
0x98: {  	s20 =	simm.s32 $0x1BFF;
	s19 =	sshll.u32 s4, $0x1;
	s1 =	sadd.s32 s2, s17  }
0x99: {  	s5 =	simm.s32 $0x0;
	s18 =	sshll.u32 s3, $0x1;
	s3 =	sadd.s32 s19, s1  }
0x9a: {  	[timem:s5], [sflag:s20] =	dma.local [hbm:s3], s18  }
0x9b: {  	_ =	swait.ge [sflag:s20], s18  }
0x9c: {  	s2 =	ssub.s32 $0x0, s18;
	[sflag:s20] =	ssyncset.done $0x0  }
0x9d: {  	[sflag:s20] =	ssyncadd.s32 s2;
	_ =	sdelay $0x1  }
0x9e: {  	s21 =	simm.s32 $0x1B8B  }
0x9f: {  	_ =	swait.ge [sflag:s21], $0x1  }
0xa0: {  	[sflag:s21] =	ssyncset.done $0x0  }
0xa1: {  	s23 =	simm.s32 $0x1B8E;
	s22 =	sld [smem:$0x3FFE];
	[sflag:s21] =	ssyncadd.s32 $0xFFFFFFFF  }
0xa2: {  	s24 =	simm.s32 $execute0_lowered;
	[smem:$0x3FD2] =	sst s23  }
0xa3: {  	s3 =	sshll.u32 s24, $0x1;
	_ =	strace $0x80000046;
	[dreg:$0x1] =	wrdreg $0xFFFFFFFF  }
0xa4: {  	s25 =	simm.s32 $_size_execute0_lowered;
	s1 =	sadd.s32 s1, s3;
	[dreg:$0x0] =	wrdreg $0x0  }
0xa5: {  	s3 =	sshll.u32 s25, $0x1;
	[dreg:$0x2] =	wrdreg s1  }
0xa6: {  	[dreg:$0x3] =	wrdreg s3  }
0xa7: {  	[dreg:$0x4] =	wrdreg $0xC0  }
0xa8: {  	_ =	task [dreg:s5], $0x5FFFF  }
0xa9: {  	[dreg:$0x1] =	wrdreg $0xFFFFFFFF  }
0xaa: {  	[dreg:$0x0] =	wrdreg $0x60  }
0xab: {  	[dreg:$0x2] =	wrdreg s22  }
0xac: {  	[dreg:$0x3] =	wrdreg s0  }
0xad: {  	[dreg:$0x4] =	wrdreg $0x5FA00  }
0xae: {  	[dreg:$0x5] =	wrdreg $0x9  }
0xaf: {  	_ =	task.clear_ibuf [dreg:s5], $0x6FFFF;
	_ =	strace $0x90000046  }
0xb0: {  	s26 =	simm.s32 $0x9;
	_ =	strace $0x80000048  }
0xb1: {  	_ =	swait.ge [sflag:s26], $0x1  }
0xb2: {  	[sflag:s26] =	ssyncadd.s32 $0xFFFFFFFF  }
0xb3: {  	_ =	strace $0x90000048  }
0xb4: {  	_ =	sfence  }
0xb5: {  	s28 =	sld [smem:$0x0];
	_ =	sdelay $0x1  }
0xb6: {  	s29 =	srdreg.scid  }
0xb7: {  	s30 =	sshll.u32 s29, $0xD;
	s31 =	sshrl.u32 s29, $0x2  }
0xb8: {  	s2 =	sand.u32 $0x4000, s30;
	s1 =	sand.u32 $0x1, s29;
	s0 =	sadd.s32 s31, s28  }
0xb9: {  	s1 =	sor.u32 s2, s1;
	s0 =	sshll.u32 s0, $0x11  }
0xba: {  	s0 =	sor.u32 s0, s1  }
0xbb: {  	s0 =	sadd.s32 $0x8F2B, s0  }
0xbc: {  	[sflag:s0] =	ssyncadd.remote.s32 $0x1  }
0xbd: {  	_ =	sfence.sel $0xFFFF  }
0xbe: {  	[dreg:$0x0] =	wrdreg $0xFFFFFFFF;
	(pc) =	sbr.abs _section_cstart, $3  }
0xbf: {  	[dreg:$0x1] =	wrdreg $0xFFFFFFFF  }
0xc0: {  	_ =	task.clear_ibuf [dreg:s5], $0x2FFFF;
	_ =	strace $0x9FFFFFFF  }
0xc1: {  	(tm) =	ssettm $0x7FFFFFFF  }
tec
execute0_lowered:
.L_overlay_start_1:
0x0: {  	(tag) =	ssettag $0x1  }
0x1: {  	s1 =	rddreg [dreg:$0x0]  }
0x2: {  	s2 =	rddreg [dreg:$0x1]  }
0x3: {  	s5 =	rddreg [dreg:$0x2]  }
0x4: {  	s0 =	rddreg [dreg:$0x3];
	s3 =	simm.s32 $0x0  }
0x5: {  	s7 =	simm.s32 $0x0;
	[smem:$0x7FF] =	sst s3;
	s6 =	sadd.s32 $0x1A00, s1  }
0x6: {  	v0 =	vimm.f32 $1.000000000e+00;
	v1 =	vimm.f32 $0.0e+00;
	s1 =	stileid.u32;
	s3 =	simm.s32 $0x40;
	_ =	strace $0x80000047  }
.LBB2_1:
0x7: {  	p0 =	sne.s32 s3, $0x1F00;
	[tilespmem:s7+$0x5000] =	vst v0;
	s4 =	smov.u32 s3;
	s3 =	sadd.s32 $0x40, s3  }
.Ltmp0:
0x8: {  	[tilespmem:s7+$0x57D0] =	vst v1;
	(pc) =	sbr.rel @p0 .LBB2_1-.Ltmp0, $2  }
0x9: {  	_ =	sdelay $0x2  }
0xa: {  	s7 =	sshra.s32 s4, $0x2  }
0xb: {  	s4 =	smul.u32 $0x2710, s1  }
0xc: {  	[tilespmem:s7+$0x5000] =	vst v0;
	s28 =	smul.u32 $0x9C40, s1  }
0xd: {  	[tilespmem:s7+$0x57D0] =	vst v1;
	s8 =	simm.s32 $0x57D0;
	s9 =	simm.s32 $0x2;
	s3 =	sadd.s32 s4, s5  }
0xe: {  	[spmem:s3] =	stream.linear.scatter [tilespmem:s8], [sflag:$0x2], $0x7D0, $0x38;
	[tilespmem:$0x86B0] =	vst v63  }
0xf: {  	s7 =	sshrl.u32 s28, $0x2;
	_ =	swait.ge [sflag:s9], $0x7D0  }
0x10: {  	s7 =	sadd.s32 s7, s5;
	[sflag:s9] =	ssyncset.done $0x0  }
0x11: {  	s10 =	sadd.s32 $0x7D0, s7;
	[sflag:s9] =	ssyncadd.s32 $0xFFFFF830  }
0x12: {  	[spmem:s10] =	stream.linear.scatter [tilespmem:s8], [sflag:$0x2], $0x7D0, $0x38;
	[tilespmem:$0x86B0] =	vst v63  }
0x13: {  	_ =	swait.ge [sflag:s9], $0x7D0  }
0x14: {  	[sflag:s9] =	ssyncset.done $0x0  }
0x15: {  	s29 =	sadd.s32 $0xFA0, s7;
	[sflag:s9] =	ssyncadd.s32 $0xFFFFF830  }
0x16: {  	[spmem:s29] =	stream.linear.scatter [tilespmem:s8], [sflag:$0x2], $0x7D0, $0x38;
	[tilespmem:$0x86B0] =	vst v63  }
0x17: {  	_ =	swait.ge [sflag:s9], $0x7D0  }
0x18: {  	[sflag:s9] =	ssyncset.done $0x0  }
0x19: {  	s30 =	sadd.s32 $0x1770, s7;
	[sflag:s9] =	ssyncadd.s32 $0xFFFFF830  }
0x1a: {  	[spmem:s30] =	stream.linear.scatter [tilespmem:s8], [sflag:$0x2], $0x7D0, $0x38;
	[tilespmem:$0x86B0] =	vst v63  }
0x1b: {  	_ =	swait.ge [sflag:s9], $0x7D0  }
0x1c: {  	[sflag:s9] =	ssyncset.done $0x0  }
0x1d: {  	s7 =	sadd.s32 $0x1F40, s7;
	[sflag:s9] =	ssyncadd.s32 $0xFFFFF830  }
0x1e: {  	[spmem:s7] =	stream.linear.scatter [tilespmem:s8], [sflag:$0x2], $0x7D0, $0x38;
	[tilespmem:$0x86B0] =	vst v63  }
0x1f: {  	s31 =	smul.u32 $0xA00, s1;
	_ =	swait.ge [sflag:s9], $0x7D0  }
0x20: {  	[sflag:s9] =	ssyncset.done $0x0  }
0x21: {  	s7 =	sadd.s32 s6, s31;
	s6 =	simm.s32 $0x0;
	[sflag:s9] =	ssyncadd.s32 $0xFFFFF830  }
0x22: {  	[tilespmem:s6], [sflag:$0x2] =	stream.linear.gather [hbm4b:s7+s6], $0x5000, $0x38;
	[tilespmem:$0x86B0] =	vst v63  }
0x23: {  	_ =	swait.ge [sflag:s9], $0x5000  }
0x24: {  	[sflag:s9] =	ssyncset.done $0x0  }
0x25: {  	p0 =	por $0x1, $0x1;
	[sflag:s9] =	ssyncadd.s32 $0xFFFFB000  }
0x26: {  	s10 =	simm.s32 @!p0 $0x1;
	[bflag:$0x0] =	sbarrier.arrive $0xFFFF  }
0x27: {  	_ =	swait.ge @!p0 [sflag:s10], $0x7D0  }
0x28: {  	s8 =	simm.s32 $0x5000;
	s7 =	simm.s32 $0x7D;
	[sflag:s10] =	ssyncset.done @!p0 $0x0  }
0x29: {  	s9 =	simm.s32 $0x1;
	[sflag:s10] =	ssyncadd.s32 @!p0 $0xFFFFF830;
	s10 =	simm.s32 $0x80  }
.LBB2_3:
0x2a: {  	[spmem:s5] =	stream.indirect.scatter.add.f32 [tilespmem:s8], [sflag:$0x1], $0x10, s6, s7, $0xb8;
	[tilespmem:$0x86B0] =	vst v63  }
0x2b: {  	p0 =	slt.u32 s9, $0x10;
	s9 =	sadd.s32 $0x1, s9  }
0x2c: {  	p1 =	sne.s32 s9, $0xA0  }
.Ltmp1:
0x2d: {  	(pc) =	sbr.rel @p1 .LBB2_3-.Ltmp1, $4  }
0x2e: {  	s6 =	smov.u32 s10;
	s11 =	simm.s32 @!p0 $0x1  }
0x2f: {  	_ =	swait.ge @!p0 [sflag:s11], $0x7D0  }
0x30: {  	[sflag:s11] =	ssyncset.done @!p0 $0x0  }
0x31: {  	s10 =	sadd.s32 $0x80, s10;
	[sflag:s11] =	ssyncadd.s32 @!p0 $0xFFFFF830  }
0x32: {  	[spmem:s5] =	stream.indirect.scatter.add.f32 [tilespmem:s8], [sflag:$0x1], $0x10, s6, s7, $0xb8;
	[tilespmem:$0x86B0] =	vst v63  }
0x33: {  	s29 =	simm.s32 $0x1  }
0x34: {  	_ =	swait.ge [sflag:s29], $0x7D0  }
0x35: {  	[sflag:s29] =	ssyncset.done $0x0  }
0x36: {  	[sflag:s29] =	ssyncadd.s32 $0xFFFFF830  }
0x37: {  	_ =	swait.ge [sflag:s29], $0x7D0  }
0x38: {  	[sflag:s29] =	ssyncset.done $0x0  }
0x39: {  	[sflag:s29] =	ssyncadd.s32 $0xFFFFF830  }
0x3a: {  	_ =	swait.ge [sflag:s29], $0x7D0  }
0x3b: {  	[sflag:s29] =	ssyncset.done $0x0  }
0x3c: {  	[sflag:s29] =	ssyncadd.s32 $0xFFFFF830  }
0x3d: {  	_ =	swait.ge [sflag:s29], $0x7D0  }
0x3e: {  	[sflag:s29] =	ssyncset.done $0x0  }
0x3f: {  	[sflag:s29] =	ssyncadd.s32 $0xFFFFF830  }
0x40: {  	_ =	swait.ge [sflag:s29], $0x7D0  }
0x41: {  	[sflag:s29] =	ssyncset.done $0x0  }
0x42: {  	[sflag:s29] =	ssyncadd.s32 $0xFFFFF830  }
0x43: {  	_ =	swait.ge [sflag:s29], $0x7D0  }
0x44: {  	[sflag:s29] =	ssyncset.done $0x0  }
0x45: {  	[sflag:s29] =	ssyncadd.s32 $0xFFFFF830  }
0x46: {  	_ =	swait.ge [sflag:s29], $0x7D0  }
0x47: {  	[sflag:s29] =	ssyncset.done $0x0  }
0x48: {  	[sflag:s29] =	ssyncadd.s32 $0xFFFFF830  }
0x49: {  	_ =	swait.ge [sflag:s29], $0x7D0  }
0x4a: {  	[sflag:s29] =	ssyncset.done $0x0  }
0x4b: {  	[sflag:s29] =	ssyncadd.s32 $0xFFFFF830  }
0x4c: {  	_ =	swait.ge [sflag:s29], $0x7D0  }
0x4d: {  	[sflag:s29] =	ssyncset.done $0x0  }
0x4e: {  	[sflag:s29] =	ssyncadd.s32 $0xFFFFF830  }
0x4f: {  	_ =	swait.ge [sflag:s29], $0x7D0  }
0x50: {  	[sflag:s29] =	ssyncset.done $0x0  }
0x51: {  	[sflag:s29] =	ssyncadd.s32 $0xFFFFF830  }
0x52: {  	_ =	swait.ge [sflag:s29], $0x7D0  }
0x53: {  	[sflag:s29] =	ssyncset.done $0x0  }
0x54: {  	[sflag:s29] =	ssyncadd.s32 $0xFFFFF830  }
0x55: {  	_ =	swait.ge [sflag:s29], $0x7D0  }
0x56: {  	[sflag:s29] =	ssyncset.done $0x0  }
0x57: {  	[sflag:s29] =	ssyncadd.s32 $0xFFFFF830  }
0x58: {  	_ =	swait.ge [sflag:s29], $0x7D0  }
0x59: {  	[sflag:s29] =	ssyncset.done $0x0  }
0x5a: {  	[sflag:s29] =	ssyncadd.s32 $0xFFFFF830  }
0x5b: {  	_ =	swait.ge [sflag:s29], $0x7D0  }
0x5c: {  	[sflag:s29] =	ssyncset.done $0x0  }
0x5d: {  	[sflag:s29] =	ssyncadd.s32 $0xFFFFF830  }
0x5e: {  	_ =	swait.ge [sflag:s29], $0x7D0  }
0x5f: {  	[sflag:s29] =	ssyncset.done $0x0  }
0x60: {  	[sflag:s29] =	ssyncadd.s32 $0xFFFFF830  }
0x61: {  	_ =	swait.ge [sflag:s29], $0x7D0  }
0x62: {  	s4 =	sshrl.u32 s4, $0x3;
	s30 =	sshll.u32 s1, $0x6;
	[sflag:s29] =	ssyncset.done $0x0  }
0x63: {  	s3 =	sshrl.u32 s3, $0x3;
	s31 =	simm.s32 $0x2;
	[sflag:s29] =	ssyncadd.s32 $0xFFFFF830  }
0x64: {  	s2 =	sadd.s32 s2, s4;
	s4 =	sor.u32 $0x1C02, s30;
	[bflag:$0x0] =	sbarrier.arrive $0xFFFF  }
0x65: {  	[hbm:s2], [sflag:s4] =	dma.local [spmem:s3], $0x4E2  }
0x66: {  	_ =	swait.ge [sflag:s31], $0x4E2  }
0x67: {  	[sflag:s31] =	ssyncset.done $0x0  }
0x68: {  	[sflag:s31] =	ssyncadd.s32 $0xFFFFFB1E  }
0x69: {  	_ =	sfence.sel $0x180000  }
0x6a: {  	[bflag:$0x0] =	sbarrier.arrive $0xFFFF  }
0x6b: {  	p0 =	sne.s32 s1, $0x0;
	_ =	strace $0x90000047  }
0x6c: {  	s0 =	sadd.s32 @!p0 $0x100000, s0;
	[bflag:$0x2] =	sbarrier.arrive $0xFFFF  }
0x6d: {  	[sflag:s0] =	ssyncadd.tile.s32 @!p0 $0x1;
	_ =	shalt  }
.Lfunc_end2:
_tile_overlayer_lowered:
.L_overlay_start_2:
0x6e: {  	(tag) =	ssettag $0x2  }
0x6f: {  	s0 =	rddreg [dreg:$0x0];
	s2 =	stileid.u32  }
0x70: {  	s1 =	rddreg [dreg:$0x1];
	p0 =	sne.s32 s2, $0x0  }
0x71: {  	s3 =	rddreg [dreg:$0x2];
	[bflag:$0x3] =	sbarrier.arrive $0xFFFF;
	s2 =	simm.s32 @!p0 $0x1C02  }
0x72: {  	[timem:s3], [sflag:s2] =	dma.local @!p0 [hbm:s0], s1  }
0x73: {  	s0 =	simm.s32 @!p0 $0x2  }
0x74: {  	_ =	swait.ge @!p0 [sflag:s0], s1  }
0x75: {  	s1 =	ssub.s32 @!p0 $0x0, s1;
	[sflag:s0] =	ssyncset.done @!p0 $0x0  }
0x76: {  	[sflag:s0] =	ssyncadd.s32 @!p0 s1  }
0x77: {  	[bflag:$0x3] =	sbarrier.arrive $0xFFFF  }
0x78: {  	_ =	shalt  }

</sc_bundles>
